<compile_context>
chip_gen: v7x
topology: tpu7x:2x2x1
jax: 0.10.2.dev20260603
libtpu: 0.0.44.dev20260713+nightly
codegen_flags: <defaults>
</compile_context>

<pallas_src>
import functools

import jax
import jax.numpy as jnp
from jax import lax
from jax.experimental import pallas as pl
from jax.experimental.pallas import tpu as pltpu
from jax.experimental.pallas import tpu_sc as plsc

NUM_HEAD = 4
HEAD_DIM = 64
N_EMBED = 8192
BN = 256

NC = 2
NS = 16
NW = NC * NS
ROWS = 16384 * NUM_HEAD
NSLICE = 8
SROWS = ROWS // NSLICE
B_PER_W = SROWS // NW
CH = 128
NCHUNK = B_PER_W // CH
PADD = 128


def _tc_argmin_body(x_ref, e_ref, ind_ref, find_ref, esq_ref):
    t = pl.program_id(0)

    @pl.when(t == 0)
    def _():
        for h in range(NUM_HEAD):
            e = e_ref[h]
            esq_ref[h] = jnp.sum(e * e, axis=0)

    x = x_ref[...]
    ind_cols = []
    for h in range(NUM_HEAD):
        xh = x[:, h * HEAD_DIM:(h + 1) * HEAD_DIM]
        e = e_ref[h]
        esq = esq_ref[h][None, :]
        xsq = jnp.sum(xh * xh, axis=1, keepdims=True)
        u = jax.lax.dot(xh, e, preferred_element_type=jnp.float32)
        dist = (xsq - 2.0 * u) + esq
        ind_cols.append(jnp.argmax(-dist, axis=1).astype(jnp.int32))
    ind = jnp.stack(ind_cols, axis=1)
    ind_ref[0] = ind
    off = jax.lax.broadcasted_iota(jnp.int32, (BN, NUM_HEAD), 1) * N_EMBED
    find_ref[0] = ind + off


def _sc_gather_body(table_hbm, idx_hbm, out_hbm, idx_all, rows0, rows1, rows2,
                    rows3, sem0, sem1, sem2, sem3, wsem0, wsem1, wsem2, wsem3):
    wid = lax.axis_index("s") * NC + lax.axis_index("c")
    base = wid * B_PER_W
    pltpu.sync_copy(idx_hbm.at[pl.ds(wid * NCHUNK, NCHUNK)], idx_all)

    rows = [rows0, rows1, rows2, rows3]
    gsem = [sem0, sem1, sem2, sem3]
    wsem = [wsem0, wsem1, wsem2, wsem3]
    g_h = [None] * 4
    wb_h = [None] * 4

    def start_gather(c):
        b = c % 4
        if wb_h[b] is not None:
            wb_h[b].wait()
            wb_h[b] = None
        g_h[b] = pltpu.async_copy(table_hbm.at[idx_all.at[c]], rows[b], gsem[b])

    for c in range(min(3, NCHUNK)):
        start_gather(c)
    for c in range(NCHUNK):
        if c + 3 < NCHUNK:
            start_gather(c + 3)
        bi = c % 4
        g_h[bi].wait()
        wb_h[bi] = pltpu.async_copy(
            rows[bi], out_hbm.at[pl.ds(base + c * CH, CH)], wsem[bi])
    for bi in range(4):
        if wb_h[bi] is not None:
            wb_h[bi].wait()


def _make_sc_gather():
    return functools.partial(
        pl.kernel,
        mesh=plsc.VectorSubcoreMesh(core_axis_name="c", subcore_axis_name="s"),
        out_type=jax.ShapeDtypeStruct((SROWS, PADD), jnp.float32),
        scratch_types=[
            pltpu.VMEM((NCHUNK, CH), jnp.int32),
            pltpu.VMEM((CH, PADD), jnp.float32),
            pltpu.VMEM((CH, PADD), jnp.float32),
            pltpu.VMEM((CH, PADD), jnp.float32),
            pltpu.VMEM((CH, PADD), jnp.float32),
            pltpu.SemaphoreType.DMA,
            pltpu.SemaphoreType.DMA,
            pltpu.SemaphoreType.DMA,
            pltpu.SemaphoreType.DMA,
            pltpu.SemaphoreType.DMA,
            pltpu.SemaphoreType.DMA,
            pltpu.SemaphoreType.DMA,
            pltpu.SemaphoreType.DMA,
        ],
    )(_sc_gather_body)


def _tc_l1_body(x_ref, q_ref, dsum_ref):
    dsum_ref[...] = jnp.sum(jnp.abs(x_ref[...] - q_ref[...])).reshape(1, 1, 1)


@jax.jit
def kernel(input, embed):
    b, s, d = input.shape
    n = b * s
    ns = n // NSLICE
    nbs = ns // BN
    x2d = input.reshape(n, d)

    table = embed.transpose(0, 2, 1).reshape(NUM_HEAD * N_EMBED, HEAD_DIM)
    table = jnp.pad(table, ((0, 0), (0, PADD - HEAD_DIM)))

    sc_gather = _make_sc_gather()
    tc_argmin = pl.pallas_call(
        _tc_argmin_body,
        grid=(nbs,),
        in_specs=[
            pl.BlockSpec((BN, d), lambda t: (t, 0)),
            pl.BlockSpec((NUM_HEAD, HEAD_DIM, N_EMBED), lambda t: (0, 0, 0)),
        ],
        out_specs=[
            pl.BlockSpec((1, BN, NUM_HEAD), lambda t: (t, 0, 0)),
            pl.BlockSpec((1, BN, NUM_HEAD), lambda t: (t, 0, 0)),
        ],
        out_shape=[
            jax.ShapeDtypeStruct((nbs, BN, NUM_HEAD), jnp.int32),
            jax.ShapeDtypeStruct((nbs, BN, NUM_HEAD), jnp.int32),
        ],
        scratch_shapes=[pltpu.VMEM((NUM_HEAD, N_EMBED), jnp.float32)],
    )

    nbs_l1 = ns // BN
    tc_l1 = pl.pallas_call(
        _tc_l1_body,
        grid=(nbs_l1,),
        in_specs=[
            pl.BlockSpec((BN, d), lambda t: (t, 0)),
            pl.BlockSpec((BN, d), lambda t: (t, 0)),
        ],
        out_specs=pl.BlockSpec((1, 1, 1), lambda t: (t, 0, 0)),
        out_shape=jax.ShapeDtypeStruct((nbs_l1, 1, 1), jnp.float32),
    )

    ind_slices = []
    q_slices = []
    dsum_slices = []
    for si in range(NSLICE):
        xs = jax.lax.slice_in_dim(x2d, si * ns, (si + 1) * ns, axis=0)
        ind3, find3 = tc_argmin(xs, embed)
        q_flat = sc_gather(table, find3.reshape(NW * NCHUNK, CH))
        qs = q_flat[:, :HEAD_DIM].reshape(ns, d)
        dsum_slices.append(tc_l1(xs, qs))
        ind_slices.append(ind3)
        q_slices.append(qs)

    ind3 = jnp.concatenate(ind_slices, axis=0)
    q2d = jnp.concatenate(q_slices, axis=0)
    dsum = jnp.stack(dsum_slices)

    quantize = q2d.reshape(b, s, d)
    diff = jnp.sum(dsum) / (n * d)
    embed_ind = ind3.reshape(b, s, NUM_HEAD)
    return (quantize, diff, embed_ind)

# --- scband reference (transcript-rebuilt; emitter-appended) ---
"""Pipeline reference for scband-vector-quantizer-ema-multi-head-56813827391973 (READ-ONLY COPY).

The authoritative reference and input builder live on the scoring server;
editing this copy changes nothing except your own understanding.
"""

import jax, jax.numpy as jnp
import numpy as np

NUM_HEAD = 4
HEAD_DIM = 64
N_EMBED = 8192


def setup_inputs(seed: int = 0) -> dict:
    key = jax.random.key(seed)
    k1, k2 = jax.random.split(key)
    x = jax.random.normal(k1, (16, 1024, 256), dtype=jnp.float32)
    # buffer: embed = randn(num_head, head_dim, n_embed) * 10
    embed = jax.random.normal(k2, (NUM_HEAD, HEAD_DIM, N_EMBED), dtype=jnp.float32) * 10.0
    return {"input": x, "embed": embed}


def reference(input, embed):
    b, s, d = input.shape
    num_head = embed.shape[0]
    head_dim = embed.shape[1]
    n_embed = embed.shape[2]
    input_heads = input.reshape(b, s, num_head, head_dim)
    quantize_heads = []
    embed_ind_heads = []
    for h in range(num_head):
        head_input = input_heads[:, :, h, :].reshape(-1, head_dim)
        dist = (jnp.sum(head_input ** 2, axis=1, keepdims=True)
                - 2.0 * head_input @ embed[h]
                + jnp.sum(embed[h] ** 2, axis=0, keepdims=True))
        embed_ind = jnp.argmax(-dist, axis=1)
        # embed_code: F.embedding(embed_id, embed[h].t())
        quantize_h = jnp.take(embed[h].T, embed_ind, axis=0).reshape(b, s, 1, head_dim)
        quantize_heads.append(quantize_h)
        embed_ind_heads.append(embed_ind.reshape(b, s, 1))
    quantize = jnp.concatenate(quantize_heads, axis=2).reshape(b, s, d)
    embed_ind = jnp.concatenate(embed_ind_heads, axis=2)
    # vq_loss_type == 'mae' -> L1 loss against detached quantize
    diff = jnp.mean(jnp.abs(input - jax.lax.stop_gradient(quantize)))
    # straight-through estimator
    quantize_st = input + jax.lax.stop_gradient(quantize - input)
    return (quantize_st, diff, embed_ind)

if __name__ == "__main__":
    import jax
    _d = setup_inputs()
    print(jax.jit(kernel)(*tuple(_d.values())))

</pallas_src>

<mosaic_0001>
#map = affine_map<(d0, d1) -> (0, 0)>
module attributes {stable_mosaic.version = 14 : i64} {
  func.func @_sc_gather_body(%arg0: i32, %arg1: i32, %arg2: memref<32768x128xf32, #tpu.memory_space<hbm>>, %arg3: memref<64x128xi32, #tpu.memory_space<hbm>>, %arg4: memref<8192x128xf32, #tpu.memory_space<hbm>>, %arg5: memref<2x128xi32, #tpu.memory_space<vmem>>, %arg6: memref<128x128xf32, #tpu.memory_space<vmem>>, %arg7: memref<128x128xf32, #tpu.memory_space<vmem>>, %arg8: memref<128x128xf32, #tpu.memory_space<vmem>>, %arg9: memref<128x128xf32, #tpu.memory_space<vmem>>, %arg10: memref<!tpu.dma_semaphore, #tpu.memory_space<semaphore_mem>>, %arg11: memref<!tpu.dma_semaphore, #tpu.memory_space<semaphore_mem>>, %arg12: memref<!tpu.dma_semaphore, #tpu.memory_space<semaphore_mem>>, %arg13: memref<!tpu.dma_semaphore, #tpu.memory_space<semaphore_mem>>, %arg14: memref<!tpu.dma_semaphore, #tpu.memory_space<semaphore_mem>>, %arg15: memref<!tpu.dma_semaphore, #tpu.memory_space<semaphore_mem>>, %arg16: memref<!tpu.dma_semaphore, #tpu.memory_space<semaphore_mem>>, %arg17: memref<!tpu.dma_semaphore, #tpu.memory_space<semaphore_mem>>) attributes {dimension_semantics = [#tpu.dimension_semantics<core_parallel>, #tpu.dimension_semantics<subcore_parallel>], iteration_bounds = array<i64: 2, 16>, scalar_prefetch = 0 : i64, scratch_operands = 13 : i64, tpu.core_type = #tpu.core_type<sc_vector_subcore>, window_params = [{transform_indices = #map}, {transform_indices = #map}, {transform_indices = #map}]} {
    %mul3A = arith.constant 2 : i32
    %mul3A_0 = arith.muli %arg1, %mul3A : i32
    %add3A = arith.addi %mul3A_0, %arg0 : i32
    %mul3A_1 = arith.constant 256 : i32
    %mul3A_2 = arith.muli %add3A, %mul3A_1 : i32
    %mul3A_3 = arith.constant 2 : i32
    %mul3A_4 = arith.muli %add3A, %mul3A_3 : i32
    "tpu.region"() ({
      %run_scoped3A = tpu.sem_alloc : memref<!tpu.dma_semaphore, #tpu.memory_space<semaphore_mem>>
      %dma_start3A_51 = arith.constant 0 : i32
      %dma_start3A_52 = tpu.memref_slice %arg3[%mul3A_4, %dma_start3A_51] : memref<64x128xi32, #tpu.memory_space<hbm>> -> memref<2x128xi32, #tpu.memory_space<hbm>>
      %dma_start3A_53 = arith.constant 0 : i32
      %dma_start3A_54 = tpu.memref_slice %arg3[%mul3A_4, %dma_start3A_53] : memref<64x128xi32, #tpu.memory_space<hbm>> -> memref<2x128xi32, #tpu.memory_space<hbm>>
      tpu.enqueue_dma source(%dma_start3A_54 : memref<2x128xi32, #tpu.memory_space<hbm>>) target(%arg5 : memref<2x128xi32, #tpu.memory_space<vmem>>) target_semaphore(%run_scoped3A : memref<!tpu.dma_semaphore, #tpu.memory_space<semaphore_mem>>)
      %dma_wait3A_55 = arith.constant 0 : i32
      %dma_wait3A_56 = tpu.memref_slice %arg3[%mul3A_4, %dma_wait3A_55] : memref<64x128xi32, #tpu.memory_space<hbm>> -> memref<2x128xi32, #tpu.memory_space<hbm>>
      %dma_wait3A_57 = arith.constant 0 : i32
      %dma_wait3A_58 = tpu.memref_slice %arg3[%mul3A_4, %dma_wait3A_57] : memref<64x128xi32, #tpu.memory_space<hbm>> -> memref<2x128xi32, #tpu.memory_space<hbm>>
      tpu.wait_dma2 semaphore(%run_scoped3A : memref<!tpu.dma_semaphore, #tpu.memory_space<semaphore_mem>>) src(%dma_wait3A_58 : memref<2x128xi32, #tpu.memory_space<hbm>>) dst(%arg5 : memref<2x128xi32, #tpu.memory_space<vmem>>)
      tpu.yield
    }) : () -> ()
    %dma_start3A = arith.constant 0 : i32
    %dma_start3A_5 = arith.constant 0 : i32
    %dma_start3A_6 = tpu.memref_slice %arg5[%dma_start3A, %dma_start3A_5] : memref<2x128xi32, #tpu.memory_space<vmem>> -> memref<1x128xi32, #tpu.memory_space<vmem>>
    %dma_start3A_7 = tpu.memref_squeeze %dma_start3A_6 : memref<1x128xi32, #tpu.memory_space<vmem>> -> memref<128xi32, #tpu.memory_space<vmem>>
    %dma_start3A_8 = arith.constant 0 : i32
    %dma_start3A_9 = arith.constant 0 : i32
    %dma_start3A_10 = tpu.memref_slice %arg2[%dma_start3A_8, %dma_start3A_9] : memref<32768x128xf32, #tpu.memory_space<hbm>> -> memref<32768x128xf32, #tpu.memory_space<hbm>>
    tpu.enqueue_indirect_dma source(%dma_start3A_10 : memref<32768x128xf32, #tpu.memory_space<hbm>>) target(%arg6 : memref<128x128xf32, #tpu.memory_space<vmem>>) offsets(%dma_start3A_7 : memref<128xi32, #tpu.memory_space<vmem>>) semaphore(%arg10 : memref<!tpu.dma_semaphore, #tpu.memory_space<semaphore_mem>>)
    %dma_start3A_11 = arith.constant 1 : i32
    %dma_start3A_12 = arith.constant 0 : i32
    %dma_start3A_13 = tpu.memref_slice %arg5[%dma_start3A_11, %dma_start3A_12] : memref<2x128xi32, #tpu.memory_space<vmem>> -> memref<1x128xi32, #tpu.memory_space<vmem>>
    %dma_start3A_14 = tpu.memref_squeeze %dma_start3A_13 : memref<1x128xi32, #tpu.memory_space<vmem>> -> memref<128xi32, #tpu.memory_space<vmem>>
    %dma_start3A_15 = arith.constant 0 : i32
    %dma_start3A_16 = arith.constant 0 : i32
    %dma_start3A_17 = tpu.memref_slice %arg2[%dma_start3A_15, %dma_start3A_16] : memref<32768x128xf32, #tpu.memory_space<hbm>> -> memref<32768x128xf32, #tpu.memory_space<hbm>>
    tpu.enqueue_indirect_dma source(%dma_start3A_17 : memref<32768x128xf32, #tpu.memory_space<hbm>>) target(%arg7 : memref<128x128xf32, #tpu.memory_space<vmem>>) offsets(%dma_start3A_14 : memref<128xi32, #tpu.memory_space<vmem>>) semaphore(%arg11 : memref<!tpu.dma_semaphore, #tpu.memory_space<semaphore_mem>>)
    %dma_wait3A = arith.constant 0 : i32
    %dma_wait3A_18 = arith.constant 0 : i32
    %dma_wait3A_19 = tpu.memref_slice %arg5[%dma_wait3A, %dma_wait3A_18] : memref<2x128xi32, #tpu.memory_space<vmem>> -> memref<1x128xi32, #tpu.memory_space<vmem>>
    %dma_wait3A_20 = tpu.memref_squeeze %dma_wait3A_19 : memref<1x128xi32, #tpu.memory_space<vmem>> -> memref<128xi32, #tpu.memory_space<vmem>>
    %dma_wait3A_21 = arith.constant 0 : i32
    %dma_wait3A_22 = arith.constant 0 : i32
    %dma_wait3A_23 = tpu.memref_slice %arg2[%dma_wait3A_21, %dma_wait3A_22] : memref<32768x128xf32, #tpu.memory_space<hbm>> -> memref<32768x128xf32, #tpu.memory_space<hbm>>
    tpu.wait_indirect_dma semaphore(%arg10 : memref<!tpu.dma_semaphore, #tpu.memory_space<semaphore_mem>>) src(%dma_wait3A_23 : memref<32768x128xf32, #tpu.memory_space<hbm>>) dst(%arg6 : memref<128x128xf32, #tpu.memory_space<vmem>>)
    %add3A_24 = arith.constant 0 : i32
    %add3A_25 = arith.addi %mul3A_2, %add3A_24 : i32
    %dma_start3A_26 = arith.constant 0 : i32
    %dma_start3A_27 = tpu.memref_slice %arg4[%add3A_25, %dma_start3A_26] : memref<8192x128xf32, #tpu.memory_space<hbm>> -> memref<128x128xf32, #tpu.memory_space<hbm>>
    %dma_start3A_28 = arith.constant 0 : i32
    %dma_start3A_29 = tpu.memref_slice %arg4[%add3A_25, %dma_start3A_28] : memref<8192x128xf32, #tpu.memory_space<hbm>> -> memref<128x128xf32, #tpu.memory_space<hbm>>
    tpu.enqueue_dma source(%arg6 : memref<128x128xf32, #tpu.memory_space<vmem>>) target(%dma_start3A_29 : memref<128x128xf32, #tpu.memory_space<hbm>>) target_semaphore(%arg14 : memref<!tpu.dma_semaphore, #tpu.memory_space<semaphore_mem>>)
    %dma_wait3A_30 = arith.constant 1 : i32
    %dma_wait3A_31 = arith.constant 0 : i32
    %dma_wait3A_32 = tpu.memref_slice %arg5[%dma_wait3A_30, %dma_wait3A_31] : memref<2x128xi32, #tpu.memory_space<vmem>> -> memref<1x128xi32, #tpu.memory_space<vmem>>
    %dma_wait3A_33 = tpu.memref_squeeze %dma_wait3A_32 : memref<1x128xi32, #tpu.memory_space<vmem>> -> memref<128xi32, #tpu.memory_space<vmem>>
    %dma_wait3A_34 = arith.constant 0 : i32
    %dma_wait3A_35 = arith.constant 0 : i32
    %dma_wait3A_36 = tpu.memref_slice %arg2[%dma_wait3A_34, %dma_wait3A_35] : memref<32768x128xf32, #tpu.memory_space<hbm>> -> memref<32768x128xf32, #tpu.memory_space<hbm>>
    tpu.wait_indirect_dma semaphore(%arg11 : memref<!tpu.dma_semaphore, #tpu.memory_space<semaphore_mem>>) src(%dma_wait3A_36 : memref<32768x128xf32, #tpu.memory_space<hbm>>) dst(%arg7 : memref<128x128xf32, #tpu.memory_space<vmem>>)
    %add3A_37 = arith.constant 128 : i32
    %add3A_38 = arith.addi %mul3A_2, %add3A_37 : i32
    %dma_start3A_39 = arith.constant 0 : i32
    %dma_start3A_40 = tpu.memref_slice %arg4[%add3A_38, %dma_start3A_39] : memref<8192x128xf32, #tpu.memory_space<hbm>> -> memref<128x128xf32, #tpu.memory_space<hbm>>
    %dma_start3A_41 = arith.constant 0 : i32
    %dma_start3A_42 = tpu.memref_slice %arg4[%add3A_38, %dma_start3A_41] : memref<8192x128xf32, #tpu.memory_space<hbm>> -> memref<128x128xf32, #tpu.memory_space<hbm>>
    tpu.enqueue_dma source(%arg7 : memref<128x128xf32, #tpu.memory_space<vmem>>) target(%dma_start3A_42 : memref<128x128xf32, #tpu.memory_space<hbm>>) target_semaphore(%arg15 : memref<!tpu.dma_semaphore, #tpu.memory_space<semaphore_mem>>)
    %dma_wait3A_43 = arith.constant 0 : i32
    %dma_wait3A_44 = tpu.memref_slice %arg4[%add3A_25, %dma_wait3A_43] : memref<8192x128xf32, #tpu.memory_space<hbm>> -> memref<128x128xf32, #tpu.memory_space<hbm>>
    %dma_wait3A_45 = arith.constant 0 : i32
    %dma_wait3A_46 = tpu.memref_slice %arg4[%add3A_25, %dma_wait3A_45] : memref<8192x128xf32, #tpu.memory_space<hbm>> -> memref<128x128xf32, #tpu.memory_space<hbm>>
    tpu.wait_dma2 semaphore(%arg14 : memref<!tpu.dma_semaphore, #tpu.memory_space<semaphore_mem>>) src(%arg6 : memref<128x128xf32, #tpu.memory_space<vmem>>) dst(%dma_wait3A_46 : memref<128x128xf32, #tpu.memory_space<hbm>>)
    %dma_wait3A_47 = arith.constant 0 : i32
    %dma_wait3A_48 = tpu.memref_slice %arg4[%add3A_38, %dma_wait3A_47] : memref<8192x128xf32, #tpu.memory_space<hbm>> -> memref<128x128xf32, #tpu.memory_space<hbm>>
    %dma_wait3A_49 = arith.constant 0 : i32
    %dma_wait3A_50 = tpu.memref_slice %arg4[%add3A_38, %dma_wait3A_49] : memref<8192x128xf32, #tpu.memory_space<hbm>> -> memref<128x128xf32, #tpu.memory_space<hbm>>
    tpu.wait_dma2 semaphore(%arg15 : memref<!tpu.dma_semaphore, #tpu.memory_space<semaphore_mem>>) src(%arg7 : memref<128x128xf32, #tpu.memory_space<vmem>>) dst(%dma_wait3A_50 : memref<128x128xf32, #tpu.memory_space<hbm>>)
    return
  }
}

#map = affine_map<(d0, d1) -> (0, 0)>
module attributes {stable_mosaic.version = 14 : i64} {
  func.func @_sc_gather_body(%arg0: i32, %arg1: i32, %arg2: memref<32768x128xf32, #tpu.memory_space<hbm>>, %arg3: memref<64x128xi32, #tpu.memory_space<hbm>>, %arg4: memref<8192x128xf32, #tpu.memory_space<hbm>>, %arg5: memref<2x128xi32, #tpu.memory_space<vmem>>, %arg6: memref<128x128xf32, #tpu.memory_space<vmem>>, %arg7: memref<128x128xf32, #tpu.memory_space<vmem>>, %arg8: memref<128x128xf32, #tpu.memory_space<vmem>>, %arg9: memref<128x128xf32, #tpu.memory_space<vmem>>, %arg10: memref<!tpu.dma_semaphore, #tpu.memory_space<semaphore_mem>>, %arg11: memref<!tpu.dma_semaphore, #tpu.memory_space<semaphore_mem>>, %arg12: memref<!tpu.dma_semaphore, #tpu.memory_space<semaphore_mem>>, %arg13: memref<!tpu.dma_semaphore, #tpu.memory_space<semaphore_mem>>, %arg14: memref<!tpu.dma_semaphore, #tpu.memory_space<semaphore_mem>>, %arg15: memref<!tpu.dma_semaphore, #tpu.memory_space<semaphore_mem>>, %arg16: memref<!tpu.dma_semaphore, #tpu.memory_space<semaphore_mem>>, %arg17: memref<!tpu.dma_semaphore, #tpu.memory_space<semaphore_mem>>) attributes {dimension_semantics = [#tpu.dimension_semantics<core_parallel>, #tpu.dimension_semantics<subcore_parallel>], iteration_bounds = array<i64: 2, 16>, scalar_prefetch = 0 : i64, scratch_operands = 13 : i64, tpu.core_type = #tpu.core_type<sc_vector_subcore>, window_params = [{transform_indices = #map}, {transform_indices = #map}, {transform_indices = #map}]} {
    %mul3A = arith.constant 2 : i32
    %mul3A_0 = arith.muli %arg1, %mul3A : i32
    %add3A = arith.addi %mul3A_0, %arg0 : i32
    %mul3A_1 = arith.constant 256 : i32
    %mul3A_2 = arith.muli %add3A, %mul3A_1 : i32
    %mul3A_3 = arith.constant 2 : i32
    %mul3A_4 = arith.muli %add3A, %mul3A_3 : i32
    "tpu.region"() ({
      %run_scoped3A = tpu.sem_alloc : memref<!tpu.dma_semaphore, #tpu.memory_space<semaphore_mem>>
      %dma_start3A_51 = arith.constant 0 : i32
      %dma_start3A_52 = tpu.memref_slice %arg3[%mul3A_4, %dma_start3A_51] : memref<64x128xi32, #tpu.memory_space<hbm>> -> memref<2x128xi32, #tpu.memory_space<hbm>>
      %dma_start3A_53 = arith.constant 0 : i32
      %dma_start3A_54 = tpu.memref_slice %arg3[%mul3A_4, %dma_start3A_53] : memref<64x128xi32, #tpu.memory_space<hbm>> -> memref<2x128xi32, #tpu.memory_space<hbm>>
      tpu.enqueue_dma source(%dma_start3A_54 : memref<2x128xi32, #tpu.memory_space<hbm>>) target(%arg5 : memref<2x128xi32, #tpu.memory_space<vmem>>) target_semaphore(%run_scoped3A : memref<!tpu.dma_semaphore, #tpu.memory_space<semaphore_mem>>)
      %dma_wait3A_55 = arith.constant 0 : i32
      %dma_wait3A_56 = tpu.memref_slice %arg3[%mul3A_4, %dma_wait3A_55] : memref<64x128xi32, #tpu.memory_space<hbm>> -> memref<2x128xi32, #tpu.memory_space<hbm>>
      %dma_wait3A_57 = arith.constant 0 : i32
      %dma_wait3A_58 = tpu.memref_slice %arg3[%mul3A_4, %dma_wait3A_57] : memref<64x128xi32, #tpu.memory_space<hbm>> -> memref<2x128xi32, #tpu.memory_space<hbm>>
      tpu.wait_dma2 semaphore(%run_scoped3A : memref<!tpu.dma_semaphore, #tpu.memory_space<semaphore_mem>>) src(%dma_wait3A_58 : memref<2x128xi32, #tpu.memory_space<hbm>>) dst(%arg5 : memref<2x128xi32, #tpu.memory_space<vmem>>)
      tpu.yield
    }) : () -> ()
    %dma_start3A = arith.constant 0 : i32
    %dma_start3A_5 = arith.constant 0 : i32
    %dma_start3A_6 = tpu.memref_slice %arg5[%dma_start3A, %dma_start3A_5] : memref<2x128xi32, #tpu.memory_space<vmem>> -> memref<1x128xi32, #tpu.memory_space<vmem>>
    %dma_start3A_7 = tpu.memref_squeeze %dma_start3A_6 : memref<1x128xi32, #tpu.memory_space<vmem>> -> memref<128xi32, #tpu.memory_space<vmem>>
    %dma_start3A_8 = arith.constant 0 : i32
    %dma_start3A_9 = arith.constant 0 : i32
    %dma_start3A_10 = tpu.memref_slice %arg2[%dma_start3A_8, %dma_start3A_9] : memref<32768x128xf32, #tpu.memory_space<hbm>> -> memref<32768x128xf32, #tpu.memory_space<hbm>>
    tpu.enqueue_indirect_dma source(%dma_start3A_10 : memref<32768x128xf32, #tpu.memory_space<hbm>>) target(%arg6 : memref<128x128xf32, #tpu.memory_space<vmem>>) offsets(%dma_start3A_7 : memref<128xi32, #tpu.memory_space<vmem>>) semaphore(%arg10 : memref<!tpu.dma_semaphore, #tpu.memory_space<semaphore_mem>>)
    %dma_start3A_11 = arith.constant 1 : i32
    %dma_start3A_12 = arith.constant 0 : i32
    %dma_start3A_13 = tpu.memref_slice %arg5[%dma_start3A_11, %dma_start3A_12] : memref<2x128xi32, #tpu.memory_space<vmem>> -> memref<1x128xi32, #tpu.memory_space<vmem>>
    %dma_start3A_14 = tpu.memref_squeeze %dma_start3A_13 : memref<1x128xi32, #tpu.memory_space<vmem>> -> memref<128xi32, #tpu.memory_space<vmem>>
    %dma_start3A_15 = arith.constant 0 : i32
    %dma_start3A_16 = arith.constant 0 : i32
    %dma_start3A_17 = tpu.memref_slice %arg2[%dma_start3A_15, %dma_start3A_16] : memref<32768x128xf32, #tpu.memory_space<hbm>> -> memref<32768x128xf32, #tpu.memory_space<hbm>>
    tpu.enqueue_indirect_dma source(%dma_start3A_17 : memref<32768x128xf32, #tpu.memory_space<hbm>>) target(%arg7 : memref<128x128xf32, #tpu.memory_space<vmem>>) offsets(%dma_start3A_14 : memref<128xi32, #tpu.memory_space<vmem>>) semaphore(%arg11 : memref<!tpu.dma_semaphore, #tpu.memory_space<semaphore_mem>>)
    %dma_wait3A = arith.constant 0 : i32
    %dma_wait3A_18 = arith.constant 0 : i32
    %dma_wait3A_19 = tpu.memref_slice %arg5[%dma_wait3A, %dma_wait3A_18] : memref<2x128xi32, #tpu.memory_space<vmem>> -> memref<1x128xi32, #tpu.memory_space<vmem>>
    %dma_wait3A_20 = tpu.memref_squeeze %dma_wait3A_19 : memref<1x128xi32, #tpu.memory_space<vmem>> -> memref<128xi32, #tpu.memory_space<vmem>>
    %dma_wait3A_21 = arith.constant 0 : i32
    %dma_wait3A_22 = arith.constant 0 : i32
    %dma_wait3A_23 = tpu.memref_slice %arg2[%dma_wait3A_21, %dma_wait3A_22] : memref<32768x128xf32, #tpu.memory_space<hbm>> -> memref<32768x128xf32, #tpu.memory_space<hbm>>
    tpu.wait_indirect_dma semaphore(%arg10 : memref<!tpu.dma_semaphore, #tpu.memory_space<semaphore_mem>>) src(%dma_wait3A_23 : memref<32768x128xf32, #tpu.memory_space<hbm>>) dst(%arg6 : memref<128x128xf32, #tpu.memory_space<vmem>>)
    %add3A_24 = arith.constant 0 : i32
    %add3A_25 = arith.addi %mul3A_2, %add3A_24 : i32
    %dma_start3A_26 = arith.constant 0 : i32
    %dma_start3A_27 = tpu.memref_slice %arg4[%add3A_25, %dma_start3A_26] : memref<8192x128xf32, #tpu.memory_space<hbm>> -> memref<128x128xf32, #tpu.memory_space<hbm>>
    %dma_start3A_28 = arith.constant 0 : i32
    %dma_start3A_29 = tpu.memref_slice %arg4[%add3A_25, %dma_start3A_28] : memref<8192x128xf32, #tpu.memory_space<hbm>> -> memref<128x128xf32, #tpu.memory_space<hbm>>
    tpu.enqueue_dma source(%arg6 : memref<128x128xf32, #tpu.memory_space<vmem>>) target(%dma_start3A_29 : memref<128x128xf32, #tpu.memory_space<hbm>>) target_semaphore(%arg14 : memref<!tpu.dma_semaphore, #tpu.memory_space<semaphore_mem>>)
    %dma_wait3A_30 = arith.constant 1 : i32
    %dma_wait3A_31 = arith.constant 0 : i32
    %dma_wait3A_32 = tpu.memref_slice %arg5[%dma_wait3A_30, %dma_wait3A_31] : memref<2x128xi32, #tpu.memory_space<vmem>> -> memref<1x128xi32, #tpu.memory_space<vmem>>
    %dma_wait3A_33 = tpu.memref_squeeze %dma_wait3A_32 : memref<1x128xi32, #tpu.memory_space<vmem>> -> memref<128xi32, #tpu.memory_space<vmem>>
    %dma_wait3A_34 = arith.constant 0 : i32
    %dma_wait3A_35 = arith.constant 0 : i32
    %dma_wait3A_36 = tpu.memref_slice %arg2[%dma_wait3A_34, %dma_wait3A_35] : memref<32768x128xf32, #tpu.memory_space<hbm>> -> memref<32768x128xf32, #tpu.memory_space<hbm>>
    tpu.wait_indirect_dma semaphore(%arg11 : memref<!tpu.dma_semaphore, #tpu.memory_space<semaphore_mem>>) src(%dma_wait3A_36 : memref<32768x128xf32, #tpu.memory_space<hbm>>) dst(%arg7 : memref<128x128xf32, #tpu.memory_space<vmem>>)
    %add3A_37 = arith.constant 128 : i32
    %add3A_38 = arith.addi %mul3A_2, %add3A_37 : i32
    %dma_start3A_39 = arith.constant 0 : i32
    %dma_start3A_40 = tpu.memref_slice %arg4[%add3A_38, %dma_start3A_39] : memref<8192x128xf32, #tpu.memory_space<hbm>> -> memref<128x128xf32, #tpu.memory_space<hbm>>
    %dma_start3A_41 = arith.constant 0 : i32
    %dma_start3A_42 = tpu.memref_slice %arg4[%add3A_38, %dma_start3A_41] : memref<8192x128xf32, #tpu.memory_space<hbm>> -> memref<128x128xf32, #tpu.memory_space<hbm>>
    tpu.enqueue_dma source(%arg7 : memref<128x128xf32, #tpu.memory_space<vmem>>) target(%dma_start3A_42 : memref<128x128xf32, #tpu.memory_space<hbm>>) target_semaphore(%arg15 : memref<!tpu.dma_semaphore, #tpu.memory_space<semaphore_mem>>)
    %dma_wait3A_43 = arith.constant 0 : i32
    %dma_wait3A_44 = tpu.memref_slice %arg4[%add3A_25, %dma_wait3A_43] : memref<8192x128xf32, #tpu.memory_space<hbm>> -> memref<128x128xf32, #tpu.memory_space<hbm>>
    %dma_wait3A_45 = arith.constant 0 : i32
    %dma_wait3A_46 = tpu.memref_slice %arg4[%add3A_25, %dma_wait3A_45] : memref<8192x128xf32, #tpu.memory_space<hbm>> -> memref<128x128xf32, #tpu.memory_space<hbm>>
    tpu.wait_dma2 semaphore(%arg14 : memref<!tpu.dma_semaphore, #tpu.memory_space<semaphore_mem>>) src(%arg6 : memref<128x128xf32, #tpu.memory_space<vmem>>) dst(%dma_wait3A_46 : memref<128x128xf32, #tpu.memory_space<hbm>>)
    %dma_wait3A_47 = arith.constant 0 : i32
    %dma_wait3A_48 = tpu.memref_slice %arg4[%add3A_38, %dma_wait3A_47] : memref<8192x128xf32, #tpu.memory_space<hbm>> -> memref<128x128xf32, #tpu.memory_space<hbm>>
    %dma_wait3A_49 = arith.constant 0 : i32
    %dma_wait3A_50 = tpu.memref_slice %arg4[%add3A_38, %dma_wait3A_49] : memref<8192x128xf32, #tpu.memory_space<hbm>> -> memref<128x128xf32, #tpu.memory_space<hbm>>
    tpu.wait_dma2 semaphore(%arg15 : memref<!tpu.dma_semaphore, #tpu.memory_space<semaphore_mem>>) src(%arg7 : memref<128x128xf32, #tpu.memory_space<vmem>>) dst(%dma_wait3A_50 : memref<128x128xf32, #tpu.memory_space<hbm>>)
    return
  }
}

#map = affine_map<(d0, d1) -> (0, 0)>
module attributes {stable_mosaic.version = 14 : i64} {
  func.func @_sc_gather_body(%arg0: i32, %arg1: i32, %arg2: memref<32768x128xf32, #tpu.memory_space<hbm>>, %arg3: memref<64x128xi32, #tpu.memory_space<hbm>>, %arg4: memref<8192x128xf32, #tpu.memory_space<hbm>>, %arg5: memref<2x128xi32, #tpu.memory_space<vmem>>, %arg6: memref<128x128xf32, #tpu.memory_space<vmem>>, %arg7: memref<128x128xf32, #tpu.memory_space<vmem>>, %arg8: memref<128x128xf32, #tpu.memory_space<vmem>>, %arg9: memref<128x128xf32, #tpu.memory_space<vmem>>, %arg10: memref<!tpu.dma_semaphore, #tpu.memory_space<semaphore_mem>>, %arg11: memref<!tpu.dma_semaphore, #tpu.memory_space<semaphore_mem>>, %arg12: memref<!tpu.dma_semaphore, #tpu.memory_space<semaphore_mem>>, %arg13: memref<!tpu.dma_semaphore, #tpu.memory_space<semaphore_mem>>, %arg14: memref<!tpu.dma_semaphore, #tpu.memory_space<semaphore_mem>>, %arg15: memref<!tpu.dma_semaphore, #tpu.memory_space<semaphore_mem>>, %arg16: memref<!tpu.dma_semaphore, #tpu.memory_space<semaphore_mem>>, %arg17: memref<!tpu.dma_semaphore, #tpu.memory_space<semaphore_mem>>) attributes {dimension_semantics = [#tpu.dimension_semantics<core_parallel>, #tpu.dimension_semantics<subcore_parallel>], iteration_bounds = array<i64: 2, 16>, scalar_prefetch = 0 : i64, scratch_operands = 13 : i64, tpu.core_type = #tpu.core_type<sc_vector_subcore>, window_params = [{transform_indices = #map}, {transform_indices = #map}, {transform_indices = #map}]} {
    %mul3A = arith.constant 2 : i32
    %mul3A_0 = arith.muli %arg1, %mul3A : i32
    %add3A = arith.addi %mul3A_0, %arg0 : i32
    %mul3A_1 = arith.constant 256 : i32
    %mul3A_2 = arith.muli %add3A, %mul3A_1 : i32
    %mul3A_3 = arith.constant 2 : i32
    %mul3A_4 = arith.muli %add3A, %mul3A_3 : i32
    "tpu.region"() ({
      %run_scoped3A = tpu.sem_alloc : memref<!tpu.dma_semaphore, #tpu.memory_space<semaphore_mem>>
      %dma_start3A_51 = arith.constant 0 : i32
      %dma_start3A_52 = tpu.memref_slice %arg3[%mul3A_4, %dma_start3A_51] : memref<64x128xi32, #tpu.memory_space<hbm>> -> memref<2x128xi32, #tpu.memory_space<hbm>>
      %dma_start3A_53 = arith.constant 0 : i32
      %dma_start3A_54 = tpu.memref_slice %arg3[%mul3A_4, %dma_start3A_53] : memref<64x128xi32, #tpu.memory_space<hbm>> -> memref<2x128xi32, #tpu.memory_space<hbm>>
      tpu.enqueue_dma source(%dma_start3A_54 : memref<2x128xi32, #tpu.memory_space<hbm>>) target(%arg5 : memref<2x128xi32, #tpu.memory_space<vmem>>) target_semaphore(%run_scoped3A : memref<!tpu.dma_semaphore, #tpu.memory_space<semaphore_mem>>)
      %dma_wait3A_55 = arith.constant 0 : i32
      %dma_wait3A_56 = tpu.memref_slice %arg3[%mul3A_4, %dma_wait3A_55] : memref<64x128xi32, #tpu.memory_space<hbm>> -> memref<2x128xi32, #tpu.memory_space<hbm>>
      %dma_wait3A_57 = arith.constant 0 : i32
      %dma_wait3A_58 = tpu.memref_slice %arg3[%mul3A_4, %dma_wait3A_57] : memref<64x128xi32, #tpu.memory_space<hbm>> -> memref<2x128xi32, #tpu.memory_space<hbm>>
      tpu.wait_dma2 semaphore(%run_scoped3A : memref<!tpu.dma_semaphore, #tpu.memory_space<semaphore_mem>>) src(%dma_wait3A_58 : memref<2x128xi32, #tpu.memory_space<hbm>>) dst(%arg5 : memref<2x128xi32, #tpu.memory_space<vmem>>)
      tpu.yield
    }) : () -> ()
    %dma_start3A = arith.constant 0 : i32
    %dma_start3A_5 = arith.constant 0 : i32
    %dma_start3A_6 = tpu.memref_slice %arg5[%dma_start3A, %dma_start3A_5] : memref<2x128xi32, #tpu.memory_space<vmem>> -> memref<1x128xi32, #tpu.memory_space<vmem>>
    %dma_start3A_7 = tpu.memref_squeeze %dma_start3A_6 : memref<1x128xi32, #tpu.memory_space<vmem>> -> memref<128xi32, #tpu.memory_space<vmem>>
    %dma_start3A_8 = arith.constant 0 : i32
    %dma_start3A_9 = arith.constant 0 : i32
    %dma_start3A_10 = tpu.memref_slice %arg2[%dma_start3A_8, %dma_start3A_9] : memref<32768x128xf32, #tpu.memory_space<hbm>> -> memref<32768x128xf32, #tpu.memory_space<hbm>>
    tpu.enqueue_indirect_dma source(%dma_start3A_10 : memref<32768x128xf32, #tpu.memory_space<hbm>>) target(%arg6 : memref<128x128xf32, #tpu.memory_space<vmem>>) offsets(%dma_start3A_7 : memref<128xi32, #tpu.memory_space<vmem>>) semaphore(%arg10 : memref<!tpu.dma_semaphore, #tpu.memory_space<semaphore_mem>>)
    %dma_start3A_11 = arith.constant 1 : i32
    %dma_start3A_12 = arith.constant 0 : i32
    %dma_start3A_13 = tpu.memref_slice %arg5[%dma_start3A_11, %dma_start3A_12] : memref<2x128xi32, #tpu.memory_space<vmem>> -> memref<1x128xi32, #tpu.memory_space<vmem>>
    %dma_start3A_14 = tpu.memref_squeeze %dma_start3A_13 : memref<1x128xi32, #tpu.memory_space<vmem>> -> memref<128xi32, #tpu.memory_space<vmem>>
    %dma_start3A_15 = arith.constant 0 : i32
    %dma_start3A_16 = arith.constant 0 : i32
    %dma_start3A_17 = tpu.memref_slice %arg2[%dma_start3A_15, %dma_start3A_16] : memref<32768x128xf32, #tpu.memory_space<hbm>> -> memref<32768x128xf32, #tpu.memory_space<hbm>>
    tpu.enqueue_indirect_dma source(%dma_start3A_17 : memref<32768x128xf32, #tpu.memory_space<hbm>>) target(%arg7 : memref<128x128xf32, #tpu.memory_space<vmem>>) offsets(%dma_start3A_14 : memref<128xi32, #tpu.memory_space<vmem>>) semaphore(%arg11 : memref<!tpu.dma_semaphore, #tpu.memory_space<semaphore_mem>>)
    %dma_wait3A = arith.constant 0 : i32
    %dma_wait3A_18 = arith.constant 0 : i32
    %dma_wait3A_19 = tpu.memref_slice %arg5[%dma_wait3A, %dma_wait3A_18] : memref<2x128xi32, #tpu.memory_space<vmem>> -> memref<1x128xi32, #tpu.memory_space<vmem>>
    %dma_wait3A_20 = tpu.memref_squeeze %dma_wait3A_19 : memref<1x128xi32, #tpu.memory_space<vmem>> -> memref<128xi32, #tpu.memory_space<vmem>>
    %dma_wait3A_21 = arith.constant 0 : i32
    %dma_wait3A_22 = arith.constant 0 : i32
    %dma_wait3A_23 = tpu.memref_slice %arg2[%dma_wait3A_21, %dma_wait3A_22] : memref<32768x128xf32, #tpu.memory_space<hbm>> -> memref<32768x128xf32, #tpu.memory_space<hbm>>
    tpu.wait_indirect_dma semaphore(%arg10 : memref<!tpu.dma_semaphore, #tpu.memory_space<semaphore_mem>>) src(%dma_wait3A_23 : memref<32768x128xf32, #tpu.memory_space<hbm>>) dst(%arg6 : memref<128x128xf32, #tpu.memory_space<vmem>>)
    %add3A_24 = arith.constant 0 : i32
    %add3A_25 = arith.addi %mul3A_2, %add3A_24 : i32
    %dma_start3A_26 = arith.constant 0 : i32
    %dma_start3A_27 = tpu.memref_slice %arg4[%add3A_25, %dma_start3A_26] : memref<8192x128xf32, #tpu.memory_space<hbm>> -> memref<128x128xf32, #tpu.memory_space<hbm>>
    %dma_start3A_28 = arith.constant 0 : i32
    %dma_start3A_29 = tpu.memref_slice %arg4[%add3A_25, %dma_start3A_28] : memref<8192x128xf32, #tpu.memory_space<hbm>> -> memref<128x128xf32, #tpu.memory_space<hbm>>
    tpu.enqueue_dma source(%arg6 : memref<128x128xf32, #tpu.memory_space<vmem>>) target(%dma_start3A_29 : memref<128x128xf32, #tpu.memory_space<hbm>>) target_semaphore(%arg14 : memref<!tpu.dma_semaphore, #tpu.memory_space<semaphore_mem>>)
    %dma_wait3A_30 = arith.constant 1 : i32
    %dma_wait3A_31 = arith.constant 0 : i32
    %dma_wait3A_32 = tpu.memref_slice %arg5[%dma_wait3A_30, %dma_wait3A_31] : memref<2x128xi32, #tpu.memory_space<vmem>> -> memref<1x128xi32, #tpu.memory_space<vmem>>
    %dma_wait3A_33 = tpu.memref_squeeze %dma_wait3A_32 : memref<1x128xi32, #tpu.memory_space<vmem>> -> memref<128xi32, #tpu.memory_space<vmem>>
    %dma_wait3A_34 = arith.constant 0 : i32
    %dma_wait3A_35 = arith.constant 0 : i32
    %dma_wait3A_36 = tpu.memref_slice %arg2[%dma_wait3A_34, %dma_wait3A_35] : memref<32768x128xf32, #tpu.memory_space<hbm>> -> memref<32768x128xf32, #tpu.memory_space<hbm>>
    tpu.wait_indirect_dma semaphore(%arg11 : memref<!tpu.dma_semaphore, #tpu.memory_space<semaphore_mem>>) src(%dma_wait3A_36 : memref<32768x128xf32, #tpu.memory_space<hbm>>) dst(%arg7 : memref<128x128xf32, #tpu.memory_space<vmem>>)
    %add3A_37 = arith.constant 128 : i32
    %add3A_38 = arith.addi %mul3A_2, %add3A_37 : i32
    %dma_start3A_39 = arith.constant 0 : i32
    %dma_start3A_40 = tpu.memref_slice %arg4[%add3A_38, %dma_start3A_39] : memref<8192x128xf32, #tpu.memory_space<hbm>> -> memref<128x128xf32, #tpu.memory_space<hbm>>
    %dma_start3A_41 = arith.constant 0 : i32
    %dma_start3A_42 = tpu.memref_slice %arg4[%add3A_38, %dma_start3A_41] : memref<8192x128xf32, #tpu.memory_space<hbm>> -> memref<128x128xf32, #tpu.memory_space<hbm>>
    tpu.enqueue_dma source(%arg7 : memref<128x128xf32, #tpu.memory_space<vmem>>) target(%dma_start3A_42 : memref<128x128xf32, #tpu.memory_space<hbm>>) target_semaphore(%arg15 : memref<!tpu.dma_semaphore, #tpu.memory_space<semaphore_mem>>)
    %dma_wait3A_43 = arith.constant 0 : i32
    %dma_wait3A_44 = tpu.memref_slice %arg4[%add3A_25, %dma_wait3A_43] : memref<8192x128xf32, #tpu.memory_space<hbm>> -> memref<128x128xf32, #tpu.memory_space<hbm>>
    %dma_wait3A_45 = arith.constant 0 : i32
    %dma_wait3A_46 = tpu.memref_slice %arg4[%add3A_25, %dma_wait3A_45] : memref<8192x128xf32, #tpu.memory_space<hbm>> -> memref<128x128xf32, #tpu.memory_space<hbm>>
    tpu.wait_dma2 semaphore(%arg14 : memref<!tpu.dma_semaphore, #tpu.memory_space<semaphore_mem>>) src(%arg6 : memref<128x128xf32, #tpu.memory_space<vmem>>) dst(%dma_wait3A_46 : memref<128x128xf32, #tpu.memory_space<hbm>>)
    %dma_wait3A_47 = arith.constant 0 : i32
    %dma_wait3A_48 = tpu.memref_slice %arg4[%add3A_38, %dma_wait3A_47] : memref<8192x128xf32, #tpu.memory_space<hbm>> -> memref<128x128xf32, #tpu.memory_space<hbm>>
    %dma_wait3A_49 = arith.constant 0 : i32
    %dma_wait3A_50 = tpu.memref_slice %arg4[%add3A_38, %dma_wait3A_49] : memref<8192x128xf32, #tpu.memory_space<hbm>> -> memref<128x128xf32, #tpu.memory_space<hbm>>
    tpu.wait_dma2 semaphore(%arg15 : memref<!tpu.dma_semaphore, #tpu.memory_space<semaphore_mem>>) src(%arg7 : memref<128x128xf32, #tpu.memory_space<vmem>>) dst(%dma_wait3A_50 : memref<128x128xf32, #tpu.memory_space<hbm>>)
    return
  }
}

#map = affine_map<(d0, d1) -> (0, 0)>
module attributes {stable_mosaic.version = 14 : i64} {
  func.func @_sc_gather_body(%arg0: i32, %arg1: i32, %arg2: memref<32768x128xf32, #tpu.memory_space<hbm>>, %arg3: memref<64x128xi32, #tpu.memory_space<hbm>>, %arg4: memref<8192x128xf32, #tpu.memory_space<hbm>>, %arg5: memref<2x128xi32, #tpu.memory_space<vmem>>, %arg6: memref<128x128xf32, #tpu.memory_space<vmem>>, %arg7: memref<128x128xf32, #tpu.memory_space<vmem>>, %arg8: memref<128x128xf32, #tpu.memory_space<vmem>>, %arg9: memref<128x128xf32, #tpu.memory_space<vmem>>, %arg10: memref<!tpu.dma_semaphore, #tpu.memory_space<semaphore_mem>>, %arg11: memref<!tpu.dma_semaphore, #tpu.memory_space<semaphore_mem>>, %arg12: memref<!tpu.dma_semaphore, #tpu.memory_space<semaphore_mem>>, %arg13: memref<!tpu.dma_semaphore, #tpu.memory_space<semaphore_mem>>, %arg14: memref<!tpu.dma_semaphore, #tpu.memory_space<semaphore_mem>>, %arg15: memref<!tpu.dma_semaphore, #tpu.memory_space<semaphore_mem>>, %arg16: memref<!tpu.dma_semaphore, #tpu.memory_space<semaphore_mem>>, %arg17: memref<!tpu.dma_semaphore, #tpu.memory_space<semaphore_mem>>) attributes {dimension_semantics = [#tpu.dimension_semantics<core_parallel>, #tpu.dimension_semantics<subcore_parallel>], iteration_bounds = array<i64: 2, 16>, scalar_prefetch = 0 : i64, scratch_operands = 13 : i64, tpu.core_type = #tpu.core_type<sc_vector_subcore>, window_params = [{transform_indices = #map}, {transform_indices = #map}, {transform_indices = #map}]} {
    %mul3A = arith.constant 2 : i32
    %mul3A_0 = arith.muli %arg1, %mul3A : i32
    %add3A = arith.addi %mul3A_0, %arg0 : i32
    %mul3A_1 = arith.constant 256 : i32
    %mul3A_2 = arith.muli %add3A, %mul3A_1 : i32
    %mul3A_3 = arith.constant 2 : i32
    %mul3A_4 = arith.muli %add3A, %mul3A_3 : i32
    "tpu.region"() ({
      %run_scoped3A = tpu.sem_alloc : memref<!tpu.dma_semaphore, #tpu.memory_space<semaphore_mem>>
      %dma_start3A_51 = arith.constant 0 : i32
      %dma_start3A_52 = tpu.memref_slice %arg3[%mul3A_4, %dma_start3A_51] : memref<64x128xi32, #tpu.memory_space<hbm>> -> memref<2x128xi32, #tpu.memory_space<hbm>>
      %dma_start3A_53 = arith.constant 0 : i32
      %dma_start3A_54 = tpu.memref_slice %arg3[%mul3A_4, %dma_start3A_53] : memref<64x128xi32, #tpu.memory_space<hbm>> -> memref<2x128xi32, #tpu.memory_space<hbm>>
      tpu.enqueue_dma source(%dma_start3A_54 : memref<2x128xi32, #tpu.memory_space<hbm>>) target(%arg5 : memref<2x128xi32, #tpu.memory_space<vmem>>) target_semaphore(%run_scoped3A : memref<!tpu.dma_semaphore, #tpu.memory_space<semaphore_mem>>)
      %dma_wait3A_55 = arith.constant 0 : i32
      %dma_wait3A_56 = tpu.memref_slice %arg3[%mul3A_4, %dma_wait3A_55] : memref<64x128xi32, #tpu.memory_space<hbm>> -> memref<2x128xi32, #tpu.memory_space<hbm>>
      %dma_wait3A_57 = arith.constant 0 : i32
      %dma_wait3A_58 = tpu.memref_slice %arg3[%mul3A_4, %dma_wait3A_57] : memref<64x128xi32, #tpu.memory_space<hbm>> -> memref<2x128xi32, #tpu.memory_space<hbm>>
      tpu.wait_dma2 semaphore(%run_scoped3A : memref<!tpu.dma_semaphore, #tpu.memory_space<semaphore_mem>>) src(%dma_wait3A_58 : memref<2x128xi32, #tpu.memory_space<hbm>>) dst(%arg5 : memref<2x128xi32, #tpu.memory_space<vmem>>)
      tpu.yield
    }) : () -> ()
    %dma_start3A = arith.constant 0 : i32
    %dma_start3A_5 = arith.constant 0 : i32
    %dma_start3A_6 = tpu.memref_slice %arg5[%dma_start3A, %dma_start3A_5] : memref<2x128xi32, #tpu.memory_space<vmem>> -> memref<1x128xi32, #tpu.memory_space<vmem>>
    %dma_start3A_7 = tpu.memref_squeeze %dma_start3A_6 : memref<1x128xi32, #tpu.memory_space<vmem>> -> memref<128xi32, #tpu.memory_space<vmem>>
    %dma_start3A_8 = arith.constant 0 : i32
    %dma_start3A_9 = arith.constant 0 : i32
    %dma_start3A_10 = tpu.memref_slice %arg2[%dma_start3A_8, %dma_start3A_9] : memref<32768x128xf32, #tpu.memory_space<hbm>> -> memref<32768x128xf32, #tpu.memory_space<hbm>>
    tpu.enqueue_indirect_dma source(%dma_start3A_10 : memref<32768x128xf32, #tpu.memory_space<hbm>>) target(%arg6 : memref<128x128xf32, #tpu.memory_space<vmem>>) offsets(%dma_start3A_7 : memref<128xi32, #tpu.memory_space<vmem>>) semaphore(%arg10 : memref<!tpu.dma_semaphore, #tpu.memory_space<semaphore_mem>>)
    %dma_start3A_11 = arith.constant 1 : i32
    %dma_start3A_12 = arith.constant 0 : i32
    %dma_start3A_13 = tpu.memref_slice %arg5[%dma_start3A_11, %dma_start3A_12] : memref<2x128xi32, #tpu.memory_space<vmem>> -> memref<1x128xi32, #tpu.memory_space<vmem>>
    %dma_start3A_14 = tpu.memref_squeeze %dma_start3A_13 : memref<1x128xi32, #tpu.memory_space<vmem>> -> memref<128xi32, #tpu.memory_space<vmem>>
    %dma_start3A_15 = arith.constant 0 : i32
    %dma_start3A_16 = arith.constant 0 : i32
    %dma_start3A_17 = tpu.memref_slice %arg2[%dma_start3A_15, %dma_start3A_16] : memref<32768x128xf32, #tpu.memory_space<hbm>> -> memref<32768x128xf32, #tpu.memory_space<hbm>>
    tpu.enqueue_indirect_dma source(%dma_start3A_17 : memref<32768x128xf32, #tpu.memory_space<hbm>>) target(%arg7 : memref<128x128xf32, #tpu.memory_space<vmem>>) offsets(%dma_start3A_14 : memref<128xi32, #tpu.memory_space<vmem>>) semaphore(%arg11 : memref<!tpu.dma_semaphore, #tpu.memory_space<semaphore_mem>>)
    %dma_wait3A = arith.constant 0 : i32
    %dma_wait3A_18 = arith.constant 0 : i32
    %dma_wait3A_19 = tpu.memref_slice %arg5[%dma_wait3A, %dma_wait3A_18] : memref<2x128xi32, #tpu.memory_space<vmem>> -> memref<1x128xi32, #tpu.memory_space<vmem>>
    %dma_wait3A_20 = tpu.memref_squeeze %dma_wait3A_19 : memref<1x128xi32, #tpu.memory_space<vmem>> -> memref<128xi32, #tpu.memory_space<vmem>>
    %dma_wait3A_21 = arith.constant 0 : i32
    %dma_wait3A_22 = arith.constant 0 : i32
    %dma_wait3A_23 = tpu.memref_slice %arg2[%dma_wait3A_21, %dma_wait3A_22] : memref<32768x128xf32, #tpu.memory_space<hbm>> -> memref<32768x128xf32, #tpu.memory_space<hbm>>
    tpu.wait_indirect_dma semaphore(%arg10 : memref<!tpu.dma_semaphore, #tpu.memory_space<semaphore_mem>>) src(%dma_wait3A_23 : memref<32768x128xf32, #tpu.memory_space<hbm>>) dst(%arg6 : memref<128x128xf32, #tpu.memory_space<vmem>>)
    %add3A_24 = arith.constant 0 : i32
    %add3A_25 = arith.addi %mul3A_2, %add3A_24 : i32
    %dma_start3A_26 = arith.constant 0 : i32
    %dma_start3A_27 = tpu.memref_slice %arg4[%add3A_25, %dma_start3A_26] : memref<8192x128xf32, #tpu.memory_space<hbm>> -> memref<128x128xf32, #tpu.memory_space<hbm>>
    %dma_start3A_28 = arith.constant 0 : i32
    %dma_start3A_29 = tpu.memref_slice %arg4[%add3A_25, %dma_start3A_28] : memref<8192x128xf32, #tpu.memory_space<hbm>> -> memref<128x128xf32, #tpu.memory_space<hbm>>
    tpu.enqueue_dma source(%arg6 : memref<128x128xf32, #tpu.memory_space<vmem>>) target(%dma_start3A_29 : memref<128x128xf32, #tpu.memory_space<hbm>>) target_semaphore(%arg14 : memref<!tpu.dma_semaphore, #tpu.memory_space<semaphore_mem>>)
    %dma_wait3A_30 = arith.constant 1 : i32
    %dma_wait3A_31 = arith.constant 0 : i32
    %dma_wait3A_32 = tpu.memref_slice %arg5[%dma_wait3A_30, %dma_wait3A_31] : memref<2x128xi32, #tpu.memory_space<vmem>> -> memref<1x128xi32, #tpu.memory_space<vmem>>
    %dma_wait3A_33 = tpu.memref_squeeze %dma_wait3A_32 : memref<1x128xi32, #tpu.memory_space<vmem>> -> memref<128xi32, #tpu.memory_space<vmem>>
    %dma_wait3A_34 = arith.constant 0 : i32
    %dma_wait3A_35 = arith.constant 0 : i32
    %dma_wait3A_36 = tpu.memref_slice %arg2[%dma_wait3A_34, %dma_wait3A_35] : memref<32768x128xf32, #tpu.memory_space<hbm>> -> memref<32768x128xf32, #tpu.memory_space<hbm>>
    tpu.wait_indirect_dma semaphore(%arg11 : memref<!tpu.dma_semaphore, #tpu.memory_space<semaphore_mem>>) src(%dma_wait3A_36 : memref<32768x128xf32, #tpu.memory_space<hbm>>) dst(%arg7 : memref<128x128xf32, #tpu.memory_space<vmem>>)
    %add3A_37 = arith.constant 128 : i32
    %add3A_38 = arith.addi %mul3A_2, %add3A_37 : i32
    %dma_start3A_39 = arith.constant 0 : i32
    %dma_start3A_40 = tpu.memref_slice %arg4[%add3A_38, %dma_start3A_39] : memref<8192x128xf32, #tpu.memory_space<hbm>> -> memref<128x128xf32, #tpu.memory_space<hbm>>
    %dma_start3A_41 = arith.constant 0 : i32
    %dma_start3A_42 = tpu.memref_slice %arg4[%add3A_38, %dma_start3A_41] : memref<8192x128xf32, #tpu.memory_space<hbm>> -> memref<128x128xf32, #tpu.memory_space<hbm>>
    tpu.enqueue_dma source(%arg7 : memref<128x128xf32, #tpu.memory_space<vmem>>) target(%dma_start3A_42 : memref<128x128xf32, #tpu.memory_space<hbm>>) target_semaphore(%arg15 : memref<!tpu.dma_semaphore, #tpu.memory_space<semaphore_mem>>)
    %dma_wait3A_43 = arith.constant 0 : i32
    %dma_wait3A_44 = tpu.memref_slice %arg4[%add3A_25, %dma_wait3A_43] : memref<8192x128xf32, #tpu.memory_space<hbm>> -> memref<128x128xf32, #tpu.memory_space<hbm>>
    %dma_wait3A_45 = arith.constant 0 : i32
    %dma_wait3A_46 = tpu.memref_slice %arg4[%add3A_25, %dma_wait3A_45] : memref<8192x128xf32, #tpu.memory_space<hbm>> -> memref<128x128xf32, #tpu.memory_space<hbm>>
    tpu.wait_dma2 semaphore(%arg14 : memref<!tpu.dma_semaphore, #tpu.memory_space<semaphore_mem>>) src(%arg6 : memref<128x128xf32, #tpu.memory_space<vmem>>) dst(%dma_wait3A_46 : memref<128x128xf32, #tpu.memory_space<hbm>>)
    %dma_wait3A_47 = arith.constant 0 : i32
    %dma_wait3A_48 = tpu.memref_slice %arg4[%add3A_38, %dma_wait3A_47] : memref<8192x128xf32, #tpu.memory_space<hbm>> -> memref<128x128xf32, #tpu.memory_space<hbm>>
    %dma_wait3A_49 = arith.constant 0 : i32
    %dma_wait3A_50 = tpu.memref_slice %arg4[%add3A_38, %dma_wait3A_49] : memref<8192x128xf32, #tpu.memory_space<hbm>> -> memref<128x128xf32, #tpu.memory_space<hbm>>
    tpu.wait_dma2 semaphore(%arg15 : memref<!tpu.dma_semaphore, #tpu.memory_space<semaphore_mem>>) src(%arg7 : memref<128x128xf32, #tpu.memory_space<vmem>>) dst(%dma_wait3A_50 : memref<128x128xf32, #tpu.memory_space<hbm>>)
    return
  }
}

#map = affine_map<(d0, d1) -> (0, 0)>
module attributes {stable_mosaic.version = 14 : i64} {
  func.func @_sc_gather_body(%arg0: i32, %arg1: i32, %arg2: memref<32768x128xf32, #tpu.memory_space<hbm>>, %arg3: memref<64x128xi32, #tpu.memory_space<hbm>>, %arg4: memref<8192x128xf32, #tpu.memory_space<hbm>>, %arg5: memref<2x128xi32, #tpu.memory_space<vmem>>, %arg6: memref<128x128xf32, #tpu.memory_space<vmem>>, %arg7: memref<128x128xf32, #tpu.memory_space<vmem>>, %arg8: memref<128x128xf32, #tpu.memory_space<vmem>>, %arg9: memref<128x128xf32, #tpu.memory_space<vmem>>, %arg10: memref<!tpu.dma_semaphore, #tpu.memory_space<semaphore_mem>>, %arg11: memref<!tpu.dma_semaphore, #tpu.memory_space<semaphore_mem>>, %arg12: memref<!tpu.dma_semaphore, #tpu.memory_space<semaphore_mem>>, %arg13: memref<!tpu.dma_semaphore, #tpu.memory_space<semaphore_mem>>, %arg14: memref<!tpu.dma_semaphore, #tpu.memory_space<semaphore_mem>>, %arg15: memref<!tpu.dma_semaphore, #tpu.memory_space<semaphore_mem>>, %arg16: memref<!tpu.dma_semaphore, #tpu.memory_space<semaphore_mem>>, %arg17: memref<!tpu.dma_semaphore, #tpu.memory_space<semaphore_mem>>) attributes {dimension_semantics = [#tpu.dimension_semantics<core_parallel>, #tpu.dimension_semantics<subcore_parallel>], iteration_bounds = array<i64: 2, 16>, scalar_prefetch = 0 : i64, scratch_operands = 13 : i64, tpu.core_type = #tpu.core_type<sc_vector_subcore>, window_params = [{transform_indices = #map}, {transform_indices = #map}, {transform_indices = #map}]} {
    %mul3A = arith.constant 2 : i32
    %mul3A_0 = arith.muli %arg1, %mul3A : i32
    %add3A = arith.addi %mul3A_0, %arg0 : i32
    %mul3A_1 = arith.constant 256 : i32
    %mul3A_2 = arith.muli %add3A, %mul3A_1 : i32
    %mul3A_3 = arith.constant 2 : i32
    %mul3A_4 = arith.muli %add3A, %mul3A_3 : i32
    "tpu.region"() ({
      %run_scoped3A = tpu.sem_alloc : memref<!tpu.dma_semaphore, #tpu.memory_space<semaphore_mem>>
      %dma_start3A_51 = arith.constant 0 : i32
      %dma_start3A_52 = tpu.memref_slice %arg3[%mul3A_4, %dma_start3A_51] : memref<64x128xi32, #tpu.memory_space<hbm>> -> memref<2x128xi32, #tpu.memory_space<hbm>>
      %dma_start3A_53 = arith.constant 0 : i32
      %dma_start3A_54 = tpu.memref_slice %arg3[%mul3A_4, %dma_start3A_53] : memref<64x128xi32, #tpu.memory_space<hbm>> -> memref<2x128xi32, #tpu.memory_space<hbm>>
      tpu.enqueue_dma source(%dma_start3A_54 : memref<2x128xi32, #tpu.memory_space<hbm>>) target(%arg5 : memref<2x128xi32, #tpu.memory_space<vmem>>) target_semaphore(%run_scoped3A : memref<!tpu.dma_semaphore, #tpu.memory_space<semaphore_mem>>)
      %dma_wait3A_55 = arith.constant 0 : i32
      %dma_wait3A_56 = tpu.memref_slice %arg3[%mul3A_4, %dma_wait3A_55] : memref<64x128xi32, #tpu.memory_space<hbm>> -> memref<2x128xi32, #tpu.memory_space<hbm>>
      %dma_wait3A_57 = arith.constant 0 : i32
      %dma_wait3A_58 = tpu.memref_slice %arg3[%mul3A_4, %dma_wait3A_57] : memref<64x128xi32, #tpu.memory_space<hbm>> -> memref<2x128xi32, #tpu.memory_space<hbm>>
      tpu.wait_dma2 semaphore(%run_scoped3A : memref<!tpu.dma_semaphore, #tpu.memory_space<semaphore_mem>>) src(%dma_wait3A_58 : memref<2x128xi32, #tpu.memory_space<hbm>>) dst(%arg5 : memref<2x128xi32, #tpu.memory_space<vmem>>)
      tpu.yield
    }) : () -> ()
    %dma_start3A = arith.constant 0 : i32
    %dma_start3A_5 = arith.constant 0 : i32
    %dma_start3A_6 = tpu.memref_slice %arg5[%dma_start3A, %dma_start3A_5] : memref<2x128xi32, #tpu.memory_space<vmem>> -> memref<1x128xi32, #tpu.memory_space<vmem>>
    %dma_start3A_7 = tpu.memref_squeeze %dma_start3A_6 : memref<1x128xi32, #tpu.memory_space<vmem>> -> memref<128xi32, #tpu.memory_space<vmem>>
    %dma_start3A_8 = arith.constant 0 : i32
    %dma_start3A_9 = arith.constant 0 : i32
    %dma_start3A_10 = tpu.memref_slice %arg2[%dma_start3A_8, %dma_start3A_9] : memref<32768x128xf32, #tpu.memory_space<hbm>> -> memref<32768x128xf32, #tpu.memory_space<hbm>>
    tpu.enqueue_indirect_dma source(%dma_start3A_10 : memref<32768x128xf32, #tpu.memory_space<hbm>>) target(%arg6 : memref<128x128xf32, #tpu.memory_space<vmem>>) offsets(%dma_start3A_7 : memref<128xi32, #tpu.memory_space<vmem>>) semaphore(%arg10 : memref<!tpu.dma_semaphore, #tpu.memory_space<semaphore_mem>>)
    %dma_start3A_11 = arith.constant 1 : i32
    %dma_start3A_12 = arith.constant 0 : i32
    %dma_start3A_13 = tpu.memref_slice %arg5[%dma_start3A_11, %dma_start3A_12] : memref<2x128xi32, #tpu.memory_space<vmem>> -> memref<1x128xi32, #tpu.memory_space<vmem>>
    %dma_start3A_14 = tpu.memref_squeeze %dma_start3A_13 : memref<1x128xi32, #tpu.memory_space<vmem>> -> memref<128xi32, #tpu.memory_space<vmem>>
    %dma_start3A_15 = arith.constant 0 : i32
    %dma_start3A_16 = arith.constant 0 : i32
    %dma_start3A_17 = tpu.memref_slice %arg2[%dma_start3A_15, %dma_start3A_16] : memref<32768x128xf32, #tpu.memory_space<hbm>> -> memref<32768x128xf32, #tpu.memory_space<hbm>>
    tpu.enqueue_indirect_dma source(%dma_start3A_17 : memref<32768x128xf32, #tpu.memory_space<hbm>>) target(%arg7 : memref<128x128xf32, #tpu.memory_space<vmem>>) offsets(%dma_start3A_14 : memref<128xi32, #tpu.memory_space<vmem>>) semaphore(%arg11 : memref<!tpu.dma_semaphore, #tpu.memory_space<semaphore_mem>>)
    %dma_wait3A = arith.constant 0 : i32
    %dma_wait3A_18 = arith.constant 0 : i32
    %dma_wait3A_19 = tpu.memref_slice %arg5[%dma_wait3A, %dma_wait3A_18] : memref<2x128xi32, #tpu.memory_space<vmem>> -> memref<1x128xi32, #tpu.memory_space<vmem>>
    %dma_wait3A_20 = tpu.memref_squeeze %dma_wait3A_19 : memref<1x128xi32, #tpu.memory_space<vmem>> -> memref<128xi32, #tpu.memory_space<vmem>>
    %dma_wait3A_21 = arith.constant 0 : i32
    %dma_wait3A_22 = arith.constant 0 : i32
    %dma_wait3A_23 = tpu.memref_slice %arg2[%dma_wait3A_21, %dma_wait3A_22] : memref<32768x128xf32, #tpu.memory_space<hbm>> -> memref<32768x128xf32, #tpu.memory_space<hbm>>
    tpu.wait_indirect_dma semaphore(%arg10 : memref<!tpu.dma_semaphore, #tpu.memory_space<semaphore_mem>>) src(%dma_wait3A_23 : memref<32768x128xf32, #tpu.memory_space<hbm>>) dst(%arg6 : memref<128x128xf32, #tpu.memory_space<vmem>>)
    %add3A_24 = arith.constant 0 : i32
    %add3A_25 = arith.addi %mul3A_2, %add3A_24 : i32
    %dma_start3A_26 = arith.constant 0 : i32
    %dma_start3A_27 = tpu.memref_slice %arg4[%add3A_25, %dma_start3A_26] : memref<8192x128xf32, #tpu.memory_space<hbm>> -> memref<128x128xf32, #tpu.memory_space<hbm>>
    %dma_start3A_28 = arith.constant 0 : i32
    %dma_start3A_29 = tpu.memref_slice %arg4[%add3A_25, %dma_start3A_28] : memref<8192x128xf32, #tpu.memory_space<hbm>> -> memref<128x128xf32, #tpu.memory_space<hbm>>
    tpu.enqueue_dma source(%arg6 : memref<128x128xf32, #tpu.memory_space<vmem>>) target(%dma_start3A_29 : memref<128x128xf32, #tpu.memory_space<hbm>>) target_semaphore(%arg14 : memref<!tpu.dma_semaphore, #tpu.memory_space<semaphore_mem>>)
    %dma_wait3A_30 = arith.constant 1 : i32
    %dma_wait3A_31 = arith.constant 0 : i32
    %dma_wait3A_32 = tpu.memref_slice %arg5[%dma_wait3A_30, %dma_wait3A_31] : memref<2x128xi32, #tpu.memory_space<vmem>> -> memref<1x128xi32, #tpu.memory_space<vmem>>
    %dma_wait3A_33 = tpu.memref_squeeze %dma_wait3A_32 : memref<1x128xi32, #tpu.memory_space<vmem>> -> memref<128xi32, #tpu.memory_space<vmem>>
    %dma_wait3A_34 = arith.constant 0 : i32
    %dma_wait3A_35 = arith.constant 0 : i32
    %dma_wait3A_36 = tpu.memref_slice %arg2[%dma_wait3A_34, %dma_wait3A_35] : memref<32768x128xf32, #tpu.memory_space<hbm>> -> memref<32768x128xf32, #tpu.memory_space<hbm>>
    tpu.wait_indirect_dma semaphore(%arg11 : memref<!tpu.dma_semaphore, #tpu.memory_space<semaphore_mem>>) src(%dma_wait3A_36 : memref<32768x128xf32, #tpu.memory_space<hbm>>) dst(%arg7 : memref<128x128xf32, #tpu.memory_space<vmem>>)
    %add3A_37 = arith.constant 128 : i32
    %add3A_38 = arith.addi %mul3A_2, %add3A_37 : i32
    %dma_start3A_39 = arith.constant 0 : i32
    %dma_start3A_40 = tpu.memref_slice %arg4[%add3A_38, %dma_start3A_39] : memref<8192x128xf32, #tpu.memory_space<hbm>> -> memref<128x128xf32, #tpu.memory_space<hbm>>
    %dma_start3A_41 = arith.constant 0 : i32
    %dma_start3A_42 = tpu.memref_slice %arg4[%add3A_38, %dma_start3A_41] : memref<8192x128xf32, #tpu.memory_space<hbm>> -> memref<128x128xf32, #tpu.memory_space<hbm>>
    tpu.enqueue_dma source(%arg7 : memref<128x128xf32, #tpu.memory_space<vmem>>) target(%dma_start3A_42 : memref<128x128xf32, #tpu.memory_space<hbm>>) target_semaphore(%arg15 : memref<!tpu.dma_semaphore, #tpu.memory_space<semaphore_mem>>)
    %dma_wait3A_43 = arith.constant 0 : i32
    %dma_wait3A_44 = tpu.memref_slice %arg4[%add3A_25, %dma_wait3A_43] : memref<8192x128xf32, #tpu.memory_space<hbm>> -> memref<128x128xf32, #tpu.memory_space<hbm>>
    %dma_wait3A_45 = arith.constant 0 : i32
    %dma_wait3A_46 = tpu.memref_slice %arg4[%add3A_25, %dma_wait3A_45] : memref<8192x128xf32, #tpu.memory_space<hbm>> -> memref<128x128xf32, #tpu.memory_space<hbm>>
    tpu.wait_dma2 semaphore(%arg14 : memref<!tpu.dma_semaphore, #tpu.memory_space<semaphore_mem>>) src(%arg6 : memref<128x128xf32, #tpu.memory_space<vmem>>) dst(%dma_wait3A_46 : memref<128x128xf32, #tpu.memory_space<hbm>>)
    %dma_wait3A_47 = arith.constant 0 : i32
    %dma_wait3A_48 = tpu.memref_slice %arg4[%add3A_38, %dma_wait3A_47] : memref<8192x128xf32, #tpu.memory_space<hbm>> -> memref<128x128xf32, #tpu.memory_space<hbm>>
    %dma_wait3A_49 = arith.constant 0 : i32
    %dma_wait3A_50 = tpu.memref_slice %arg4[%add3A_38, %dma_wait3A_49] : memref<8192x128xf32, #tpu.memory_space<hbm>> -> memref<128x128xf32, #tpu.memory_space<hbm>>
    tpu.wait_dma2 semaphore(%arg15 : memref<!tpu.dma_semaphore, #tpu.memory_space<semaphore_mem>>) src(%arg7 : memref<128x128xf32, #tpu.memory_space<vmem>>) dst(%dma_wait3A_50 : memref<128x128xf32, #tpu.memory_space<hbm>>)
    return
  }
}

#map = affine_map<(d0, d1) -> (0, 0)>
module attributes {stable_mosaic.version = 14 : i64} {
  func.func @_sc_gather_body(%arg0: i32, %arg1: i32, %arg2: memref<32768x128xf32, #tpu.memory_space<hbm>>, %arg3: memref<64x128xi32, #tpu.memory_space<hbm>>, %arg4: memref<8192x128xf32, #tpu.memory_space<hbm>>, %arg5: memref<2x128xi32, #tpu.memory_space<vmem>>, %arg6: memref<128x128xf32, #tpu.memory_space<vmem>>, %arg7: memref<128x128xf32, #tpu.memory_space<vmem>>, %arg8: memref<128x128xf32, #tpu.memory_space<vmem>>, %arg9: memref<128x128xf32, #tpu.memory_space<vmem>>, %arg10: memref<!tpu.dma_semaphore, #tpu.memory_space<semaphore_mem>>, %arg11: memref<!tpu.dma_semaphore, #tpu.memory_space<semaphore_mem>>, %arg12: memref<!tpu.dma_semaphore, #tpu.memory_space<semaphore_mem>>, %arg13: memref<!tpu.dma_semaphore, #tpu.memory_space<semaphore_mem>>, %arg14: memref<!tpu.dma_semaphore, #tpu.memory_space<semaphore_mem>>, %arg15: memref<!tpu.dma_semaphore, #tpu.memory_space<semaphore_mem>>, %arg16: memref<!tpu.dma_semaphore, #tpu.memory_space<semaphore_mem>>, %arg17: memref<!tpu.dma_semaphore, #tpu.memory_space<semaphore_mem>>) attributes {dimension_semantics = [#tpu.dimension_semantics<core_parallel>, #tpu.dimension_semantics<subcore_parallel>], iteration_bounds = array<i64: 2, 16>, scalar_prefetch = 0 : i64, scratch_operands = 13 : i64, tpu.core_type = #tpu.core_type<sc_vector_subcore>, window_params = [{transform_indices = #map}, {transform_indices = #map}, {transform_indices = #map}]} {
    %mul3A = arith.constant 2 : i32
    %mul3A_0 = arith.muli %arg1, %mul3A : i32
    %add3A = arith.addi %mul3A_0, %arg0 : i32
    %mul3A_1 = arith.constant 256 : i32
    %mul3A_2 = arith.muli %add3A, %mul3A_1 : i32
    %mul3A_3 = arith.constant 2 : i32
    %mul3A_4 = arith.muli %add3A, %mul3A_3 : i32
    "tpu.region"() ({
      %run_scoped3A = tpu.sem_alloc : memref<!tpu.dma_semaphore, #tpu.memory_space<semaphore_mem>>
      %dma_start3A_51 = arith.constant 0 : i32
      %dma_start3A_52 = tpu.memref_slice %arg3[%mul3A_4, %dma_start3A_51] : memref<64x128xi32, #tpu.memory_space<hbm>> -> memref<2x128xi32, #tpu.memory_space<hbm>>
      %dma_start3A_53 = arith.constant 0 : i32
      %dma_start3A_54 = tpu.memref_slice %arg3[%mul3A_4, %dma_start3A_53] : memref<64x128xi32, #tpu.memory_space<hbm>> -> memref<2x128xi32, #tpu.memory_space<hbm>>
      tpu.enqueue_dma source(%dma_start3A_54 : memref<2x128xi32, #tpu.memory_space<hbm>>) target(%arg5 : memref<2x128xi32, #tpu.memory_space<vmem>>) target_semaphore(%run_scoped3A : memref<!tpu.dma_semaphore, #tpu.memory_space<semaphore_mem>>)
      %dma_wait3A_55 = arith.constant 0 : i32
      %dma_wait3A_56 = tpu.memref_slice %arg3[%mul3A_4, %dma_wait3A_55] : memref<64x128xi32, #tpu.memory_space<hbm>> -> memref<2x128xi32, #tpu.memory_space<hbm>>
      %dma_wait3A_57 = arith.constant 0 : i32
      %dma_wait3A_58 = tpu.memref_slice %arg3[%mul3A_4, %dma_wait3A_57] : memref<64x128xi32, #tpu.memory_space<hbm>> -> memref<2x128xi32, #tpu.memory_space<hbm>>
      tpu.wait_dma2 semaphore(%run_scoped3A : memref<!tpu.dma_semaphore, #tpu.memory_space<semaphore_mem>>) src(%dma_wait3A_58 : memref<2x128xi32, #tpu.memory_space<hbm>>) dst(%arg5 : memref<2x128xi32, #tpu.memory_space<vmem>>)
      tpu.yield
    }) : () -> ()
    %dma_start3A = arith.constant 0 : i32
    %dma_start3A_5 = arith.constant 0 : i32
    %dma_start3A_6 = tpu.memref_slice %arg5[%dma_start3A, %dma_start3A_5] : memref<2x128xi32, #tpu.memory_space<vmem>> -> memref<1x128xi32, #tpu.memory_space<vmem>>
    %dma_start3A_7 = tpu.memref_squeeze %dma_start3A_6 : memref<1x128xi32, #tpu.memory_space<vmem>> -> memref<128xi32, #tpu.memory_space<vmem>>
    %dma_start3A_8 = arith.constant 0 : i32
    %dma_start3A_9 = arith.constant 0 : i32
    %dma_start3A_10 = tpu.memref_slice %arg2[%dma_start3A_8, %dma_start3A_9] : memref<32768x128xf32, #tpu.memory_space<hbm>> -> memref<32768x128xf32, #tpu.memory_space<hbm>>
    tpu.enqueue_indirect_dma source(%dma_start3A_10 : memref<32768x128xf32, #tpu.memory_space<hbm>>) target(%arg6 : memref<128x128xf32, #tpu.memory_space<vmem>>) offsets(%dma_start3A_7 : memref<128xi32, #tpu.memory_space<vmem>>) semaphore(%arg10 : memref<!tpu.dma_semaphore, #tpu.memory_space<semaphore_mem>>)
    %dma_start3A_11 = arith.constant 1 : i32
    %dma_start3A_12 = arith.constant 0 : i32
    %dma_start3A_13 = tpu.memref_slice %arg5[%dma_start3A_11, %dma_start3A_12] : memref<2x128xi32, #tpu.memory_space<vmem>> -> memref<1x128xi32, #tpu.memory_space<vmem>>
    %dma_start3A_14 = tpu.memref_squeeze %dma_start3A_13 : memref<1x128xi32, #tpu.memory_space<vmem>> -> memref<128xi32, #tpu.memory_space<vmem>>
    %dma_start3A_15 = arith.constant 0 : i32
    %dma_start3A_16 = arith.constant 0 : i32
    %dma_start3A_17 = tpu.memref_slice %arg2[%dma_start3A_15, %dma_start3A_16] : memref<32768x128xf32, #tpu.memory_space<hbm>> -> memref<32768x128xf32, #tpu.memory_space<hbm>>
    tpu.enqueue_indirect_dma source(%dma_start3A_17 : memref<32768x128xf32, #tpu.memory_space<hbm>>) target(%arg7 : memref<128x128xf32, #tpu.memory_space<vmem>>) offsets(%dma_start3A_14 : memref<128xi32, #tpu.memory_space<vmem>>) semaphore(%arg11 : memref<!tpu.dma_semaphore, #tpu.memory_space<semaphore_mem>>)
    %dma_wait3A = arith.constant 0 : i32
    %dma_wait3A_18 = arith.constant 0 : i32
    %dma_wait3A_19 = tpu.memref_slice %arg5[%dma_wait3A, %dma_wait3A_18] : memref<2x128xi32, #tpu.memory_space<vmem>> -> memref<1x128xi32, #tpu.memory_space<vmem>>
    %dma_wait3A_20 = tpu.memref_squeeze %dma_wait3A_19 : memref<1x128xi32, #tpu.memory_space<vmem>> -> memref<128xi32, #tpu.memory_space<vmem>>
    %dma_wait3A_21 = arith.constant 0 : i32
    %dma_wait3A_22 = arith.constant 0 : i32
    %dma_wait3A_23 = tpu.memref_slice %arg2[%dma_wait3A_21, %dma_wait3A_22] : memref<32768x128xf32, #tpu.memory_space<hbm>> -> memref<32768x128xf32, #tpu.memory_space<hbm>>
    tpu.wait_indirect_dma semaphore(%arg10 : memref<!tpu.dma_semaphore, #tpu.memory_space<semaphore_mem>>) src(%dma_wait3A_23 : memref<32768x128xf32, #tpu.memory_space<hbm>>) dst(%arg6 : memref<128x128xf32, #tpu.memory_space<vmem>>)
    %add3A_24 = arith.constant 0 : i32
    %add3A_25 = arith.addi %mul3A_2, %add3A_24 : i32
    %dma_start3A_26 = arith.constant 0 : i32
    %dma_start3A_27 = tpu.memref_slice %arg4[%add3A_25, %dma_start3A_26] : memref<8192x128xf32, #tpu.memory_space<hbm>> -> memref<128x128xf32, #tpu.memory_space<hbm>>
    %dma_start3A_28 = arith.constant 0 : i32
    %dma_start3A_29 = tpu.memref_slice %arg4[%add3A_25, %dma_start3A_28] : memref<8192x128xf32, #tpu.memory_space<hbm>> -> memref<128x128xf32, #tpu.memory_space<hbm>>
    tpu.enqueue_dma source(%arg6 : memref<128x128xf32, #tpu.memory_space<vmem>>) target(%dma_start3A_29 : memref<128x128xf32, #tpu.memory_space<hbm>>) target_semaphore(%arg14 : memref<!tpu.dma_semaphore, #tpu.memory_space<semaphore_mem>>)
    %dma_wait3A_30 = arith.constant 1 : i32
    %dma_wait3A_31 = arith.constant 0 : i32
    %dma_wait3A_32 = tpu.memref_slice %arg5[%dma_wait3A_30, %dma_wait3A_31] : memref<2x128xi32, #tpu.memory_space<vmem>> -> memref<1x128xi32, #tpu.memory_space<vmem>>
    %dma_wait3A_33 = tpu.memref_squeeze %dma_wait3A_32 : memref<1x128xi32, #tpu.memory_space<vmem>> -> memref<128xi32, #tpu.memory_space<vmem>>
    %dma_wait3A_34 = arith.constant 0 : i32
    %dma_wait3A_35 = arith.constant 0 : i32
    %dma_wait3A_36 = tpu.memref_slice %arg2[%dma_wait3A_34, %dma_wait3A_35] : memref<32768x128xf32, #tpu.memory_space<hbm>> -> memref<32768x128xf32, #tpu.memory_space<hbm>>
    tpu.wait_indirect_dma semaphore(%arg11 : memref<!tpu.dma_semaphore, #tpu.memory_space<semaphore_mem>>) src(%dma_wait3A_36 : memref<32768x128xf32, #tpu.memory_space<hbm>>) dst(%arg7 : memref<128x128xf32, #tpu.memory_space<vmem>>)
    %add3A_37 = arith.constant 128 : i32
    %add3A_38 = arith.addi %mul3A_2, %add3A_37 : i32
    %dma_start3A_39 = arith.constant 0 : i32
    %dma_start3A_40 = tpu.memref_slice %arg4[%add3A_38, %dma_start3A_39] : memref<8192x128xf32, #tpu.memory_space<hbm>> -> memref<128x128xf32, #tpu.memory_space<hbm>>
    %dma_start3A_41 = arith.constant 0 : i32
    %dma_start3A_42 = tpu.memref_slice %arg4[%add3A_38, %dma_start3A_41] : memref<8192x128xf32, #tpu.memory_space<hbm>> -> memref<128x128xf32, #tpu.memory_space<hbm>>
    tpu.enqueue_dma source(%arg7 : memref<128x128xf32, #tpu.memory_space<vmem>>) target(%dma_start3A_42 : memref<128x128xf32, #tpu.memory_space<hbm>>) target_semaphore(%arg15 : memref<!tpu.dma_semaphore, #tpu.memory_space<semaphore_mem>>)
    %dma_wait3A_43 = arith.constant 0 : i32
    %dma_wait3A_44 = tpu.memref_slice %arg4[%add3A_25, %dma_wait3A_43] : memref<8192x128xf32, #tpu.memory_space<hbm>> -> memref<128x128xf32, #tpu.memory_space<hbm>>
    %dma_wait3A_45 = arith.constant 0 : i32
    %dma_wait3A_46 = tpu.memref_slice %arg4[%add3A_25, %dma_wait3A_45] : memref<8192x128xf32, #tpu.memory_space<hbm>> -> memref<128x128xf32, #tpu.memory_space<hbm>>
    tpu.wait_dma2 semaphore(%arg14 : memref<!tpu.dma_semaphore, #tpu.memory_space<semaphore_mem>>) src(%arg6 : memref<128x128xf32, #tpu.memory_space<vmem>>) dst(%dma_wait3A_46 : memref<128x128xf32, #tpu.memory_space<hbm>>)
    %dma_wait3A_47 = arith.constant 0 : i32
    %dma_wait3A_48 = tpu.memref_slice %arg4[%add3A_38, %dma_wait3A_47] : memref<8192x128xf32, #tpu.memory_space<hbm>> -> memref<128x128xf32, #tpu.memory_space<hbm>>
    %dma_wait3A_49 = arith.constant 0 : i32
    %dma_wait3A_50 = tpu.memref_slice %arg4[%add3A_38, %dma_wait3A_49] : memref<8192x128xf32, #tpu.memory_space<hbm>> -> memref<128x128xf32, #tpu.memory_space<hbm>>
    tpu.wait_dma2 semaphore(%arg15 : memref<!tpu.dma_semaphore, #tpu.memory_space<semaphore_mem>>) src(%arg7 : memref<128x128xf32, #tpu.memory_space<vmem>>) dst(%dma_wait3A_50 : memref<128x128xf32, #tpu.memory_space<hbm>>)
    return
  }
}

#map = affine_map<(d0, d1) -> (0, 0)>
module attributes {stable_mosaic.version = 14 : i64} {
  func.func @_sc_gather_body(%arg0: i32, %arg1: i32, %arg2: memref<32768x128xf32, #tpu.memory_space<hbm>>, %arg3: memref<64x128xi32, #tpu.memory_space<hbm>>, %arg4: memref<8192x128xf32, #tpu.memory_space<hbm>>, %arg5: memref<2x128xi32, #tpu.memory_space<vmem>>, %arg6: memref<128x128xf32, #tpu.memory_space<vmem>>, %arg7: memref<128x128xf32, #tpu.memory_space<vmem>>, %arg8: memref<128x128xf32, #tpu.memory_space<vmem>>, %arg9: memref<128x128xf32, #tpu.memory_space<vmem>>, %arg10: memref<!tpu.dma_semaphore, #tpu.memory_space<semaphore_mem>>, %arg11: memref<!tpu.dma_semaphore, #tpu.memory_space<semaphore_mem>>, %arg12: memref<!tpu.dma_semaphore, #tpu.memory_space<semaphore_mem>>, %arg13: memref<!tpu.dma_semaphore, #tpu.memory_space<semaphore_mem>>, %arg14: memref<!tpu.dma_semaphore, #tpu.memory_space<semaphore_mem>>, %arg15: memref<!tpu.dma_semaphore, #tpu.memory_space<semaphore_mem>>, %arg16: memref<!tpu.dma_semaphore, #tpu.memory_space<semaphore_mem>>, %arg17: memref<!tpu.dma_semaphore, #tpu.memory_space<semaphore_mem>>) attributes {dimension_semantics = [#tpu.dimension_semantics<core_parallel>, #tpu.dimension_semantics<subcore_parallel>], iteration_bounds = array<i64: 2, 16>, scalar_prefetch = 0 : i64, scratch_operands = 13 : i64, tpu.core_type = #tpu.core_type<sc_vector_subcore>, window_params = [{transform_indices = #map}, {transform_indices = #map}, {transform_indices = #map}]} {
    %mul3A = arith.constant 2 : i32
    %mul3A_0 = arith.muli %arg1, %mul3A : i32
    %add3A = arith.addi %mul3A_0, %arg0 : i32
    %mul3A_1 = arith.constant 256 : i32
    %mul3A_2 = arith.muli %add3A, %mul3A_1 : i32
    %mul3A_3 = arith.constant 2 : i32
    %mul3A_4 = arith.muli %add3A, %mul3A_3 : i32
    "tpu.region"() ({
      %run_scoped3A = tpu.sem_alloc : memref<!tpu.dma_semaphore, #tpu.memory_space<semaphore_mem>>
      %dma_start3A_51 = arith.constant 0 : i32
      %dma_start3A_52 = tpu.memref_slice %arg3[%mul3A_4, %dma_start3A_51] : memref<64x128xi32, #tpu.memory_space<hbm>> -> memref<2x128xi32, #tpu.memory_space<hbm>>
      %dma_start3A_53 = arith.constant 0 : i32
      %dma_start3A_54 = tpu.memref_slice %arg3[%mul3A_4, %dma_start3A_53] : memref<64x128xi32, #tpu.memory_space<hbm>> -> memref<2x128xi32, #tpu.memory_space<hbm>>
      tpu.enqueue_dma source(%dma_start3A_54 : memref<2x128xi32, #tpu.memory_space<hbm>>) target(%arg5 : memref<2x128xi32, #tpu.memory_space<vmem>>) target_semaphore(%run_scoped3A : memref<!tpu.dma_semaphore, #tpu.memory_space<semaphore_mem>>)
      %dma_wait3A_55 = arith.constant 0 : i32
      %dma_wait3A_56 = tpu.memref_slice %arg3[%mul3A_4, %dma_wait3A_55] : memref<64x128xi32, #tpu.memory_space<hbm>> -> memref<2x128xi32, #tpu.memory_space<hbm>>
      %dma_wait3A_57 = arith.constant 0 : i32
      %dma_wait3A_58 = tpu.memref_slice %arg3[%mul3A_4, %dma_wait3A_57] : memref<64x128xi32, #tpu.memory_space<hbm>> -> memref<2x128xi32, #tpu.memory_space<hbm>>
      tpu.wait_dma2 semaphore(%run_scoped3A : memref<!tpu.dma_semaphore, #tpu.memory_space<semaphore_mem>>) src(%dma_wait3A_58 : memref<2x128xi32, #tpu.memory_space<hbm>>) dst(%arg5 : memref<2x128xi32, #tpu.memory_space<vmem>>)
      tpu.yield
    }) : () -> ()
    %dma_start3A = arith.constant 0 : i32
    %dma_start3A_5 = arith.constant 0 : i32
    %dma_start3A_6 = tpu.memref_slice %arg5[%dma_start3A, %dma_start3A_5] : memref<2x128xi32, #tpu.memory_space<vmem>> -> memref<1x128xi32, #tpu.memory_space<vmem>>
    %dma_start3A_7 = tpu.memref_squeeze %dma_start3A_6 : memref<1x128xi32, #tpu.memory_space<vmem>> -> memref<128xi32, #tpu.memory_space<vmem>>
    %dma_start3A_8 = arith.constant 0 : i32
    %dma_start3A_9 = arith.constant 0 : i32
    %dma_start3A_10 = tpu.memref_slice %arg2[%dma_start3A_8, %dma_start3A_9] : memref<32768x128xf32, #tpu.memory_space<hbm>> -> memref<32768x128xf32, #tpu.memory_space<hbm>>
    tpu.enqueue_indirect_dma source(%dma_start3A_10 : memref<32768x128xf32, #tpu.memory_space<hbm>>) target(%arg6 : memref<128x128xf32, #tpu.memory_space<vmem>>) offsets(%dma_start3A_7 : memref<128xi32, #tpu.memory_space<vmem>>) semaphore(%arg10 : memref<!tpu.dma_semaphore, #tpu.memory_space<semaphore_mem>>)
    %dma_start3A_11 = arith.constant 1 : i32
    %dma_start3A_12 = arith.constant 0 : i32
    %dma_start3A_13 = tpu.memref_slice %arg5[%dma_start3A_11, %dma_start3A_12] : memref<2x128xi32, #tpu.memory_space<vmem>> -> memref<1x128xi32, #tpu.memory_space<vmem>>
    %dma_start3A_14 = tpu.memref_squeeze %dma_start3A_13 : memref<1x128xi32, #tpu.memory_space<vmem>> -> memref<128xi32, #tpu.memory_space<vmem>>
    %dma_start3A_15 = arith.constant 0 : i32
    %dma_start3A_16 = arith.constant 0 : i32
    %dma_start3A_17 = tpu.memref_slice %arg2[%dma_start3A_15, %dma_start3A_16] : memref<32768x128xf32, #tpu.memory_space<hbm>> -> memref<32768x128xf32, #tpu.memory_space<hbm>>
    tpu.enqueue_indirect_dma source(%dma_start3A_17 : memref<32768x128xf32, #tpu.memory_space<hbm>>) target(%arg7 : memref<128x128xf32, #tpu.memory_space<vmem>>) offsets(%dma_start3A_14 : memref<128xi32, #tpu.memory_space<vmem>>) semaphore(%arg11 : memref<!tpu.dma_semaphore, #tpu.memory_space<semaphore_mem>>)
    %dma_wait3A = arith.constant 0 : i32
    %dma_wait3A_18 = arith.constant 0 : i32
    %dma_wait3A_19 = tpu.memref_slice %arg5[%dma_wait3A, %dma_wait3A_18] : memref<2x128xi32, #tpu.memory_space<vmem>> -> memref<1x128xi32, #tpu.memory_space<vmem>>
    %dma_wait3A_20 = tpu.memref_squeeze %dma_wait3A_19 : memref<1x128xi32, #tpu.memory_space<vmem>> -> memref<128xi32, #tpu.memory_space<vmem>>
    %dma_wait3A_21 = arith.constant 0 : i32
    %dma_wait3A_22 = arith.constant 0 : i32
    %dma_wait3A_23 = tpu.memref_slice %arg2[%dma_wait3A_21, %dma_wait3A_22] : memref<32768x128xf32, #tpu.memory_space<hbm>> -> memref<32768x128xf32, #tpu.memory_space<hbm>>
    tpu.wait_indirect_dma semaphore(%arg10 : memref<!tpu.dma_semaphore, #tpu.memory_space<semaphore_mem>>) src(%dma_wait3A_23 : memref<32768x128xf32, #tpu.memory_space<hbm>>) dst(%arg6 : memref<128x128xf32, #tpu.memory_space<vmem>>)
    %add3A_24 = arith.constant 0 : i32
    %add3A_25 = arith.addi %mul3A_2, %add3A_24 : i32
    %dma_start3A_26 = arith.constant 0 : i32
    %dma_start3A_27 = tpu.memref_slice %arg4[%add3A_25, %dma_start3A_26] : memref<8192x128xf32, #tpu.memory_space<hbm>> -> memref<128x128xf32, #tpu.memory_space<hbm>>
    %dma_start3A_28 = arith.constant 0 : i32
    %dma_start3A_29 = tpu.memref_slice %arg4[%add3A_25, %dma_start3A_28] : memref<8192x128xf32, #tpu.memory_space<hbm>> -> memref<128x128xf32, #tpu.memory_space<hbm>>
    tpu.enqueue_dma source(%arg6 : memref<128x128xf32, #tpu.memory_space<vmem>>) target(%dma_start3A_29 : memref<128x128xf32, #tpu.memory_space<hbm>>) target_semaphore(%arg14 : memref<!tpu.dma_semaphore, #tpu.memory_space<semaphore_mem>>)
    %dma_wait3A_30 = arith.constant 1 : i32
    %dma_wait3A_31 = arith.constant 0 : i32
    %dma_wait3A_32 = tpu.memref_slice %arg5[%dma_wait3A_30, %dma_wait3A_31] : memref<2x128xi32, #tpu.memory_space<vmem>> -> memref<1x128xi32, #tpu.memory_space<vmem>>
    %dma_wait3A_33 = tpu.memref_squeeze %dma_wait3A_32 : memref<1x128xi32, #tpu.memory_space<vmem>> -> memref<128xi32, #tpu.memory_space<vmem>>
    %dma_wait3A_34 = arith.constant 0 : i32
    %dma_wait3A_35 = arith.constant 0 : i32
    %dma_wait3A_36 = tpu.memref_slice %arg2[%dma_wait3A_34, %dma_wait3A_35] : memref<32768x128xf32, #tpu.memory_space<hbm>> -> memref<32768x128xf32, #tpu.memory_space<hbm>>
    tpu.wait_indirect_dma semaphore(%arg11 : memref<!tpu.dma_semaphore, #tpu.memory_space<semaphore_mem>>) src(%dma_wait3A_36 : memref<32768x128xf32, #tpu.memory_space<hbm>>) dst(%arg7 : memref<128x128xf32, #tpu.memory_space<vmem>>)
    %add3A_37 = arith.constant 128 : i32
    %add3A_38 = arith.addi %mul3A_2, %add3A_37 : i32
    %dma_start3A_39 = arith.constant 0 : i32
    %dma_start3A_40 = tpu.memref_slice %arg4[%add3A_38, %dma_start3A_39] : memref<8192x128xf32, #tpu.memory_space<hbm>> -> memref<128x128xf32, #tpu.memory_space<hbm>>
    %dma_start3A_41 = arith.constant 0 : i32
    %dma_start3A_42 = tpu.memref_slice %arg4[%add3A_38, %dma_start3A_41] : memref<8192x128xf32, #tpu.memory_space<hbm>> -> memref<128x128xf32, #tpu.memory_space<hbm>>
    tpu.enqueue_dma source(%arg7 : memref<128x128xf32, #tpu.memory_space<vmem>>) target(%dma_start3A_42 : memref<128x128xf32, #tpu.memory_space<hbm>>) target_semaphore(%arg15 : memref<!tpu.dma_semaphore, #tpu.memory_space<semaphore_mem>>)
    %dma_wait3A_43 = arith.constant 0 : i32
    %dma_wait3A_44 = tpu.memref_slice %arg4[%add3A_25, %dma_wait3A_43] : memref<8192x128xf32, #tpu.memory_space<hbm>> -> memref<128x128xf32, #tpu.memory_space<hbm>>
    %dma_wait3A_45 = arith.constant 0 : i32
    %dma_wait3A_46 = tpu.memref_slice %arg4[%add3A_25, %dma_wait3A_45] : memref<8192x128xf32, #tpu.memory_space<hbm>> -> memref<128x128xf32, #tpu.memory_space<hbm>>
    tpu.wait_dma2 semaphore(%arg14 : memref<!tpu.dma_semaphore, #tpu.memory_space<semaphore_mem>>) src(%arg6 : memref<128x128xf32, #tpu.memory_space<vmem>>) dst(%dma_wait3A_46 : memref<128x128xf32, #tpu.memory_space<hbm>>)
    %dma_wait3A_47 = arith.constant 0 : i32
    %dma_wait3A_48 = tpu.memref_slice %arg4[%add3A_38, %dma_wait3A_47] : memref<8192x128xf32, #tpu.memory_space<hbm>> -> memref<128x128xf32, #tpu.memory_space<hbm>>
    %dma_wait3A_49 = arith.constant 0 : i32
    %dma_wait3A_50 = tpu.memref_slice %arg4[%add3A_38, %dma_wait3A_49] : memref<8192x128xf32, #tpu.memory_space<hbm>> -> memref<128x128xf32, #tpu.memory_space<hbm>>
    tpu.wait_dma2 semaphore(%arg15 : memref<!tpu.dma_semaphore, #tpu.memory_space<semaphore_mem>>) src(%arg7 : memref<128x128xf32, #tpu.memory_space<vmem>>) dst(%dma_wait3A_50 : memref<128x128xf32, #tpu.memory_space<hbm>>)
    return
  }
}

#map = affine_map<(d0, d1) -> (0, 0)>
module attributes {stable_mosaic.version = 14 : i64} {
  func.func @_sc_gather_body(%arg0: i32, %arg1: i32, %arg2: memref<32768x128xf32, #tpu.memory_space<hbm>>, %arg3: memref<64x128xi32, #tpu.memory_space<hbm>>, %arg4: memref<8192x128xf32, #tpu.memory_space<hbm>>, %arg5: memref<2x128xi32, #tpu.memory_space<vmem>>, %arg6: memref<128x128xf32, #tpu.memory_space<vmem>>, %arg7: memref<128x128xf32, #tpu.memory_space<vmem>>, %arg8: memref<128x128xf32, #tpu.memory_space<vmem>>, %arg9: memref<128x128xf32, #tpu.memory_space<vmem>>, %arg10: memref<!tpu.dma_semaphore, #tpu.memory_space<semaphore_mem>>, %arg11: memref<!tpu.dma_semaphore, #tpu.memory_space<semaphore_mem>>, %arg12: memref<!tpu.dma_semaphore, #tpu.memory_space<semaphore_mem>>, %arg13: memref<!tpu.dma_semaphore, #tpu.memory_space<semaphore_mem>>, %arg14: memref<!tpu.dma_semaphore, #tpu.memory_space<semaphore_mem>>, %arg15: memref<!tpu.dma_semaphore, #tpu.memory_space<semaphore_mem>>, %arg16: memref<!tpu.dma_semaphore, #tpu.memory_space<semaphore_mem>>, %arg17: memref<!tpu.dma_semaphore, #tpu.memory_space<semaphore_mem>>) attributes {dimension_semantics = [#tpu.dimension_semantics<core_parallel>, #tpu.dimension_semantics<subcore_parallel>], iteration_bounds = array<i64: 2, 16>, scalar_prefetch = 0 : i64, scratch_operands = 13 : i64, tpu.core_type = #tpu.core_type<sc_vector_subcore>, window_params = [{transform_indices = #map}, {transform_indices = #map}, {transform_indices = #map}]} {
    %mul3A = arith.constant 2 : i32
    %mul3A_0 = arith.muli %arg1, %mul3A : i32
    %add3A = arith.addi %mul3A_0, %arg0 : i32
    %mul3A_1 = arith.constant 256 : i32
    %mul3A_2 = arith.muli %add3A, %mul3A_1 : i32
    %mul3A_3 = arith.constant 2 : i32
    %mul3A_4 = arith.muli %add3A, %mul3A_3 : i32
    "tpu.region"() ({
      %run_scoped3A = tpu.sem_alloc : memref<!tpu.dma_semaphore, #tpu.memory_space<semaphore_mem>>
      %dma_start3A_51 = arith.constant 0 : i32
      %dma_start3A_52 = tpu.memref_slice %arg3[%mul3A_4, %dma_start3A_51] : memref<64x128xi32, #tpu.memory_space<hbm>> -> memref<2x128xi32, #tpu.memory_space<hbm>>
      %dma_start3A_53 = arith.constant 0 : i32
      %dma_start3A_54 = tpu.memref_slice %arg3[%mul3A_4, %dma_start3A_53] : memref<64x128xi32, #tpu.memory_space<hbm>> -> memref<2x128xi32, #tpu.memory_space<hbm>>
      tpu.enqueue_dma source(%dma_start3A_54 : memref<2x128xi32, #tpu.memory_space<hbm>>) target(%arg5 : memref<2x128xi32, #tpu.memory_space<vmem>>) target_semaphore(%run_scoped3A : memref<!tpu.dma_semaphore, #tpu.memory_space<semaphore_mem>>)
      %dma_wait3A_55 = arith.constant 0 : i32
      %dma_wait3A_56 = tpu.memref_slice %arg3[%mul3A_4, %dma_wait3A_55] : memref<64x128xi32, #tpu.memory_space<hbm>> -> memref<2x128xi32, #tpu.memory_space<hbm>>
      %dma_wait3A_57 = arith.constant 0 : i32
      %dma_wait3A_58 = tpu.memref_slice %arg3[%mul3A_4, %dma_wait3A_57] : memref<64x128xi32, #tpu.memory_space<hbm>> -> memref<2x128xi32, #tpu.memory_space<hbm>>
      tpu.wait_dma2 semaphore(%run_scoped3A : memref<!tpu.dma_semaphore, #tpu.memory_space<semaphore_mem>>) src(%dma_wait3A_58 : memref<2x128xi32, #tpu.memory_space<hbm>>) dst(%arg5 : memref<2x128xi32, #tpu.memory_space<vmem>>)
      tpu.yield
    }) : () -> ()
    %dma_start3A = arith.constant 0 : i32
    %dma_start3A_5 = arith.constant 0 : i32
    %dma_start3A_6 = tpu.memref_slice %arg5[%dma_start3A, %dma_start3A_5] : memref<2x128xi32, #tpu.memory_space<vmem>> -> memref<1x128xi32, #tpu.memory_space<vmem>>
    %dma_start3A_7 = tpu.memref_squeeze %dma_start3A_6 : memref<1x128xi32, #tpu.memory_space<vmem>> -> memref<128xi32, #tpu.memory_space<vmem>>
    %dma_start3A_8 = arith.constant 0 : i32
    %dma_start3A_9 = arith.constant 0 : i32
    %dma_start3A_10 = tpu.memref_slice %arg2[%dma_start3A_8, %dma_start3A_9] : memref<32768x128xf32, #tpu.memory_space<hbm>> -> memref<32768x128xf32, #tpu.memory_space<hbm>>
    tpu.enqueue_indirect_dma source(%dma_start3A_10 : memref<32768x128xf32, #tpu.memory_space<hbm>>) target(%arg6 : memref<128x128xf32, #tpu.memory_space<vmem>>) offsets(%dma_start3A_7 : memref<128xi32, #tpu.memory_space<vmem>>) semaphore(%arg10 : memref<!tpu.dma_semaphore, #tpu.memory_space<semaphore_mem>>)
    %dma_start3A_11 = arith.constant 1 : i32
    %dma_start3A_12 = arith.constant 0 : i32
    %dma_start3A_13 = tpu.memref_slice %arg5[%dma_start3A_11, %dma_start3A_12] : memref<2x128xi32, #tpu.memory_space<vmem>> -> memref<1x128xi32, #tpu.memory_space<vmem>>
    %dma_start3A_14 = tpu.memref_squeeze %dma_start3A_13 : memref<1x128xi32, #tpu.memory_space<vmem>> -> memref<128xi32, #tpu.memory_space<vmem>>
    %dma_start3A_15 = arith.constant 0 : i32
    %dma_start3A_16 = arith.constant 0 : i32
    %dma_start3A_17 = tpu.memref_slice %arg2[%dma_start3A_15, %dma_start3A_16] : memref<32768x128xf32, #tpu.memory_space<hbm>> -> memref<32768x128xf32, #tpu.memory_space<hbm>>
    tpu.enqueue_indirect_dma source(%dma_start3A_17 : memref<32768x128xf32, #tpu.memory_space<hbm>>) target(%arg7 : memref<128x128xf32, #tpu.memory_space<vmem>>) offsets(%dma_start3A_14 : memref<128xi32, #tpu.memory_space<vmem>>) semaphore(%arg11 : memref<!tpu.dma_semaphore, #tpu.memory_space<semaphore_mem>>)
    %dma_wait3A = arith.constant 0 : i32
    %dma_wait3A_18 = arith.constant 0 : i32
    %dma_wait3A_19 = tpu.memref_slice %arg5[%dma_wait3A, %dma_wait3A_18] : memref<2x128xi32, #tpu.memory_space<vmem>> -> memref<1x128xi32, #tpu.memory_space<vmem>>
    %dma_wait3A_20 = tpu.memref_squeeze %dma_wait3A_19 : memref<1x128xi32, #tpu.memory_space<vmem>> -> memref<128xi32, #tpu.memory_space<vmem>>
    %dma_wait3A_21 = arith.constant 0 : i32
    %dma_wait3A_22 = arith.constant 0 : i32
    %dma_wait3A_23 = tpu.memref_slice %arg2[%dma_wait3A_21, %dma_wait3A_22] : memref<32768x128xf32, #tpu.memory_space<hbm>> -> memref<32768x128xf32, #tpu.memory_space<hbm>>
    tpu.wait_indirect_dma semaphore(%arg10 : memref<!tpu.dma_semaphore, #tpu.memory_space<semaphore_mem>>) src(%dma_wait3A_23 : memref<32768x128xf32, #tpu.memory_space<hbm>>) dst(%arg6 : memref<128x128xf32, #tpu.memory_space<vmem>>)
    %add3A_24 = arith.constant 0 : i32
    %add3A_25 = arith.addi %mul3A_2, %add3A_24 : i32
    %dma_start3A_26 = arith.constant 0 : i32
    %dma_start3A_27 = tpu.memref_slice %arg4[%add3A_25, %dma_start3A_26] : memref<8192x128xf32, #tpu.memory_space<hbm>> -> memref<128x128xf32, #tpu.memory_space<hbm>>
    %dma_start3A_28 = arith.constant 0 : i32
    %dma_start3A_29 = tpu.memref_slice %arg4[%add3A_25, %dma_start3A_28] : memref<8192x128xf32, #tpu.memory_space<hbm>> -> memref<128x128xf32, #tpu.memory_space<hbm>>
    tpu.enqueue_dma source(%arg6 : memref<128x128xf32, #tpu.memory_space<vmem>>) target(%dma_start3A_29 : memref<128x128xf32, #tpu.memory_space<hbm>>) target_semaphore(%arg14 : memref<!tpu.dma_semaphore, #tpu.memory_space<semaphore_mem>>)
    %dma_wait3A_30 = arith.constant 1 : i32
    %dma_wait3A_31 = arith.constant 0 : i32
    %dma_wait3A_32 = tpu.memref_slice %arg5[%dma_wait3A_30, %dma_wait3A_31] : memref<2x128xi32, #tpu.memory_space<vmem>> -> memref<1x128xi32, #tpu.memory_space<vmem>>
    %dma_wait3A_33 = tpu.memref_squeeze %dma_wait3A_32 : memref<1x128xi32, #tpu.memory_space<vmem>> -> memref<128xi32, #tpu.memory_space<vmem>>
    %dma_wait3A_34 = arith.constant 0 : i32
    %dma_wait3A_35 = arith.constant 0 : i32
    %dma_wait3A_36 = tpu.memref_slice %arg2[%dma_wait3A_34, %dma_wait3A_35] : memref<32768x128xf32, #tpu.memory_space<hbm>> -> memref<32768x128xf32, #tpu.memory_space<hbm>>
    tpu.wait_indirect_dma semaphore(%arg11 : memref<!tpu.dma_semaphore, #tpu.memory_space<semaphore_mem>>) src(%dma_wait3A_36 : memref<32768x128xf32, #tpu.memory_space<hbm>>) dst(%arg7 : memref<128x128xf32, #tpu.memory_space<vmem>>)
    %add3A_37 = arith.constant 128 : i32
    %add3A_38 = arith.addi %mul3A_2, %add3A_37 : i32
    %dma_start3A_39 = arith.constant 0 : i32
    %dma_start3A_40 = tpu.memref_slice %arg4[%add3A_38, %dma_start3A_39] : memref<8192x128xf32, #tpu.memory_space<hbm>> -> memref<128x128xf32, #tpu.memory_space<hbm>>
    %dma_start3A_41 = arith.constant 0 : i32
    %dma_start3A_42 = tpu.memref_slice %arg4[%add3A_38, %dma_start3A_41] : memref<8192x128xf32, #tpu.memory_space<hbm>> -> memref<128x128xf32, #tpu.memory_space<hbm>>
    tpu.enqueue_dma source(%arg7 : memref<128x128xf32, #tpu.memory_space<vmem>>) target(%dma_start3A_42 : memref<128x128xf32, #tpu.memory_space<hbm>>) target_semaphore(%arg15 : memref<!tpu.dma_semaphore, #tpu.memory_space<semaphore_mem>>)
    %dma_wait3A_43 = arith.constant 0 : i32
    %dma_wait3A_44 = tpu.memref_slice %arg4[%add3A_25, %dma_wait3A_43] : memref<8192x128xf32, #tpu.memory_space<hbm>> -> memref<128x128xf32, #tpu.memory_space<hbm>>
    %dma_wait3A_45 = arith.constant 0 : i32
    %dma_wait3A_46 = tpu.memref_slice %arg4[%add3A_25, %dma_wait3A_45] : memref<8192x128xf32, #tpu.memory_space<hbm>> -> memref<128x128xf32, #tpu.memory_space<hbm>>
    tpu.wait_dma2 semaphore(%arg14 : memref<!tpu.dma_semaphore, #tpu.memory_space<semaphore_mem>>) src(%arg6 : memref<128x128xf32, #tpu.memory_space<vmem>>) dst(%dma_wait3A_46 : memref<128x128xf32, #tpu.memory_space<hbm>>)
    %dma_wait3A_47 = arith.constant 0 : i32
    %dma_wait3A_48 = tpu.memref_slice %arg4[%add3A_38, %dma_wait3A_47] : memref<8192x128xf32, #tpu.memory_space<hbm>> -> memref<128x128xf32, #tpu.memory_space<hbm>>
    %dma_wait3A_49 = arith.constant 0 : i32
    %dma_wait3A_50 = tpu.memref_slice %arg4[%add3A_38, %dma_wait3A_49] : memref<8192x128xf32, #tpu.memory_space<hbm>> -> memref<128x128xf32, #tpu.memory_space<hbm>>
    tpu.wait_dma2 semaphore(%arg15 : memref<!tpu.dma_semaphore, #tpu.memory_space<semaphore_mem>>) src(%arg7 : memref<128x128xf32, #tpu.memory_space<vmem>>) dst(%dma_wait3A_50 : memref<128x128xf32, #tpu.memory_space<hbm>>)
    return
  }
}

module attributes {stable_mosaic.version = 14 : i64} {
  func.func @_tc_argmin_body(%arg0: i32, %arg1: memref<256x256xf32, #tpu.memory_space<vmem>>, %arg2: memref<4x64x8192xf32, #tpu.memory_space<vmem>>, %arg3: memref<1x256x4xi32, #tpu.memory_space<vmem>>, %arg4: memref<1x256x4xi32, #tpu.memory_space<vmem>>, %arg5: memref<4x8192xf32, #tpu.memory_space<vmem>>) attributes {dimension_semantics = [#tpu.dimension_semantics<arbitrary>], iteration_bounds = array<i64: 8>, scalar_prefetch = 0 : i64, scratch_operands = 1 : i64, tpu.core_type = #tpu.core_type<tc>, window_params = [{transform_indices = @transform_0, window_bounds = array<i64: 256, 256>}, {pipeline_mode = #tpu.pipeline_mode<synchronous>, transform_indices = @transform_1, window_bounds = array<i64: 4, 64, 8192>}, {transform_indices = @transform_2, window_bounds = array<i64: 1, 256, 4>}, {transform_indices = @transform_3, window_bounds = array<i64: 1, 256, 4>}]} {
    %eq3A = arith.constant 0 : i32
    %eq3A_0 = arith.cmpi eq, %arg0, %eq3A : i32
    %convert_element_type3A = arith.extui %eq3A_0 : i1 to i32
    %cond3A = arith.constant 0 : i32
    %cond3A_1 = arith.cmpi ne, %convert_element_type3A, %cond3A : i32
    scf.if %cond3A_1 {
      %get3A_126 = arith.constant 0 : index
      %get3A_127 = arith.constant 0 : index
      %get3A_128 = arith.constant 0 : index
      %get3A_129 = vector.load %arg2[%get3A_126, %get3A_127, %get3A_128] : memref<4x64x8192xf32, #tpu.memory_space<vmem>>, vector<1x64x8192xf32>
      %get3A_130 = vector.shape_cast %get3A_129 : vector<1x64x8192xf32> to vector<64x8192xf32>
      %mul3A_131 = arith.mulf %get3A_130, %get3A_130 : vector<64x8192xf32>
      %reduce_sum3A_132 = arith.constant dense<0.000000e+00> : vector<8192xf32>
      %reduce_sum3A_133 = vector.multi_reduction <add>, %mul3A_131, %reduce_sum3A_132 [0] : vector<64x8192xf32> to vector<8192xf32>
      %swap3A_134 = arith.constant 0 : index
      %swap3A_135 = arith.constant 0 : index
      %swap3A_136 = vector.load %arg5[%swap3A_134, %swap3A_135] : memref<4x8192xf32, #tpu.memory_space<vmem>>, vector<1x8192xf32>
      %swap3A_137 = vector.shape_cast %swap3A_136 : vector<1x8192xf32> to vector<8192xf32>
      %swap3A_138 = vector.shape_cast %reduce_sum3A_133 : vector<8192xf32> to vector<1x8192xf32>
      tpu.vector_store %arg5[%swap3A_134, %swap3A_135], %swap3A_138 {strides = array<i32>} : memref<4x8192xf32, #tpu.memory_space<vmem>>, vector<1x8192xf32>,
      %get3A_139 = arith.constant 1 : index
      %get3A_140 = arith.constant 0 : index
      %get3A_141 = arith.constant 0 : index
      %get3A_142 = vector.load %arg2[%get3A_139, %get3A_140, %get3A_141] : memref<4x64x8192xf32, #tpu.memory_space<vmem>>, vector<1x64x8192xf32>
      %get3A_143 = vector.shape_cast %get3A_142 : vector<1x64x8192xf32> to vector<64x8192xf32>
      %mul3A_144 = arith.mulf %get3A_143, %get3A_143 : vector<64x8192xf32>
      %reduce_sum3A_145 = arith.constant dense<0.000000e+00> : vector<8192xf32>
      %reduce_sum3A_146 = vector.multi_reduction <add>, %mul3A_144, %reduce_sum3A_145 [0] : vector<64x8192xf32> to vector<8192xf32>
      %swap3A_147 = arith.constant 1 : index
      %swap3A_148 = arith.constant 0 : index
      %swap3A_149 = vector.load %arg5[%swap3A_147, %swap3A_148] : memref<4x8192xf32, #tpu.memory_space<vmem>>, vector<1x8192xf32>
      %swap3A_150 = vector.shape_cast %swap3A_149 : vector<1x8192xf32> to vector<8192xf32>
      %swap3A_151 = vector.shape_cast %reduce_sum3A_146 : vector<8192xf32> to vector<1x8192xf32>
      tpu.vector_store %arg5[%swap3A_147, %swap3A_148], %swap3A_151 {strides = array<i32>} : memref<4x8192xf32, #tpu.memory_space<vmem>>, vector<1x8192xf32>,
      %get3A_152 = arith.constant 2 : index
      %get3A_153 = arith.constant 0 : index
      %get3A_154 = arith.constant 0 : index
      %get3A_155 = vector.load %arg2[%get3A_152, %get3A_153, %get3A_154] : memref<4x64x8192xf32, #tpu.memory_space<vmem>>, vector<1x64x8192xf32>
      %get3A_156 = vector.shape_cast %get3A_155 : vector<1x64x8192xf32> to vector<64x8192xf32>
      %mul3A_157 = arith.mulf %get3A_156, %get3A_156 : vector<64x8192xf32>
      %reduce_sum3A_158 = arith.constant dense<0.000000e+00> : vector<8192xf32>
      %reduce_sum3A_159 = vector.multi_reduction <add>, %mul3A_157, %reduce_sum3A_158 [0] : vector<64x8192xf32> to vector<8192xf32>
      %swap3A_160 = arith.constant 2 : index
      %swap3A_161 = arith.constant 0 : index
      %swap3A_162 = vector.load %arg5[%swap3A_160, %swap3A_161] : memref<4x8192xf32, #tpu.memory_space<vmem>>, vector<1x8192xf32>
      %swap3A_163 = vector.shape_cast %swap3A_162 : vector<1x8192xf32> to vector<8192xf32>
      %swap3A_164 = vector.shape_cast %reduce_sum3A_159 : vector<8192xf32> to vector<1x8192xf32>
      tpu.vector_store %arg5[%swap3A_160, %swap3A_161], %swap3A_164 {strides = array<i32>} : memref<4x8192xf32, #tpu.memory_space<vmem>>, vector<1x8192xf32>,
      %get3A_165 = arith.constant 3 : index
      %get3A_166 = arith.constant 0 : index
      %get3A_167 = arith.constant 0 : index
      %get3A_168 = vector.load %arg2[%get3A_165, %get3A_166, %get3A_167] : memref<4x64x8192xf32, #tpu.memory_space<vmem>>, vector<1x64x8192xf32>
      %get3A_169 = vector.shape_cast %get3A_168 : vector<1x64x8192xf32> to vector<64x8192xf32>
      %mul3A_170 = arith.mulf %get3A_169, %get3A_169 : vector<64x8192xf32>
      %reduce_sum3A_171 = arith.constant dense<0.000000e+00> : vector<8192xf32>
      %reduce_sum3A_172 = vector.multi_reduction <add>, %mul3A_170, %reduce_sum3A_171 [0] : vector<64x8192xf32> to vector<8192xf32>
      %swap3A_173 = arith.constant 3 : index
      %swap3A_174 = arith.constant 0 : index
      %swap3A_175 = vector.load %arg5[%swap3A_173, %swap3A_174] : memref<4x8192xf32, #tpu.memory_space<vmem>>, vector<1x8192xf32>
      %swap3A_176 = vector.shape_cast %swap3A_175 : vector<1x8192xf32> to vector<8192xf32>
      %swap3A_177 = vector.shape_cast %reduce_sum3A_172 : vector<8192xf32> to vector<1x8192xf32>
      tpu.vector_store %arg5[%swap3A_173, %swap3A_174], %swap3A_177 {strides = array<i32>} : memref<4x8192xf32, #tpu.memory_space<vmem>>, vector<1x8192xf32>,
    } else {
    }
    %get3A = arith.constant 0 : index
    %get3A_2 = arith.constant 0 : index
    %get3A_3 = vector.load %arg1[%get3A, %get3A_2] : memref<256x256xf32, #tpu.memory_space<vmem>>, vector<256x256xf32>
    %slice3A = vector.extract_strided_slice %get3A_3 {offsets = [0, 0], sizes = [256, 64], strides = [1, 1]} : vector<256x256xf32> to vector<256x64xf32>
    %get3A_4 = arith.constant 0 : index
    %get3A_5 = arith.constant 0 : index
    %get3A_6 = arith.constant 0 : index
    %get3A_7 = vector.load %arg2[%get3A_4, %get3A_5, %get3A_6] : memref<4x64x8192xf32, #tpu.memory_space<vmem>>, vector<1x64x8192xf32>
    %get3A_8 = vector.shape_cast %get3A_7 : vector<1x64x8192xf32> to vector<64x8192xf32>
    %get3A_9 = arith.constant 0 : index
    %get3A_10 = arith.constant 0 : index
    %get3A_11 = vector.load %arg5[%get3A_9, %get3A_10] : memref<4x8192xf32, #tpu.memory_space<vmem>>, vector<1x8192xf32>
    %get3A_12 = vector.shape_cast %get3A_11 : vector<1x8192xf32> to vector<8192xf32>
    %broadcast_in_dim3A = vector.shape_cast %get3A_12 : vector<8192xf32> to vector<1x8192xf32>
    %mul3A = arith.mulf %slice3A, %slice3A : vector<256x64xf32>
    %reduce_sum3A = arith.constant dense<0.000000e+00> : vector<256xf32>
    %reduce_sum3A_13 = vector.multi_reduction <add>, %mul3A, %reduce_sum3A [1] : vector<256x64xf32> to vector<256xf32>
    %broadcast_in_dim3A_14 = vector.shape_cast %reduce_sum3A_13 : vector<256xf32> to vector<256x1xf32>
    %dot_general3A = arith.constant dense<0.000000e+00> : vector<256x8192xf32>
    %dot_general3A_15 = tpu.matmul %slice3A, %get3A_8, %dot_general3A {dimension_numbers = #tpu.dot_dimension_numbers<[1], [0], [0], [1], [0, 0, 1, 1], [], []>, transpose_lhs_hint = false} : vector<256x64xf32>, vector<64x8192xf32>, vector<256x8192xf32> -> vector<256x8192xf32>
    %mul3A_16 = arith.constant 2.000000e+00 : f32
    %mul3A_17 = vector.broadcast %mul3A_16 : f32 to vector<256x8192xf32>
    %mul3A_18 = arith.mulf %mul3A_17, %dot_general3A_15 : vector<256x8192xf32>
    %sub3A = vector.broadcast %broadcast_in_dim3A_14 : vector<256x1xf32> to vector<256x8192xf32>
    %sub3A_19 = arith.subf %sub3A, %mul3A_18 : vector<256x8192xf32>
    %add3A = vector.broadcast %broadcast_in_dim3A : vector<1x8192xf32> to vector<256x8192xf32>
    %add3A_20 = arith.addf %sub3A_19, %add3A : vector<256x8192xf32>
    %neg3A = arith.constant 0.000000e+00 : f32
    %neg3A_21 = vector.broadcast %neg3A : f32 to vector<256x8192xf32>
    %neg3A_22 = arith.subf %neg3A_21, %add3A_20 : vector<256x8192xf32>
    %argmax3A = tpu.reduce_index %neg3A_22 {axis = 1 : i32, kind = #tpu.reduction_kind<arg_max>} : vector<256x8192xf32> -> vector<256xi32>
    %slice3A_23 = vector.extract_strided_slice %get3A_3 {offsets = [0, 64], sizes = [256, 64], strides = [1, 1]} : vector<256x256xf32> to vector<256x64xf32>
    %get3A_24 = arith.constant 1 : index
    %get3A_25 = arith.constant 0 : index
    %get3A_26 = arith.constant 0 : index
    %get3A_27 = vector.load %arg2[%get3A_24, %get3A_25, %get3A_26] : memref<4x64x8192xf32, #tpu.memory_space<vmem>>, vector<1x64x8192xf32>
    %get3A_28 = vector.shape_cast %get3A_27 : vector<1x64x8192xf32> to vector<64x8192xf32>
    %get3A_29 = arith.constant 1 : index
    %get3A_30 = arith.constant 0 : index
    %get3A_31 = vector.load %arg5[%get3A_29, %get3A_30] : memref<4x8192xf32, #tpu.memory_space<vmem>>, vector<1x8192xf32>
    %get3A_32 = vector.shape_cast %get3A_31 : vector<1x8192xf32> to vector<8192xf32>
    %broadcast_in_dim3A_33 = vector.shape_cast %get3A_32 : vector<8192xf32> to vector<1x8192xf32>
    %mul3A_34 = arith.mulf %slice3A_23, %slice3A_23 : vector<256x64xf32>
    %reduce_sum3A_35 = arith.constant dense<0.000000e+00> : vector<256xf32>
    %reduce_sum3A_36 = vector.multi_reduction <add>, %mul3A_34, %reduce_sum3A_35 [1] : vector<256x64xf32> to vector<256xf32>
    %broadcast_in_dim3A_37 = vector.shape_cast %reduce_sum3A_36 : vector<256xf32> to vector<256x1xf32>
    %dot_general3A_38 = arith.constant dense<0.000000e+00> : vector<256x8192xf32>
    %dot_general3A_39 = tpu.matmul %slice3A_23, %get3A_28, %dot_general3A_38 {dimension_numbers = #tpu.dot_dimension_numbers<[1], [0], [0], [1], [0, 0, 1, 1], [], []>, transpose_lhs_hint = false} : vector<256x64xf32>, vector<64x8192xf32>, vector<256x8192xf32> -> vector<256x8192xf32>
    %mul3A_40 = arith.constant 2.000000e+00 : f32
    %mul3A_41 = vector.broadcast %mul3A_40 : f32 to vector<256x8192xf32>
    %mul3A_42 = arith.mulf %mul3A_41, %dot_general3A_39 : vector<256x8192xf32>
    %sub3A_43 = vector.broadcast %broadcast_in_dim3A_37 : vector<256x1xf32> to vector<256x8192xf32>
    %sub3A_44 = arith.subf %sub3A_43, %mul3A_42 : vector<256x8192xf32>
    %add3A_45 = vector.broadcast %broadcast_in_dim3A_33 : vector<1x8192xf32> to vector<256x8192xf32>
    %add3A_46 = arith.addf %sub3A_44, %add3A_45 : vector<256x8192xf32>
    %neg3A_47 = arith.constant 0.000000e+00 : f32
    %neg3A_48 = vector.broadcast %neg3A_47 : f32 to vector<256x8192xf32>
    %neg3A_49 = arith.subf %neg3A_48, %add3A_46 : vector<256x8192xf32>
    %argmax3A_50 = tpu.reduce_index %neg3A_49 {axis = 1 : i32, kind = #tpu.reduction_kind<arg_max>} : vector<256x8192xf32> -> vector<256xi32>
    %slice3A_51 = vector.extract_strided_slice %get3A_3 {offsets = [0, 128], sizes = [256, 64], strides = [1, 1]} : vector<256x256xf32> to vector<256x64xf32>
    %get3A_52 = arith.constant 2 : index
    %get3A_53 = arith.constant 0 : index
    %get3A_54 = arith.constant 0 : index
    %get3A_55 = vector.load %arg2[%get3A_52, %get3A_53, %get3A_54] : memref<4x64x8192xf32, #tpu.memory_space<vmem>>, vector<1x64x8192xf32>
    %get3A_56 = vector.shape_cast %get3A_55 : vector<1x64x8192xf32> to vector<64x8192xf32>
    %get3A_57 = arith.constant 2 : index
    %get3A_58 = arith.constant 0 : index
    %get3A_59 = vector.load %arg5[%get3A_57, %get3A_58] : memref<4x8192xf32, #tpu.memory_space<vmem>>, vector<1x8192xf32>
    %get3A_60 = vector.shape_cast %get3A_59 : vector<1x8192xf32> to vector<8192xf32>
    %broadcast_in_dim3A_61 = vector.shape_cast %get3A_60 : vector<8192xf32> to vector<1x8192xf32>
    %mul3A_62 = arith.mulf %slice3A_51, %slice3A_51 : vector<256x64xf32>
    %reduce_sum3A_63 = arith.constant dense<0.000000e+00> : vector<256xf32>
    %reduce_sum3A_64 = vector.multi_reduction <add>, %mul3A_62, %reduce_sum3A_63 [1] : vector<256x64xf32> to vector<256xf32>
    %broadcast_in_dim3A_65 = vector.shape_cast %reduce_sum3A_64 : vector<256xf32> to vector<256x1xf32>
    %dot_general3A_66 = arith.constant dense<0.000000e+00> : vector<256x8192xf32>
    %dot_general3A_67 = tpu.matmul %slice3A_51, %get3A_56, %dot_general3A_66 {dimension_numbers = #tpu.dot_dimension_numbers<[1], [0], [0], [1], [0, 0, 1, 1], [], []>, transpose_lhs_hint = false} : vector<256x64xf32>, vector<64x8192xf32>, vector<256x8192xf32> -> vector<256x8192xf32>
    %mul3A_68 = arith.constant 2.000000e+00 : f32
    %mul3A_69 = vector.broadcast %mul3A_68 : f32 to vector<256x8192xf32>
    %mul3A_70 = arith.mulf %mul3A_69, %dot_general3A_67 : vector<256x8192xf32>
    %sub3A_71 = vector.broadcast %broadcast_in_dim3A_65 : vector<256x1xf32> to vector<256x8192xf32>
    %sub3A_72 = arith.subf %sub3A_71, %mul3A_70 : vector<256x8192xf32>
    %add3A_73 = vector.broadcast %broadcast_in_dim3A_61 : vector<1x8192xf32> to vector<256x8192xf32>
    %add3A_74 = arith.addf %sub3A_72, %add3A_73 : vector<256x8192xf32>
    %neg3A_75 = arith.constant 0.000000e+00 : f32
    %neg3A_76 = vector.broadcast %neg3A_75 : f32 to vector<256x8192xf32>
    %neg3A_77 = arith.subf %neg3A_76, %add3A_74 : vector<256x8192xf32>
    %argmax3A_78 = tpu.reduce_index %neg3A_77 {axis = 1 : i32, kind = #tpu.reduction_kind<arg_max>} : vector<256x8192xf32> -> vector<256xi32>
    %slice3A_79 = vector.extract_strided_slice %get3A_3 {offsets = [0, 192], sizes = [256, 64], strides = [1, 1]} : vector<256x256xf32> to vector<256x64xf32>
    %get3A_80 = arith.constant 3 : index
    %get3A_81 = arith.constant 0 : index
    %get3A_82 = arith.constant 0 : index
    %get3A_83 = vector.load %arg2[%get3A_80, %get3A_81, %get3A_82] : memref<4x64x8192xf32, #tpu.memory_space<vmem>>, vector<1x64x8192xf32>
    %get3A_84 = vector.shape_cast %get3A_83 : vector<1x64x8192xf32> to vector<64x8192xf32>
    %get3A_85 = arith.constant 3 : index
    %get3A_86 = arith.constant 0 : index
    %get3A_87 = vector.load %arg5[%get3A_85, %get3A_86] : memref<4x8192xf32, #tpu.memory_space<vmem>>, vector<1x8192xf32>
    %get3A_88 = vector.shape_cast %get3A_87 : vector<1x8192xf32> to vector<8192xf32>
    %broadcast_in_dim3A_89 = vector.shape_cast %get3A_88 : vector<8192xf32> to vector<1x8192xf32>
    %mul3A_90 = arith.mulf %slice3A_79, %slice3A_79 : vector<256x64xf32>
    %reduce_sum3A_91 = arith.constant dense<0.000000e+00> : vector<256xf32>
    %reduce_sum3A_92 = vector.multi_reduction <add>, %mul3A_90, %reduce_sum3A_91 [1] : vector<256x64xf32> to vector<256xf32>
    %broadcast_in_dim3A_93 = vector.shape_cast %reduce_sum3A_92 : vector<256xf32> to vector<256x1xf32>
    %dot_general3A_94 = arith.constant dense<0.000000e+00> : vector<256x8192xf32>
    %dot_general3A_95 = tpu.matmul %slice3A_79, %get3A_84, %dot_general3A_94 {dimension_numbers = #tpu.dot_dimension_numbers<[1], [0], [0], [1], [0, 0, 1, 1], [], []>, transpose_lhs_hint = false} : vector<256x64xf32>, vector<64x8192xf32>, vector<256x8192xf32> -> vector<256x8192xf32>
    %mul3A_96 = arith.constant 2.000000e+00 : f32
    %mul3A_97 = vector.broadcast %mul3A_96 : f32 to vector<256x8192xf32>
    %mul3A_98 = arith.mulf %mul3A_97, %dot_general3A_95 : vector<256x8192xf32>
    %sub3A_99 = vector.broadcast %broadcast_in_dim3A_93 : vector<256x1xf32> to vector<256x8192xf32>
    %sub3A_100 = arith.subf %sub3A_99, %mul3A_98 : vector<256x8192xf32>
    %add3A_101 = vector.broadcast %broadcast_in_dim3A_89 : vector<1x8192xf32> to vector<256x8192xf32>
    %add3A_102 = arith.addf %sub3A_100, %add3A_101 : vector<256x8192xf32>
    %neg3A_103 = arith.constant 0.000000e+00 : f32
    %neg3A_104 = vector.broadcast %neg3A_103 : f32 to vector<256x8192xf32>
    %neg3A_105 = arith.subf %neg3A_104, %add3A_102 : vector<256x8192xf32>
    %argmax3A_106 = tpu.reduce_index %neg3A_105 {axis = 1 : i32, kind = #tpu.reduction_kind<arg_max>} : vector<256x8192xf32> -> vector<256xi32>
    %stack3A = vector.shape_cast %argmax3A : vector<256xi32> to vector<256x1xi32>
    %stack3A_107 = vector.shape_cast %argmax3A_50 : vector<256xi32> to vector<256x1xi32>
    %stack3A_108 = vector.shape_cast %argmax3A_78 : vector<256xi32> to vector<256x1xi32>
    %stack3A_109 = vector.shape_cast %argmax3A_106 : vector<256xi32> to vector<256x1xi32>
    %stack3A_110 = tpu.concatenate %stack3A, %stack3A_107, %stack3A_108, %stack3A_109 in 1 : vector<256x1xi32>, vector<256x1xi32>, vector<256x1xi32>, vector<256x1xi32> -> vector<256x4xi32>
    %swap3A = arith.constant 0 : index
    %swap3A_111 = arith.constant 0 : index
    %swap3A_112 = arith.constant 0 : index
    %swap3A_113 = vector.load %arg3[%swap3A, %swap3A_111, %swap3A_112] : memref<1x256x4xi32, #tpu.memory_space<vmem>>, vector<1x256x4xi32>
    %swap3A_114 = vector.shape_cast %swap3A_113 : vector<1x256x4xi32> to vector<256x4xi32>
    %swap3A_115 = vector.shape_cast %stack3A_110 : vector<256x4xi32> to vector<1x256x4xi32>
    tpu.vector_store %arg3[%swap3A, %swap3A_111, %swap3A_112], %swap3A_115 {strides = array<i32>} : memref<1x256x4xi32, #tpu.memory_space<vmem>>, vector<1x256x4xi32>,
    %iota3A = tpu.iota {dimensions = array<i32: 1>} : vector<256x4xi32>
    %mul3A_116 = arith.constant 8192 : i32
    %mul3A_117 = vector.broadcast %mul3A_116 : i32 to vector<256x4xi32>
    %mul3A_118 = arith.muli %iota3A, %mul3A_117 : vector<256x4xi32>
    %add3A_119 = arith.addi %stack3A_110, %mul3A_118 : vector<256x4xi32>
    %swap3A_120 = arith.constant 0 : index
    %swap3A_121 = arith.constant 0 : index
    %swap3A_122 = arith.constant 0 : index
    %swap3A_123 = vector.load %arg4[%swap3A_120, %swap3A_121, %swap3A_122] : memref<1x256x4xi32, #tpu.memory_space<vmem>>, vector<1x256x4xi32>
    %swap3A_124 = vector.shape_cast %swap3A_123 : vector<1x256x4xi32> to vector<256x4xi32>
    %swap3A_125 = vector.shape_cast %add3A_119 : vector<256x4xi32> to vector<1x256x4xi32>
    tpu.vector_store %arg4[%swap3A_120, %swap3A_121, %swap3A_122], %swap3A_125 {strides = array<i32>} : memref<1x256x4xi32, #tpu.memory_space<vmem>>, vector<1x256x4xi32>,
    return
  }
  func.func @transform_0(%arg0: i32) -> (i32, i32) {
    %c0_i32 = arith.constant 0 : i32
    %c0_i32_0 = arith.constant 0 : i32
    return %arg0, %c0_i32 : i32, i32
  }
  func.func @transform_1(%arg0: i32) -> (i32, i32, i32) {
    %c0_i32 = arith.constant 0 : i32
    %c0_i32_0 = arith.constant 0 : i32
    %c0_i32_1 = arith.constant 0 : i32
    %c0_i32_2 = arith.constant 0 : i32
    return %c0_i32, %c0_i32_0, %c0_i32_1 : i32, i32, i32
  }
  func.func @transform_2(%arg0: i32) -> (i32, i32, i32) {
    %c0_i32 = arith.constant 0 : i32
    %c0_i32_0 = arith.constant 0 : i32
    %c0_i32_1 = arith.constant 0 : i32
    return %arg0, %c0_i32, %c0_i32_0 : i32, i32, i32
  }
  func.func @transform_3(%arg0: i32) -> (i32, i32, i32) {
    %c0_i32 = arith.constant 0 : i32
    %c0_i32_0 = arith.constant 0 : i32
    %c0_i32_1 = arith.constant 0 : i32
    return %arg0, %c0_i32, %c0_i32_0 : i32, i32, i32
  }
}

module attributes {stable_mosaic.version = 14 : i64} {
  func.func @_tc_l1_body(%arg0: i32, %arg1: memref<256x256xf32, #tpu.memory_space<vmem>>, %arg2: memref<256x256xf32, #tpu.memory_space<vmem>>, %arg3: memref<1x1x1xf32, #tpu.memory_space<vmem>>) attributes {dimension_semantics = [#tpu.dimension_semantics<arbitrary>], iteration_bounds = array<i64: 8>, scalar_prefetch = 0 : i64, scratch_operands = 0 : i64, tpu.core_type = #tpu.core_type<tc>, window_params = [{transform_indices = @transform_0, window_bounds = array<i64: 256, 256>}, {transform_indices = @transform_1, window_bounds = array<i64: 256, 256>}, {transform_indices = @transform_2, window_bounds = array<i64: 1, 1, 1>}]} {
    %get3A = arith.constant 0 : index
    %get3A_0 = arith.constant 0 : index
    %get3A_1 = vector.load %arg1[%get3A, %get3A_0] : memref<256x256xf32, #tpu.memory_space<vmem>>, vector<256x256xf32>
    %get3A_2 = arith.constant 0 : index
    %get3A_3 = arith.constant 0 : index
    %get3A_4 = vector.load %arg2[%get3A_2, %get3A_3] : memref<256x256xf32, #tpu.memory_space<vmem>>, vector<256x256xf32>
    %sub3A = arith.subf %get3A_1, %get3A_4 : vector<256x256xf32>
    %abs3A = math.absf %sub3A : vector<256x256xf32>
    %reduce_sum3A = vector.shape_cast %abs3A : vector<256x256xf32> to vector<1x256x256xf32>
    %reduce_sum3A_5 = arith.constant dense<0.000000e+00> : vector<1xf32>
    %reduce_sum3A_6 = vector.multi_reduction <add>, %reduce_sum3A, %reduce_sum3A_5 [1, 2] : vector<1x256x256xf32> to vector<1xf32>
    %reduce_sum3A_7 = vector.shape_cast %reduce_sum3A_6 : vector<1xf32> to vector<1x1x1xf32>
    %reduce_sum3A_8 = vector.extract %reduce_sum3A_7[0, 0, 0] : f32 from vector<1x1x1xf32>
    %reshape3A = vector.broadcast %reduce_sum3A_8 : f32 to vector<1x1x1xf32>
    %swap3A = arith.constant 0 : index
    %swap3A_9 = arith.constant 0 : index
    %swap3A_10 = arith.constant 0 : index
    %swap3A_11 = vector.load %arg3[%swap3A, %swap3A_9, %swap3A_10] : memref<1x1x1xf32, #tpu.memory_space<vmem>>, vector<1x1x1xf32>
    tpu.vector_store %arg3[%swap3A, %swap3A_9, %swap3A_10], %reshape3A {strides = array<i32>} : memref<1x1x1xf32, #tpu.memory_space<vmem>>, vector<1x1x1xf32>,
    return
  }
  func.func @transform_0(%arg0: i32) -> (i32, i32) {
    %c0_i32 = arith.constant 0 : i32
    %c0_i32_0 = arith.constant 0 : i32
    return %arg0, %c0_i32 : i32, i32
  }
  func.func @transform_1(%arg0: i32) -> (i32, i32) {
    %c0_i32 = arith.constant 0 : i32
    %c0_i32_0 = arith.constant 0 : i32
    return %arg0, %c0_i32 : i32, i32
  }
  func.func @transform_2(%arg0: i32) -> (i32, i32, i32) {
    %c0_i32 = arith.constant 0 : i32
    %c0_i32_0 = arith.constant 0 : i32
    %c0_i32_1 = arith.constant 0 : i32
    return %arg0, %c0_i32, %c0_i32_0 : i32, i32, i32
  }
}

</mosaic_0001>

<sc_bundles>
// kernel: kernel.26.cloned.1.call-start
scs
__scs_entry_jumppad:
0x0: {  	(pc) =	sbr.rel $0x88, $3  }
0x1: {  	(tag) =	ssettag $0x0;
	lr =	simm.s32 $0x1  }
0x2: {  	[smem:$0x3F9F] =	sst lr;
	_ =	strace $0xD0000000  }
0x3: {  	_ = 	snop  }
0x4: {  	_ = 	snop  }
0x5: {  	_ = 	snop  }
0x6: {  	_ = 	snop  }
0x7: {  	_ = 	snop  }
__scs_overlays_trampoline_lowered:
0x8: {  	[smem:$0x3FAE] =	sst s0  }
0x9: {  	[smem:$0x3FAF] =	sst s1  }
0xa: {  	[smem:$0x3FB0] =	sst s2  }
0xb: {  	[smem:$0x3FB1] =	sst s3  }
0xc: {  	[smem:$0x3FB2] =	sst s4  }
0xd: {  	[smem:$0x3FB3] =	sst s5  }
0xe: {  	[smem:$0x3FB4] =	sst s6  }
0xf: {  	[smem:$0x3FB5] =	sst s7  }
0x10: {  	[smem:$0x3FB6] =	sst s8  }
0x11: {  	[smem:$0x3FB7] =	sst s9;
	s0 =	simm.s32 @!p0 $0x0  }
0x12: {  	s1 =	sld [smem:$0x3F9D];
	s0 =	simm.s32 @p0 $0x1  }
0x13: {  	[smem:$0x3FB8] =	sst s0;
	s0 =	simm.s32 @!p1 $0x0  }
0x14: {  	s2 =	sld [smem:$0x3F9C];
	s0 =	simm.s32 @p1 $0x1  }
0x15: {  	[smem:$0x3FB9] =	sst s0;
	s0 =	simm.s32 @!p2 $0x0  }
0x16: {  	s3 =	sld [smem:$0x3FDB];
	s0 =	simm.s32 @p2 $0x1  }
0x17: {  	s4 =	simm.s32 $0x1BF5;
	[smem:$0x3FBB] =	sst s0  }
0x18: {  	s0 =	sld [smem:$0x3F9E];
	_ =	swait.ge [sflag:s4], $0x0  }
0x19: {  	s7 =	sld [smem:$0x3F9F]  }
0x1a: {  	s8 =	sadd.s32 $0xFFFFE003, lr  }
0x1b: {  	s9 =	sadd.s32 $0xFFFFFEF7, lr;
	s5 =	simm.s32 $0xFFFFFFFF;
	p2 =	slt.u32 s8, $0xFFFFF086  }
0x1c: {  	p1 =	slt.u32 s9, $0xF7A;
	s5 =	simm.s32 @!p2 $0x0  }
0x1d: {  	s5 =	simm.s32 @p1 $0x1;
	p0 =	seq.s32 s7, s2  }
0x1e: {  	s7 =	smul.u32 @!p0 $0xF7A, s2;
	p2 =	seq.s32 @!p0 s5, $0x0  }
0x1f: {  	s9 =	smul.u32 $0xF7A, s1;
	s8 =	simm.s32 @!p0 $0x1BF5;
	p2 =	por !p2, p0  }
0x20: {  	[sflag:s8] =	ssyncset.s32 @!p0 $0xFFFFF086;
	s6 =	sadd.s32 @!p0 s3, s7;
	s7 =	simm.s32 @!p0 $0x108  }
0x21: {  	s3 =	sadd.s32 s3, s9;
	s6 =	sadd.s32 @!p0 $0x88, s6;
	s7 =	simm.s32 @p2 $0x1082  }
0x22: {  	[simem:s7], [sflag:s8] =	dma.local @!p0 [hbm:s6], $0xF7A  }
0x23: {  	s9 =	sor.u32 $0xD0000000, s2;
	s6 =	simm.s32 $0x108;
	_ =	swait.ge @!p0 [sflag:s8], $0x0  }
0x24: {  	s3 =	sadd.s32 $0x88, s3;
	s6 =	simm.s32 @!p1 $0x1082;
	[sflag:s4] =	ssyncset.s32 $0xFFFFF086  }
0x25: {  	[simem:s6], [sflag:s4] =	dma.local [hbm:s3], $0xF7A  }
0x26: {  	[smem:$0x3F9F] =	sst s1;
	(tag) =	ssettag s2;
	_ =	strace s9  }
0x27: {  	s1 =	sld [smem:$0x3FAF]  }
0x28: {  	s2 =	sld [smem:$0x3FB0]  }
0x29: {  	s4 =	sld [smem:$0x3FB2]  }
0x2a: {  	p0 =	seq.s32 s5, $0x0;
	s5 =	sld [smem:$0x3FB3]  }
0x2b: {  	s6 =	sld [smem:$0x3FB4]  }
0x2c: {  	s7 =	sld [smem:$0x3FB5]  }
0x2d: {  	s3 =	simm.s32 $0x108;
	s8 =	sld [smem:$0x3FB6]  }
0x2e: {  	s3 =	simm.s32 @!p0 $0x1082;
	s9 =	sld [smem:$0x3FB7]  }
0x2f: {  	lr =	sadd.s32 s0, s3;
	s0 =	sld [smem:$0x3FAE]  }
0x30: {  	s3 =	sld [smem:$0x3FB1]  }
0x31: {  	[smem:$0x3FBA] =	sst s10  }
0x32: {  	s10 =	sld [smem:$0x3FB8];
	_ =	sdelay $0x3  }
0x33: {  	p0 =	seq.s32 s10, $0x1;
	s10 =	sld [smem:$0x3FBA];
	_ =	sdelay $0x3  }
0x34: {  	[smem:$0x3FBA] =	sst s10  }
0x35: {  	s10 =	sld [smem:$0x3FB9];
	_ =	sdelay $0x3  }
0x36: {  	p1 =	seq.s32 s10, $0x1;
	s10 =	sld [smem:$0x3FBA];
	_ =	sdelay $0x3  }
0x37: {  	[smem:$0x3FBA] =	sst s10  }
0x38: {  	s10 =	sld [smem:$0x3FBB]  }
0x39: {  	_ = 	snop;
	(pc) =	sbr.ind lr, $3  }
0x3a: {  	_ = 	snop  }
0x3b: {  	_ = 	snop  }
0x3c: {  	p2 =	seq.s32 s10, $0x1;
	s10 =	sld [smem:$0x3FBA]  }
0x3d: {  	_ =	shalt  }
0x3e: {  	_ =	shalt  }
0x3f: {  	_ =	shalt  }
0x40: {  	_ =	shalt  }
0x41: {  	_ =	shalt  }
0x42: {  	_ =	shalt  }
0x43: {  	_ =	shalt  }
0x44: {  	_ =	shalt  }
0x45: {  	_ =	shalt  }
0x46: {  	_ =	shalt  }
0x47: {  	_ =	shalt  }
0x48: {  	_ =	shalt  }
0x49: {  	_ =	shalt  }
0x4a: {  	_ =	shalt  }
0x4b: {  	_ =	shalt  }
0x4c: {  	_ =	shalt  }
0x4d: {  	_ =	shalt  }
0x4e: {  	_ =	shalt  }
0x4f: {  	_ =	shalt  }
0x50: {  	_ =	shalt  }
0x51: {  	_ =	shalt  }
0x52: {  	_ =	shalt  }
0x53: {  	_ =	shalt  }
0x54: {  	_ =	shalt  }
0x55: {  	_ =	shalt  }
0x56: {  	_ =	shalt  }
0x57: {  	_ =	shalt  }
0x58: {  	_ =	shalt  }
0x59: {  	_ =	shalt  }
0x5a: {  	_ =	shalt  }
0x5b: {  	_ =	shalt  }
0x5c: {  	_ =	shalt  }
0x5d: {  	_ =	shalt  }
0x5e: {  	_ =	shalt  }
0x5f: {  	_ =	shalt  }
0x60: {  	_ =	shalt  }
0x61: {  	_ =	shalt  }
0x62: {  	_ =	shalt  }
0x63: {  	_ =	shalt  }
0x64: {  	_ =	shalt  }
0x65: {  	_ =	shalt  }
0x66: {  	_ =	shalt  }
0x67: {  	_ =	shalt  }
0x68: {  	_ =	shalt  }
0x69: {  	_ =	shalt  }
0x6a: {  	_ =	shalt  }
0x6b: {  	_ =	shalt  }
0x6c: {  	_ =	shalt  }
0x6d: {  	_ =	shalt  }
0x6e: {  	_ =	shalt  }
0x6f: {  	_ =	shalt  }
0x70: {  	_ =	shalt  }
0x71: {  	_ =	shalt  }
0x72: {  	_ =	shalt  }
0x73: {  	_ =	shalt  }
0x74: {  	_ =	shalt  }
0x75: {  	_ =	shalt  }
0x76: {  	_ =	shalt  }
0x77: {  	_ =	shalt  }
0x78: {  	_ =	shalt  }
0x79: {  	_ =	shalt  }
0x7a: {  	_ =	shalt  }
0x7b: {  	_ =	shalt  }
0x7c: {  	_ =	shalt  }
0x7d: {  	_ =	shalt  }
0x7e: {  	_ =	shalt  }
0x7f: {  	_ =	shalt  }
0x80: {  	_ =	shalt  }
0x81: {  	_ =	shalt  }
0x82: {  	_ =	shalt  }
0x83: {  	_ =	shalt  }
0x84: {  	_ =	shalt  }
0x85: {  	_ =	shalt  }
0x86: {  	_ =	shalt  }
0x87: {  	_ =	shalt  }
.Lfunc_end0:
.L_simem_size_0:
called_computation_lowered:
.L_overlay_start_0:
0x88: {  	s2 =	sld [smem:$0x3FD9]  }
0x89: {  	s3 =	sld [smem:$0x3FFE];
	_ =	sdelay $0x1  }
0x8a: {  	s1 =	srdreg.scid  }
0x8b: {  	s0 =	sand.u32 $0x1, s1  }
0x8c: {  	s16 =	sshll.u32 s0, $0xA;
	s2 =	sadd.s32 s3, s2  }
0x8d: {  	s2 =	sadd.s32 s2, s16  }
0x8e: {  	[smem:$0x3FC6] =	sst s2  }
0x8f: {  	_ = 	snop  }
0x90: {  	s2 =	sld [smem:$0x3FD0];
	_ =	sdelay $0x2  }
0x91: {  	s17 =	simm.s32 $0x11;
	s4 =	simm.s32 $0x10  }
0x92: {  	[smem:s4], [sflag:s17] =	dma.local [hbm:s2], $0x1  }
0x93: {  	_ =	swait.eq [sflag:s17], $0x1  }
0x94: {  	[sflag:s17] =	ssyncset.done $0x0  }
0x95: {  	[sflag:s17] =	ssyncadd.s32 $0xFFFFFFFF  }
0x96: {  	s3 =	sld [smem:$0x10];
	(tm) =	ssettm $0x1  }
0x97: {  	s18 =	sld [smem:$0x3FFB];
	_ =	sdelay $0x3  }
0x98: {  	_ =	strace s18  }
0x99: {  	s2 =	sld [smem:$0x3FFC];
	_ =	sdelay $0x3  }
0x9a: {  	_ =	strace s2  }
0x9b: {  	s2 =	sld [smem:$0x3FFD];
	_ =	sdelay $0x3  }
0x9c: {  	_ =	strace s2  }
0x9d: {  	_ =	strace $0x8FFFFFFF  }
0x9e: {  	s19 =	sld [smem:$0x3FDB];
	_ =	sdelay $0x1  }
0x9f: {  	s20 =	simm.s32 $_scs_section_size  }
0xa0: {  	s5 =	simm.s32 $_size__tile_overlayer_lowered;
	s6 =	simm.s32 $_tile_overlayer_lowered  }
0xa1: {  	s7 =	simm.s32 $0x1BFF;
	s21 =	sshll.u32 s6, $0x1;
	s4 =	sadd.s32 s20, s19  }
0xa2: {  	s22 =	simm.s32 $0x0;
	s5 =	sshll.u32 s5, $0x1;
	s6 =	sadd.s32 s21, s4  }
0xa3: {  	[timem:s22], [sflag:s7] =	dma.local [hbm:s6], s5  }
0xa4: {  	_ =	swait.ge [sflag:s7], s5  }
0xa5: {  	s5 =	ssub.s32 $0x0, s5;
	[sflag:s7] =	ssyncset.done $0x0  }
0xa6: {  	[sflag:s7] =	ssyncadd.s32 s5;
	_ =	sdelay $0x1  }
0xa7: {  	s23 =	simm.s32 $0x1B8B  }
0xa8: {  	_ =	swait.ge [sflag:s23], $0x1  }
0xa9: {  	[sflag:s23] =	ssyncset.done $0x0  }
0xaa: {  	[sflag:s23] =	ssyncadd.s32 $0xFFFFFFFF  }
0xab: {  	s5 =	sld [smem:$0x0]  }
0xac: {  	s6 =	sand.u32 $0xFFFFFFFE, s1  }
0xad: {  	p0 =	sne.s32 s1, s6  }
0xae: {  	s6 =	sshll.u32 @p0 s6, $0xE  }
0xaf: {  	s6 =	sadd.s32 @p0 $0x11B8D, s6;
	s7 =	sshll.u32 @p0 s5, $0x11  }
0xb0: {  	s6 =	sor.u32 @p0 s7, s6  }
0xb1: {  	[sflag:s6] =	ssyncadd.remote.s32 @p0 $0x1;
	_ =	sdelay $0x1  }
0xb2: {  	s6 =	simm.s32 @p0 $0x1B8D  }
0xb3: {  	_ =	swait.eq @p0 [sflag:s6], $0x1  }
0xb4: {  	[sflag:s6] =	ssyncadd.s32 @p0 $0xFFFFFFFF  }
0xb5: {  	s7 =	sshll.u32 @!p0 s1, $0xE  }
0xb6: {  	s7 =	sor.u32 @!p0 $0x4000, s7;
	s6 =	simm.s32 @!p0 $0x1B8D  }
0xb7: {  	s5 =	sshll.u32 @!p0 s5, $0x11;
	s7 =	sadd.s32 @!p0 $0x11B8D, s7;
	_ =	swait.eq @!p0 [sflag:s6], $0x1  }
0xb8: {  	s5 =	sor.u32 @!p0 s5, s7;
	[sflag:s6] =	ssyncadd.s32 @!p0 $0xFFFFFFFF  }
0xb9: {  	s25 =	simm.s32 $0x1B8E;
	s24 =	sld [smem:$0x3FFE];
	[sflag:s5] =	ssyncadd.remote.s32 @!p0 $0x1  }
0xba: {  	s26 =	simm.s32 $execute0_lowered;
	[smem:$0x3FD2] =	sst s25  }
0xbb: {  	s6 =	sshll.u32 s26, $0x1;
	_ =	strace $0x80000058;
	[dreg:$0x1] =	wrdreg $0xFFFFFFFF  }
0xbc: {  	s28 =	simm.s32 $_size_execute0_lowered;
	s4 =	sadd.s32 s4, s6;
	[dreg:$0x0] =	wrdreg $0x0  }
0xbd: {  	s6 =	sshll.u32 s28, $0x1;
	[dreg:$0x2] =	wrdreg s4  }
0xbe: {  	[dreg:$0x3] =	wrdreg s6  }
0xbf: {  	[dreg:$0x4] =	wrdreg $0xC0  }
0xc0: {  	_ =	task [dreg:s22], $0x5FFFF  }
0xc1: {  	[dreg:$0x1] =	wrdreg $0xFFFFFFFF  }
0xc2: {  	[dreg:$0x0] =	wrdreg $0x60  }
0xc3: {  	[dreg:$0x2] =	wrdreg s24  }
0xc4: {  	[dreg:$0x3] =	wrdreg s3  }
0xc5: {  	[dreg:$0x4] =	wrdreg $0x9  }
0xc6: {  	_ =	task.clear_ibuf [dreg:s22], $0x5FFFF;
	_ =	strace $0x90000058  }
0xc7: {  	s29 =	simm.s32 $0x9;
	_ =	strace $0x8000005A  }
0xc8: {  	_ =	swait.ge [sflag:s29], $0x1  }
0xc9: {  	[sflag:s29] =	ssyncadd.s32 $0xFFFFFFFF  }
0xca: {  	_ =	strace $0x9000005A  }
0xcb: {  	_ =	sfence  }
0xcc: {  	s30 =	sld [smem:$0x0];
	_ =	sdelay $0x2  }
0xcd: {  	s31 =	sshll.u32 s1, $0xD;
	s1 =	sshrl.u32 s1, $0x2  }
0xce: {  	s4 =	sand.u32 $0x4000, s31;
	s1 =	sadd.s32 s1, s30  }
0xcf: {  	s0 =	sor.u32 s4, s0;
	s1 =	sshll.u32 s1, $0x11  }
0xd0: {  	s0 =	sor.u32 s1, s0  }
0xd1: {  	s0 =	sadd.s32 $0x8F2B, s0  }
0xd2: {  	[sflag:s0] =	ssyncadd.remote.s32 $0x1  }
0xd3: {  	_ =	sfence.sel $0xFFFF  }
0xd4: {  	[dreg:$0x0] =	wrdreg $0xFFFFFFFF;
	(pc) =	sbr.abs _section_cstart, $3  }
0xd5: {  	[dreg:$0x1] =	wrdreg $0xFFFFFFFF  }
0xd6: {  	_ =	task.clear_ibuf [dreg:s22], $0x2FFFF;
	_ =	strace $0x9FFFFFFF  }
0xd7: {  	(tm) =	ssettm $0x7FFFFFFF  }
tec
execute0_lowered:
.L_overlay_start_1:
0x0: {  	(tag) =	ssettag $0x1  }
0x1: {  	s1 =	srdreg.scid;
	s0 =	stileid.u32  }
0x2: {  	s12 =	sand.u32 $0x1, s1;
	s31 =	sshll.u32 s0, $0x1  }
0x3: {  	s5 =	rddreg [dreg:$0x0];
	s11 =	sor.u32 s12, s31  }
0x4: {  	s10 =	rddreg [dreg:$0x1];
	s2 =	simm.s32 $0x0;
	s3 =	sshll.u32 s11, $0x5  }
0x5: {  	s4 =	simm.s32 $0x5;
	[smem:$0x7FF] =	sst s2;
	s3 =	sadd.s32 s3, s5  }
0x6: {  	s1 =	rddreg [dreg:$0x2];
	_ =	strace $0x80000059;
	s3 =	sadd.s32 $0x183000, s3  }
0x7: {  	[tilespmem:s2], [sflag:$0x5] =	stream.linear.gather [hbm4b:s3+s2], $0x100, $0x38;
	[tilespmem:$0x8100] =	vst v63  }
0x8: {  	_ =	swait.ge [sflag:s4], $0x100  }
0x9: {  	s6 =	simm.s32 $0x80;
	[sflag:s4] =	ssyncset.done $0x0  }
0xa: {  	s7 =	simm.s32 $0x100;
	s5 =	sadd.s32 $0x39C00, s5;
	[sflag:s4] =	ssyncadd.s32 $0xFFFFFF00  }
0xb: {  	[tilespmem:s7], [sflag:$0x1] =	stream.indirect.gather [hbm4b:s5+s6], $0x80, s2, s6, $0xb8;
	[tilespmem:$0x8100] =	vst v63  }
0xc: {  	s8 =	simm.s32 $0x4100;
	s9 =	simm.s32 $0x1  }
0xd: {  	[tilespmem:s8], [sflag:$0x2] =	stream.indirect.gather [hbm4b:s5+s6], $0x80, s6, s6, $0xb8;
	[tilespmem:$0x8100] =	vst v63  }
0xe: {  	s14 =	ssub.s32 $0x2, s12;
	_ =	swait.ge [sflag:s9], $0x4000  }
0xf: {  	s11 =	sshll.u32 s11, $0xC;
	s15 =	sshrl.u32 s14, $0x1;
	[sflag:s9] =	ssyncset.done $0x0  }
0x10: {  	s10 =	sadd.s32 s10, s11;
	s11 =	simm.s32 $0x2;
	[sflag:s9] =	ssyncadd.s32 $0xFFFFC000  }
0x11: {  	[hbm4b:s10+s2] =	stream.linear.scatter [tilespmem:s7], [sflag:$0x3], $0x4000, $0x38;
	[tilespmem:$0x8100] =	vst v63  }
0x12: {  	s14 =	ssub.s32 s14, s15;
	_ =	swait.ge [sflag:s11], $0x4000  }
0x13: {  	s13 =	simm.s32 $0x3;
	s15 =	smax.u32 s14, $0x1;
	[sflag:s11] =	ssyncset.done $0x0  }
0x14: {  	s12 =	sadd.s32 $0x800, s10;
	p0 =	sne.s32 s15, $0x1;
	[sflag:s11] =	ssyncadd.s32 $0xFFFFC000  }
0x15: {  	[hbm4b:s12+s2] =	stream.linear.scatter [tilespmem:s8], [sflag:$0x4], $0x4000, $0x38;
	[tilespmem:$0x8100] =	vst v63  }
.Ltmp0:
0x16: {  	_ =	swait.ge [sflag:s13], $0x4000;
	(pc) =	sbr.rel @!p0 .LBB2_2-.Ltmp0, $4  }
0x17: {  	[sflag:s13] =	ssyncset.done $0x0  }
0x18: {  	s14 =	simm.s32 $0x4;
	[sflag:s13] =	ssyncadd.s32 $0xFFFFC000  }
0x19: {  	_ =	swait.ge [sflag:s14], $0x4000  }
0x1a: {  	s15 =	sadd.s32 $0xFFFFFFFF, s15;
	[sflag:s14] =	ssyncset.done $0x0  }
.LBB2_1:
0x1b: {  	p0 =	sne.s32 s15, $0x1;
	s15 =	sadd.s32 $0xFFFFFFFF, s15;
	[sflag:s14] =	ssyncadd.s32 $0xFFFFC000  }
0x1c: {  	[tilespmem:s2], [sflag:$0x5] =	stream.linear.gather [hbm4b:s3+s2], $0x100, $0x38;
	[tilespmem:$0x8100] =	vst v63  }
0x1d: {  	_ =	swait.ge [sflag:s4], $0x100  }
0x1e: {  	[sflag:s4] =	ssyncset.done $0x0  }
0x1f: {  	[sflag:s4] =	ssyncadd.s32 $0xFFFFFF00  }
0x20: {  	[tilespmem:s7], [sflag:$0x1] =	stream.indirect.gather [hbm4b:s5+s6], $0x80, s2, s6, $0xb8;
	[tilespmem:$0x8100] =	vst v63  }
0x21: {  	_ = 	snop  }
0x22: {  	[tilespmem:s8], [sflag:$0x2] =	stream.indirect.gather [hbm4b:s5+s6], $0x80, s6, s6, $0xb8;
	[tilespmem:$0x8100] =	vst v63  }
0x23: {  	_ =	swait.ge [sflag:s9], $0x4000  }
0x24: {  	[sflag:s9] =	ssyncset.done $0x0  }
0x25: {  	[sflag:s9] =	ssyncadd.s32 $0xFFFFC000  }
0x26: {  	[hbm4b:s10+s2] =	stream.linear.scatter [tilespmem:s7], [sflag:$0x3], $0x4000, $0x38;
	[tilespmem:$0x8100] =	vst v63  }
0x27: {  	_ =	swait.ge [sflag:s11], $0x4000  }
0x28: {  	[sflag:s11] =	ssyncset.done $0x0  }
0x29: {  	[sflag:s11] =	ssyncadd.s32 $0xFFFFC000  }
0x2a: {  	[hbm4b:s12+s2] =	stream.linear.scatter [tilespmem:s8], [sflag:$0x4], $0x4000, $0x38;
	[tilespmem:$0x8100] =	vst v63  }
.Ltmp1:
0x2b: {  	_ =	swait.ge [sflag:s13], $0x4000;
	(pc) =	sbr.rel @p0 .LBB2_1-.Ltmp1, $4  }
0x2c: {  	[sflag:s13] =	ssyncset.done $0x0  }
0x2d: {  	[sflag:s13] =	ssyncadd.s32 $0xFFFFC000  }
0x2e: {  	_ =	swait.ge [sflag:s14], $0x4000  }
0x2f: {  	[sflag:s14] =	ssyncset.done $0x0  }
.LBB2_2:
0x30: {  	[sflag:s14] =	ssyncadd.s32 $0xFFFFC000  }
0x31: {  	_ =	sfence.sel $0x180000  }
0x32: {  	[bflag:$0x0] =	sbarrier.arrive $0xFFFF  }
0x33: {  	p0 =	sne.s32 s0, $0x0;
	_ =	strace $0x90000059  }
0x34: {  	s0 =	sadd.s32 @!p0 $0x100000, s1;
	[bflag:$0x2] =	sbarrier.arrive $0xFFFF  }
0x35: {  	[sflag:s0] =	ssyncadd.tile.s32 @!p0 $0x1;
	_ =	shalt  }
.Lfunc_end2:
_tile_overlayer_lowered:
.L_overlay_start_2:
0x36: {  	(tag) =	ssettag $0x2  }
0x37: {  	s0 =	rddreg [dreg:$0x0];
	s2 =	stileid.u32  }
0x38: {  	s1 =	rddreg [dreg:$0x1];
	p0 =	sne.s32 s2, $0x0  }
0x39: {  	s3 =	rddreg [dreg:$0x2];
	[bflag:$0x3] =	sbarrier.arrive $0xFFFF;
	s2 =	simm.s32 @!p0 $0x1C05  }
0x3a: {  	[timem:s3], [sflag:s2] =	dma.local @!p0 [hbm:s0], s1  }
0x3b: {  	s0 =	simm.s32 @!p0 $0x5  }
0x3c: {  	_ =	swait.ge @!p0 [sflag:s0], s1  }
0x3d: {  	s1 =	ssub.s32 @!p0 $0x0, s1;
	[sflag:s0] =	ssyncset.done @!p0 $0x0  }
0x3e: {  	[sflag:s0] =	ssyncadd.s32 @!p0 s1  }
0x3f: {  	[bflag:$0x3] =	sbarrier.arrive $0xFFFF  }
0x40: {  	_ =	shalt  }

// kernel: kernel.29.cloned.1.call-start
scs
__scs_entry_jumppad:
0x0: {  	(pc) =	sbr.rel $0x88, $3  }
0x1: {  	(tag) =	ssettag $0x0;
	lr =	simm.s32 $0x1  }
0x2: {  	[smem:$0x3F9F] =	sst lr;
	_ =	strace $0xD0000000  }
0x3: {  	_ = 	snop  }
0x4: {  	_ = 	snop  }
0x5: {  	_ = 	snop  }
0x6: {  	_ = 	snop  }
0x7: {  	_ = 	snop  }
__scs_overlays_trampoline_lowered:
0x8: {  	[smem:$0x3FAE] =	sst s0  }
0x9: {  	[smem:$0x3FAF] =	sst s1  }
0xa: {  	[smem:$0x3FB0] =	sst s2  }
0xb: {  	[smem:$0x3FB1] =	sst s3  }
0xc: {  	[smem:$0x3FB2] =	sst s4  }
0xd: {  	[smem:$0x3FB3] =	sst s5  }
0xe: {  	[smem:$0x3FB4] =	sst s6  }
0xf: {  	[smem:$0x3FB5] =	sst s7  }
0x10: {  	[smem:$0x3FB6] =	sst s8  }
0x11: {  	[smem:$0x3FB7] =	sst s9;
	s0 =	simm.s32 @!p0 $0x0  }
0x12: {  	s1 =	sld [smem:$0x3F9D];
	s0 =	simm.s32 @p0 $0x1  }
0x13: {  	[smem:$0x3FB8] =	sst s0;
	s0 =	simm.s32 @!p1 $0x0  }
0x14: {  	s2 =	sld [smem:$0x3F9C];
	s0 =	simm.s32 @p1 $0x1  }
0x15: {  	[smem:$0x3FB9] =	sst s0;
	s0 =	simm.s32 @!p2 $0x0  }
0x16: {  	s3 =	sld [smem:$0x3FDB];
	s0 =	simm.s32 @p2 $0x1  }
0x17: {  	s4 =	simm.s32 $0x1BF5;
	[smem:$0x3FBB] =	sst s0  }
0x18: {  	s0 =	sld [smem:$0x3F9E];
	_ =	swait.ge [sflag:s4], $0x0  }
0x19: {  	s7 =	sld [smem:$0x3F9F]  }
0x1a: {  	s8 =	sadd.s32 $0xFFFFE003, lr  }
0x1b: {  	s9 =	sadd.s32 $0xFFFFFEF7, lr;
	s5 =	simm.s32 $0xFFFFFFFF;
	p2 =	slt.u32 s8, $0xFFFFF086  }
0x1c: {  	p1 =	slt.u32 s9, $0xF7A;
	s5 =	simm.s32 @!p2 $0x0  }
0x1d: {  	s5 =	simm.s32 @p1 $0x1;
	p0 =	seq.s32 s7, s2  }
0x1e: {  	s7 =	smul.u32 @!p0 $0xF7A, s2;
	p2 =	seq.s32 @!p0 s5, $0x0  }
0x1f: {  	s9 =	smul.u32 $0xF7A, s1;
	s8 =	simm.s32 @!p0 $0x1BF5;
	p2 =	por !p2, p0  }
0x20: {  	[sflag:s8] =	ssyncset.s32 @!p0 $0xFFFFF086;
	s6 =	sadd.s32 @!p0 s3, s7;
	s7 =	simm.s32 @!p0 $0x108  }
0x21: {  	s3 =	sadd.s32 s3, s9;
	s6 =	sadd.s32 @!p0 $0x88, s6;
	s7 =	simm.s32 @p2 $0x1082  }
0x22: {  	[simem:s7], [sflag:s8] =	dma.local @!p0 [hbm:s6], $0xF7A  }
0x23: {  	s9 =	sor.u32 $0xD0000000, s2;
	s6 =	simm.s32 $0x108;
	_ =	swait.ge @!p0 [sflag:s8], $0x0  }
0x24: {  	s3 =	sadd.s32 $0x88, s3;
	s6 =	simm.s32 @!p1 $0x1082;
	[sflag:s4] =	ssyncset.s32 $0xFFFFF086  }
0x25: {  	[simem:s6], [sflag:s4] =	dma.local [hbm:s3], $0xF7A  }
0x26: {  	[smem:$0x3F9F] =	sst s1;
	(tag) =	ssettag s2;
	_ =	strace s9  }
0x27: {  	s1 =	sld [smem:$0x3FAF]  }
0x28: {  	s2 =	sld [smem:$0x3FB0]  }
0x29: {  	s4 =	sld [smem:$0x3FB2]  }
0x2a: {  	p0 =	seq.s32 s5, $0x0;
	s5 =	sld [smem:$0x3FB3]  }
0x2b: {  	s6 =	sld [smem:$0x3FB4]  }
0x2c: {  	s7 =	sld [smem:$0x3FB5]  }
0x2d: {  	s3 =	simm.s32 $0x108;
	s8 =	sld [smem:$0x3FB6]  }
0x2e: {  	s3 =	simm.s32 @!p0 $0x1082;
	s9 =	sld [smem:$0x3FB7]  }
0x2f: {  	lr =	sadd.s32 s0, s3;
	s0 =	sld [smem:$0x3FAE]  }
0x30: {  	s3 =	sld [smem:$0x3FB1]  }
0x31: {  	[smem:$0x3FBA] =	sst s10  }
0x32: {  	s10 =	sld [smem:$0x3FB8];
	_ =	sdelay $0x3  }
0x33: {  	p0 =	seq.s32 s10, $0x1;
	s10 =	sld [smem:$0x3FBA];
	_ =	sdelay $0x3  }
0x34: {  	[smem:$0x3FBA] =	sst s10  }
0x35: {  	s10 =	sld [smem:$0x3FB9];
	_ =	sdelay $0x3  }
0x36: {  	p1 =	seq.s32 s10, $0x1;
	s10 =	sld [smem:$0x3FBA];
	_ =	sdelay $0x3  }
0x37: {  	[smem:$0x3FBA] =	sst s10  }
0x38: {  	s10 =	sld [smem:$0x3FBB]  }
0x39: {  	_ = 	snop;
	(pc) =	sbr.ind lr, $3  }
0x3a: {  	_ = 	snop  }
0x3b: {  	_ = 	snop  }
0x3c: {  	p2 =	seq.s32 s10, $0x1;
	s10 =	sld [smem:$0x3FBA]  }
0x3d: {  	_ =	shalt  }
0x3e: {  	_ =	shalt  }
0x3f: {  	_ =	shalt  }
0x40: {  	_ =	shalt  }
0x41: {  	_ =	shalt  }
0x42: {  	_ =	shalt  }
0x43: {  	_ =	shalt  }
0x44: {  	_ =	shalt  }
0x45: {  	_ =	shalt  }
0x46: {  	_ =	shalt  }
0x47: {  	_ =	shalt  }
0x48: {  	_ =	shalt  }
0x49: {  	_ =	shalt  }
0x4a: {  	_ =	shalt  }
0x4b: {  	_ =	shalt  }
0x4c: {  	_ =	shalt  }
0x4d: {  	_ =	shalt  }
0x4e: {  	_ =	shalt  }
0x4f: {  	_ =	shalt  }
0x50: {  	_ =	shalt  }
0x51: {  	_ =	shalt  }
0x52: {  	_ =	shalt  }
0x53: {  	_ =	shalt  }
0x54: {  	_ =	shalt  }
0x55: {  	_ =	shalt  }
0x56: {  	_ =	shalt  }
0x57: {  	_ =	shalt  }
0x58: {  	_ =	shalt  }
0x59: {  	_ =	shalt  }
0x5a: {  	_ =	shalt  }
0x5b: {  	_ =	shalt  }
0x5c: {  	_ =	shalt  }
0x5d: {  	_ =	shalt  }
0x5e: {  	_ =	shalt  }
0x5f: {  	_ =	shalt  }
0x60: {  	_ =	shalt  }
0x61: {  	_ =	shalt  }
0x62: {  	_ =	shalt  }
0x63: {  	_ =	shalt  }
0x64: {  	_ =	shalt  }
0x65: {  	_ =	shalt  }
0x66: {  	_ =	shalt  }
0x67: {  	_ =	shalt  }
0x68: {  	_ =	shalt  }
0x69: {  	_ =	shalt  }
0x6a: {  	_ =	shalt  }
0x6b: {  	_ =	shalt  }
0x6c: {  	_ =	shalt  }
0x6d: {  	_ =	shalt  }
0x6e: {  	_ =	shalt  }
0x6f: {  	_ =	shalt  }
0x70: {  	_ =	shalt  }
0x71: {  	_ =	shalt  }
0x72: {  	_ =	shalt  }
0x73: {  	_ =	shalt  }
0x74: {  	_ =	shalt  }
0x75: {  	_ =	shalt  }
0x76: {  	_ =	shalt  }
0x77: {  	_ =	shalt  }
0x78: {  	_ =	shalt  }
0x79: {  	_ =	shalt  }
0x7a: {  	_ =	shalt  }
0x7b: {  	_ =	shalt  }
0x7c: {  	_ =	shalt  }
0x7d: {  	_ =	shalt  }
0x7e: {  	_ =	shalt  }
0x7f: {  	_ =	shalt  }
0x80: {  	_ =	shalt  }
0x81: {  	_ =	shalt  }
0x82: {  	_ =	shalt  }
0x83: {  	_ =	shalt  }
0x84: {  	_ =	shalt  }
0x85: {  	_ =	shalt  }
0x86: {  	_ =	shalt  }
0x87: {  	_ =	shalt  }
.Lfunc_end0:
.L_simem_size_0:
called_computation.1_lowered:
.L_overlay_start_0:
0x88: {  	s2 =	sld [smem:$0x3FD9]  }
0x89: {  	s3 =	sld [smem:$0x3FFE];
	_ =	sdelay $0x1  }
0x8a: {  	s1 =	srdreg.scid  }
0x8b: {  	s0 =	sand.u32 $0x1, s1  }
0x8c: {  	s17 =	sshll.u32 s0, $0xA;
	s2 =	sadd.s32 s3, s2  }
0x8d: {  	s2 =	sadd.s32 s2, s17  }
0x8e: {  	[smem:$0x3FC6] =	sst s2  }
0x8f: {  	_ = 	snop  }
0x90: {  	(tm) =	ssettm $0x1  }
0x91: {  	s18 =	sld [smem:$0x3FFB];
	_ =	sdelay $0x3  }
0x92: {  	_ =	strace s18  }
0x93: {  	s2 =	sld [smem:$0x3FFC];
	_ =	sdelay $0x3  }
0x94: {  	_ =	strace s2  }
0x95: {  	s2 =	sld [smem:$0x3FFD];
	_ =	sdelay $0x3  }
0x96: {  	_ =	strace s2  }
0x97: {  	_ =	strace $0x8FFFFFFF  }
0x98: {  	s19 =	sld [smem:$0x3FDB];
	_ =	sdelay $0x1  }
0x99: {  	s20 =	simm.s32 $_scs_section_size  }
0x9a: {  	s4 =	simm.s32 $_size__tile_overlayer_lowered;
	s5 =	simm.s32 $_tile_overlayer_lowered  }
0x9b: {  	s6 =	simm.s32 $0x1BFF;
	s21 =	sshll.u32 s5, $0x1;
	s3 =	sadd.s32 s20, s19  }
0x9c: {  	s22 =	simm.s32 $0x0;
	s4 =	sshll.u32 s4, $0x1;
	s5 =	sadd.s32 s21, s3  }
0x9d: {  	[timem:s22], [sflag:s6] =	dma.local [hbm:s5], s4  }
0x9e: {  	_ =	swait.ge [sflag:s6], s4  }
0x9f: {  	s4 =	ssub.s32 $0x0, s4;
	[sflag:s6] =	ssyncset.done $0x0  }
0xa0: {  	[sflag:s6] =	ssyncadd.s32 s4;
	_ =	sdelay $0x1  }
0xa1: {  	s23 =	simm.s32 $0x1B8B  }
0xa2: {  	_ =	swait.ge [sflag:s23], $0x1  }
0xa3: {  	[sflag:s23] =	ssyncset.done $0x0  }
0xa4: {  	[sflag:s23] =	ssyncadd.s32 $0xFFFFFFFF  }
0xa5: {  	s4 =	sld [smem:$0x0]  }
0xa6: {  	s5 =	sand.u32 $0xFFFFFFFE, s1  }
0xa7: {  	p0 =	sne.s32 s1, s5  }
0xa8: {  	s5 =	sshll.u32 @p0 s5, $0xE  }
0xa9: {  	s5 =	sadd.s32 @p0 $0x11B8D, s5;
	s6 =	sshll.u32 @p0 s4, $0x11  }
0xaa: {  	s5 =	sor.u32 @p0 s6, s5  }
0xab: {  	[sflag:s5] =	ssyncadd.remote.s32 @p0 $0x1;
	_ =	sdelay $0x1  }
0xac: {  	s5 =	simm.s32 @p0 $0x1B8D  }
0xad: {  	_ =	swait.eq @p0 [sflag:s5], $0x1  }
0xae: {  	[sflag:s5] =	ssyncadd.s32 @p0 $0xFFFFFFFF  }
0xaf: {  	s6 =	sshll.u32 @!p0 s1, $0xE  }
0xb0: {  	s6 =	sor.u32 @!p0 $0x4000, s6;
	s5 =	simm.s32 @!p0 $0x1B8D  }
0xb1: {  	s4 =	sshll.u32 @!p0 s4, $0x11;
	s6 =	sadd.s32 @!p0 $0x11B8D, s6;
	_ =	swait.eq @!p0 [sflag:s5], $0x1  }
0xb2: {  	s4 =	sor.u32 @!p0 s4, s6;
	[sflag:s5] =	ssyncadd.s32 @!p0 $0xFFFFFFFF  }
0xb3: {  	s25 =	simm.s32 $0x1B8E;
	s24 =	sld [smem:$0x3FFE];
	[sflag:s4] =	ssyncadd.remote.s32 @!p0 $0x1  }
0xb4: {  	s26 =	simm.s32 $execute0_lowered;
	[smem:$0x3FD2] =	sst s25  }
0xb5: {  	s5 =	sshll.u32 s26, $0x1;
	_ =	strace $0x8000005B;
	[dreg:$0x1] =	wrdreg $0xFFFFFFFF  }
0xb6: {  	s28 =	simm.s32 $_size_execute0_lowered;
	s3 =	sadd.s32 s3, s5;
	[dreg:$0x0] =	wrdreg $0x0  }
0xb7: {  	s5 =	sshll.u32 s28, $0x1;
	[dreg:$0x2] =	wrdreg s3  }
0xb8: {  	[dreg:$0x3] =	wrdreg s5  }
0xb9: {  	[dreg:$0x4] =	wrdreg $0xC0  }
0xba: {  	_ =	task [dreg:s22], $0x5FFFF  }
0xbb: {  	[dreg:$0x1] =	wrdreg $0xFFFFFFFF  }
0xbc: {  	[dreg:$0x0] =	wrdreg $0x60  }
0xbd: {  	[dreg:$0x2] =	wrdreg s24  }
0xbe: {  	[dreg:$0x3] =	wrdreg $0xA  }
0xbf: {  	_ =	task.clear_ibuf [dreg:s22], $0x4FFFF;
	_ =	strace $0x9000005B  }
0xc0: {  	s29 =	simm.s32 $0xA;
	_ =	strace $0x8000005D  }
0xc1: {  	_ =	swait.ge [sflag:s29], $0x1  }
0xc2: {  	[sflag:s29] =	ssyncadd.s32 $0xFFFFFFFF  }
0xc3: {  	_ =	strace $0x9000005D  }
0xc4: {  	_ =	sfence  }
0xc5: {  	s30 =	sld [smem:$0x0];
	_ =	sdelay $0x2  }
0xc6: {  	s31 =	sshll.u32 s1, $0xD;
	s1 =	sshrl.u32 s1, $0x2  }
0xc7: {  	s4 =	sand.u32 $0x4000, s31;
	s1 =	sadd.s32 s1, s30  }
0xc8: {  	s0 =	sor.u32 s4, s0;
	s1 =	sshll.u32 s1, $0x11  }
0xc9: {  	s0 =	sor.u32 s1, s0  }
0xca: {  	s0 =	sadd.s32 $0x8F2B, s0  }
0xcb: {  	[sflag:s0] =	ssyncadd.remote.s32 $0x1  }
0xcc: {  	_ =	sfence.sel $0xFFFF  }
0xcd: {  	[dreg:$0x0] =	wrdreg $0xFFFFFFFF;
	(pc) =	sbr.abs _section_cstart, $3  }
0xce: {  	[dreg:$0x1] =	wrdreg $0xFFFFFFFF  }
0xcf: {  	_ =	task.clear_ibuf [dreg:s22], $0x2FFFF;
	_ =	strace $0x9FFFFFFF  }
0xd0: {  	(tm) =	ssettm $0x7FFFFFFF  }
0xd1: {  	_ =	shalt  }
tec
execute0_lowered:
.L_overlay_start_1:
0x0: {  	(tag) =	ssettag $0x1  }
0x1: {  	s1 =	srdreg.scid;
	s0 =	stileid.u32  }
0x2: {  	s12 =	sand.u32 $0x1, s1;
	s31 =	sshll.u32 s0, $0x1  }
0x3: {  	s11 =	sor.u32 s12, s31  }
0x4: {  	s10 =	rddreg [dreg:$0x0];
	s2 =	simm.s32 $0x0;
	s3 =	sshll.u32 s11, $0x5  }
0x5: {  	s4 =	simm.s32 $0x5;
	[smem:$0x7FF] =	sst s2;
	s3 =	sadd.s32 s3, s10  }
0x6: {  	s1 =	rddreg [dreg:$0x1];
	_ =	strace $0x8000005C;
	s3 =	sadd.s32 $0x1800, s3  }
0x7: {  	[tilespmem:s2], [sflag:$0x5] =	stream.linear.gather [hbm4b:s3+s2], $0x100, $0x38;
	[tilespmem:$0x8100] =	vst v63  }
0x8: {  	_ =	swait.ge [sflag:s4], $0x100  }
0x9: {  	s6 =	simm.s32 $0x80;
	[sflag:s4] =	ssyncset.done $0x0  }
0xa: {  	s7 =	simm.s32 $0x100;
	s5 =	sadd.s32 $0x39C00, s10;
	[sflag:s4] =	ssyncadd.s32 $0xFFFFFF00  }
0xb: {  	[tilespmem:s7], [sflag:$0x1] =	stream.indirect.gather [hbm4b:s5+s6], $0x80, s2, s6, $0xb8;
	[tilespmem:$0x8100] =	vst v63  }
0xc: {  	s8 =	simm.s32 $0x4100;
	s9 =	simm.s32 $0x1  }
0xd: {  	[tilespmem:s8], [sflag:$0x2] =	stream.indirect.gather [hbm4b:s5+s6], $0x80, s6, s6, $0xb8;
	[tilespmem:$0x8100] =	vst v63  }
0xe: {  	s14 =	ssub.s32 $0x2, s12;
	s11 =	sshll.u32 s11, $0xC;
	_ =	swait.ge [sflag:s9], $0x4000  }
0xf: {  	s15 =	sshrl.u32 s14, $0x1;
	s13 =	sadd.s32 s11, s10;
	[sflag:s9] =	ssyncset.done $0x0  }
0x10: {  	s11 =	simm.s32 $0x2;
	s10 =	sadd.s32 $0x183400, s13;
	[sflag:s9] =	ssyncadd.s32 $0xFFFFC000  }
0x11: {  	[hbm4b:s10+s2] =	stream.linear.scatter [tilespmem:s7], [sflag:$0x3], $0x4000, $0x38;
	[tilespmem:$0x8100] =	vst v63  }
0x12: {  	s14 =	ssub.s32 s14, s15;
	_ =	swait.ge [sflag:s11], $0x4000  }
0x13: {  	s12 =	sadd.s32 $0x183C00, s13;
	s15 =	smax.u32 s14, $0x1;
	[sflag:s11] =	ssyncset.done $0x0  }
0x14: {  	s13 =	simm.s32 $0x3;
	p0 =	sne.s32 s15, $0x1;
	[sflag:s11] =	ssyncadd.s32 $0xFFFFC000  }
0x15: {  	[hbm4b:s12+s2] =	stream.linear.scatter [tilespmem:s8], [sflag:$0x4], $0x4000, $0x38;
	[tilespmem:$0x8100] =	vst v63  }
.Ltmp0:
0x16: {  	_ =	swait.ge [sflag:s13], $0x4000;
	(pc) =	sbr.rel @!p0 .LBB2_2-.Ltmp0, $4  }
0x17: {  	[sflag:s13] =	ssyncset.done $0x0  }
0x18: {  	s14 =	simm.s32 $0x4;
	[sflag:s13] =	ssyncadd.s32 $0xFFFFC000  }
0x19: {  	_ =	swait.ge [sflag:s14], $0x4000  }
0x1a: {  	s15 =	sadd.s32 $0xFFFFFFFF, s15;
	[sflag:s14] =	ssyncset.done $0x0  }
.LBB2_1:
0x1b: {  	p0 =	sne.s32 s15, $0x1;
	s15 =	sadd.s32 $0xFFFFFFFF, s15;
	[sflag:s14] =	ssyncadd.s32 $0xFFFFC000  }
0x1c: {  	[tilespmem:s2], [sflag:$0x5] =	stream.linear.gather [hbm4b:s3+s2], $0x100, $0x38;
	[tilespmem:$0x8100] =	vst v63  }
0x1d: {  	_ =	swait.ge [sflag:s4], $0x100  }
0x1e: {  	[sflag:s4] =	ssyncset.done $0x0  }
0x1f: {  	[sflag:s4] =	ssyncadd.s32 $0xFFFFFF00  }
0x20: {  	[tilespmem:s7], [sflag:$0x1] =	stream.indirect.gather [hbm4b:s5+s6], $0x80, s2, s6, $0xb8;
	[tilespmem:$0x8100] =	vst v63  }
0x21: {  	_ = 	snop  }
0x22: {  	[tilespmem:s8], [sflag:$0x2] =	stream.indirect.gather [hbm4b:s5+s6], $0x80, s6, s6, $0xb8;
	[tilespmem:$0x8100] =	vst v63  }
0x23: {  	_ =	swait.ge [sflag:s9], $0x4000  }
0x24: {  	[sflag:s9] =	ssyncset.done $0x0  }
0x25: {  	[sflag:s9] =	ssyncadd.s32 $0xFFFFC000  }
0x26: {  	[hbm4b:s10+s2] =	stream.linear.scatter [tilespmem:s7], [sflag:$0x3], $0x4000, $0x38;
	[tilespmem:$0x8100] =	vst v63  }
0x27: {  	_ =	swait.ge [sflag:s11], $0x4000  }
0x28: {  	[sflag:s11] =	ssyncset.done $0x0  }
0x29: {  	[sflag:s11] =	ssyncadd.s32 $0xFFFFC000  }
0x2a: {  	[hbm4b:s12+s2] =	stream.linear.scatter [tilespmem:s8], [sflag:$0x4], $0x4000, $0x38;
	[tilespmem:$0x8100] =	vst v63  }
.Ltmp1:
0x2b: {  	_ =	swait.ge [sflag:s13], $0x4000;
	(pc) =	sbr.rel @p0 .LBB2_1-.Ltmp1, $4  }
0x2c: {  	[sflag:s13] =	ssyncset.done $0x0  }
0x2d: {  	[sflag:s13] =	ssyncadd.s32 $0xFFFFC000  }
0x2e: {  	_ =	swait.ge [sflag:s14], $0x4000  }
0x2f: {  	[sflag:s14] =	ssyncset.done $0x0  }
.LBB2_2:
0x30: {  	[sflag:s14] =	ssyncadd.s32 $0xFFFFC000  }
0x31: {  	_ =	sfence.sel $0x180000  }
0x32: {  	[bflag:$0x0] =	sbarrier.arrive $0xFFFF  }
0x33: {  	p0 =	sne.s32 s0, $0x0;
	_ =	strace $0x9000005C  }
0x34: {  	s0 =	sadd.s32 @!p0 $0x100000, s1;
	[bflag:$0x2] =	sbarrier.arrive $0xFFFF  }
0x35: {  	[sflag:s0] =	ssyncadd.tile.s32 @!p0 $0x1;
	_ =	shalt  }
.Lfunc_end2:
_tile_overlayer_lowered:
.L_overlay_start_2:
0x36: {  	(tag) =	ssettag $0x2  }
0x37: {  	s0 =	rddreg [dreg:$0x0];
	s2 =	stileid.u32  }
0x38: {  	s1 =	rddreg [dreg:$0x1];
	p0 =	sne.s32 s2, $0x0  }
0x39: {  	s3 =	rddreg [dreg:$0x2];
	[bflag:$0x3] =	sbarrier.arrive $0xFFFF;
	s2 =	simm.s32 @!p0 $0x1C05  }
0x3a: {  	[timem:s3], [sflag:s2] =	dma.local @!p0 [hbm:s0], s1  }
0x3b: {  	s0 =	simm.s32 @!p0 $0x5  }
0x3c: {  	_ =	swait.ge @!p0 [sflag:s0], s1  }
0x3d: {  	s1 =	ssub.s32 @!p0 $0x0, s1;
	[sflag:s0] =	ssyncset.done @!p0 $0x0  }
0x3e: {  	[sflag:s0] =	ssyncadd.s32 @!p0 s1  }
0x3f: {  	[bflag:$0x3] =	sbarrier.arrive $0xFFFF  }
0x40: {  	_ =	shalt  }

// kernel: kernel.32.cloned.1.call-start
scs
__scs_entry_jumppad:
0x0: {  	(pc) =	sbr.rel $0x88, $3  }
0x1: {  	(tag) =	ssettag $0x0;
	lr =	simm.s32 $0x1  }
0x2: {  	[smem:$0x3F9F] =	sst lr;
	_ =	strace $0xD0000000  }
0x3: {  	_ = 	snop  }
0x4: {  	_ = 	snop  }
0x5: {  	_ = 	snop  }
0x6: {  	_ = 	snop  }
0x7: {  	_ = 	snop  }
__scs_overlays_trampoline_lowered:
0x8: {  	[smem:$0x3FAE] =	sst s0  }
0x9: {  	[smem:$0x3FAF] =	sst s1  }
0xa: {  	[smem:$0x3FB0] =	sst s2  }
0xb: {  	[smem:$0x3FB1] =	sst s3  }
0xc: {  	[smem:$0x3FB2] =	sst s4  }
0xd: {  	[smem:$0x3FB3] =	sst s5  }
0xe: {  	[smem:$0x3FB4] =	sst s6  }
0xf: {  	[smem:$0x3FB5] =	sst s7  }
0x10: {  	[smem:$0x3FB6] =	sst s8  }
0x11: {  	[smem:$0x3FB7] =	sst s9;
	s0 =	simm.s32 @!p0 $0x0  }
0x12: {  	s1 =	sld [smem:$0x3F9D];
	s0 =	simm.s32 @p0 $0x1  }
0x13: {  	[smem:$0x3FB8] =	sst s0;
	s0 =	simm.s32 @!p1 $0x0  }
0x14: {  	s2 =	sld [smem:$0x3F9C];
	s0 =	simm.s32 @p1 $0x1  }
0x15: {  	[smem:$0x3FB9] =	sst s0;
	s0 =	simm.s32 @!p2 $0x0  }
0x16: {  	s3 =	sld [smem:$0x3FDB];
	s0 =	simm.s32 @p2 $0x1  }
0x17: {  	s4 =	simm.s32 $0x1BF5;
	[smem:$0x3FBB] =	sst s0  }
0x18: {  	s0 =	sld [smem:$0x3F9E];
	_ =	swait.ge [sflag:s4], $0x0  }
0x19: {  	s7 =	sld [smem:$0x3F9F]  }
0x1a: {  	s8 =	sadd.s32 $0xFFFFE003, lr  }
0x1b: {  	s9 =	sadd.s32 $0xFFFFFEF7, lr;
	s5 =	simm.s32 $0xFFFFFFFF;
	p2 =	slt.u32 s8, $0xFFFFF086  }
0x1c: {  	p1 =	slt.u32 s9, $0xF7A;
	s5 =	simm.s32 @!p2 $0x0  }
0x1d: {  	s5 =	simm.s32 @p1 $0x1;
	p0 =	seq.s32 s7, s2  }
0x1e: {  	s7 =	smul.u32 @!p0 $0xF7A, s2;
	p2 =	seq.s32 @!p0 s5, $0x0  }
0x1f: {  	s9 =	smul.u32 $0xF7A, s1;
	s8 =	simm.s32 @!p0 $0x1BF5;
	p2 =	por !p2, p0  }
0x20: {  	[sflag:s8] =	ssyncset.s32 @!p0 $0xFFFFF086;
	s6 =	sadd.s32 @!p0 s3, s7;
	s7 =	simm.s32 @!p0 $0x108  }
0x21: {  	s3 =	sadd.s32 s3, s9;
	s6 =	sadd.s32 @!p0 $0x88, s6;
	s7 =	simm.s32 @p2 $0x1082  }
0x22: {  	[simem:s7], [sflag:s8] =	dma.local @!p0 [hbm:s6], $0xF7A  }
0x23: {  	s9 =	sor.u32 $0xD0000000, s2;
	s6 =	simm.s32 $0x108;
	_ =	swait.ge @!p0 [sflag:s8], $0x0  }
0x24: {  	s3 =	sadd.s32 $0x88, s3;
	s6 =	simm.s32 @!p1 $0x1082;
	[sflag:s4] =	ssyncset.s32 $0xFFFFF086  }
0x25: {  	[simem:s6], [sflag:s4] =	dma.local [hbm:s3], $0xF7A  }
0x26: {  	[smem:$0x3F9F] =	sst s1;
	(tag) =	ssettag s2;
	_ =	strace s9  }
0x27: {  	s1 =	sld [smem:$0x3FAF]  }
0x28: {  	s2 =	sld [smem:$0x3FB0]  }
0x29: {  	s4 =	sld [smem:$0x3FB2]  }
0x2a: {  	p0 =	seq.s32 s5, $0x0;
	s5 =	sld [smem:$0x3FB3]  }
0x2b: {  	s6 =	sld [smem:$0x3FB4]  }
0x2c: {  	s7 =	sld [smem:$0x3FB5]  }
0x2d: {  	s3 =	simm.s32 $0x108;
	s8 =	sld [smem:$0x3FB6]  }
0x2e: {  	s3 =	simm.s32 @!p0 $0x1082;
	s9 =	sld [smem:$0x3FB7]  }
0x2f: {  	lr =	sadd.s32 s0, s3;
	s0 =	sld [smem:$0x3FAE]  }
0x30: {  	s3 =	sld [smem:$0x3FB1]  }
0x31: {  	[smem:$0x3FBA] =	sst s10  }
0x32: {  	s10 =	sld [smem:$0x3FB8];
	_ =	sdelay $0x3  }
0x33: {  	p0 =	seq.s32 s10, $0x1;
	s10 =	sld [smem:$0x3FBA];
	_ =	sdelay $0x3  }
0x34: {  	[smem:$0x3FBA] =	sst s10  }
0x35: {  	s10 =	sld [smem:$0x3FB9];
	_ =	sdelay $0x3  }
0x36: {  	p1 =	seq.s32 s10, $0x1;
	s10 =	sld [smem:$0x3FBA];
	_ =	sdelay $0x3  }
0x37: {  	[smem:$0x3FBA] =	sst s10  }
0x38: {  	s10 =	sld [smem:$0x3FBB]  }
0x39: {  	_ = 	snop;
	(pc) =	sbr.ind lr, $3  }
0x3a: {  	_ = 	snop  }
0x3b: {  	_ = 	snop  }
0x3c: {  	p2 =	seq.s32 s10, $0x1;
	s10 =	sld [smem:$0x3FBA]  }
0x3d: {  	_ =	shalt  }
0x3e: {  	_ =	shalt  }
0x3f: {  	_ =	shalt  }
0x40: {  	_ =	shalt  }
0x41: {  	_ =	shalt  }
0x42: {  	_ =	shalt  }
0x43: {  	_ =	shalt  }
0x44: {  	_ =	shalt  }
0x45: {  	_ =	shalt  }
0x46: {  	_ =	shalt  }
0x47: {  	_ =	shalt  }
0x48: {  	_ =	shalt  }
0x49: {  	_ =	shalt  }
0x4a: {  	_ =	shalt  }
0x4b: {  	_ =	shalt  }
0x4c: {  	_ =	shalt  }
0x4d: {  	_ =	shalt  }
0x4e: {  	_ =	shalt  }
0x4f: {  	_ =	shalt  }
0x50: {  	_ =	shalt  }
0x51: {  	_ =	shalt  }
0x52: {  	_ =	shalt  }
0x53: {  	_ =	shalt  }
0x54: {  	_ =	shalt  }
0x55: {  	_ =	shalt  }
0x56: {  	_ =	shalt  }
0x57: {  	_ =	shalt  }
0x58: {  	_ =	shalt  }
0x59: {  	_ =	shalt  }
0x5a: {  	_ =	shalt  }
0x5b: {  	_ =	shalt  }
0x5c: {  	_ =	shalt  }
0x5d: {  	_ =	shalt  }
0x5e: {  	_ =	shalt  }
0x5f: {  	_ =	shalt  }
0x60: {  	_ =	shalt  }
0x61: {  	_ =	shalt  }
0x62: {  	_ =	shalt  }
0x63: {  	_ =	shalt  }
0x64: {  	_ =	shalt  }
0x65: {  	_ =	shalt  }
0x66: {  	_ =	shalt  }
0x67: {  	_ =	shalt  }
0x68: {  	_ =	shalt  }
0x69: {  	_ =	shalt  }
0x6a: {  	_ =	shalt  }
0x6b: {  	_ =	shalt  }
0x6c: {  	_ =	shalt  }
0x6d: {  	_ =	shalt  }
0x6e: {  	_ =	shalt  }
0x6f: {  	_ =	shalt  }
0x70: {  	_ =	shalt  }
0x71: {  	_ =	shalt  }
0x72: {  	_ =	shalt  }
0x73: {  	_ =	shalt  }
0x74: {  	_ =	shalt  }
0x75: {  	_ =	shalt  }
0x76: {  	_ =	shalt  }
0x77: {  	_ =	shalt  }
0x78: {  	_ =	shalt  }
0x79: {  	_ =	shalt  }
0x7a: {  	_ =	shalt  }
0x7b: {  	_ =	shalt  }
0x7c: {  	_ =	shalt  }
0x7d: {  	_ =	shalt  }
0x7e: {  	_ =	shalt  }
0x7f: {  	_ =	shalt  }
0x80: {  	_ =	shalt  }
0x81: {  	_ =	shalt  }
0x82: {  	_ =	shalt  }
0x83: {  	_ =	shalt  }
0x84: {  	_ =	shalt  }
0x85: {  	_ =	shalt  }
0x86: {  	_ =	shalt  }
0x87: {  	_ =	shalt  }
.Lfunc_end0:
.L_simem_size_0:
called_computation.2_lowered:
.L_overlay_start_0:
0x88: {  	s2 =	sld [smem:$0x3FD9]  }
0x89: {  	s3 =	sld [smem:$0x3FFE];
	_ =	sdelay $0x1  }
0x8a: {  	s1 =	srdreg.scid  }
0x8b: {  	s0 =	sand.u32 $0x1, s1  }
0x8c: {  	s17 =	sshll.u32 s0, $0xA;
	s2 =	sadd.s32 s3, s2  }
0x8d: {  	s2 =	sadd.s32 s2, s17  }
0x8e: {  	[smem:$0x3FC6] =	sst s2  }
0x8f: {  	_ = 	snop  }
0x90: {  	(tm) =	ssettm $0x1  }
0x91: {  	s18 =	sld [smem:$0x3FFB];
	_ =	sdelay $0x3  }
0x92: {  	_ =	strace s18  }
0x93: {  	s2 =	sld [smem:$0x3FFC];
	_ =	sdelay $0x3  }
0x94: {  	_ =	strace s2  }
0x95: {  	s2 =	sld [smem:$0x3FFD];
	_ =	sdelay $0x3  }
0x96: {  	_ =	strace s2  }
0x97: {  	_ =	strace $0x8FFFFFFF  }
0x98: {  	s19 =	sld [smem:$0x3FDB];
	_ =	sdelay $0x1  }
0x99: {  	s20 =	simm.s32 $_scs_section_size  }
0x9a: {  	s4 =	simm.s32 $_size__tile_overlayer_lowered;
	s5 =	simm.s32 $_tile_overlayer_lowered  }
0x9b: {  	s6 =	simm.s32 $0x1BFF;
	s21 =	sshll.u32 s5, $0x1;
	s3 =	sadd.s32 s20, s19  }
0x9c: {  	s22 =	simm.s32 $0x0;
	s4 =	sshll.u32 s4, $0x1;
	s5 =	sadd.s32 s21, s3  }
0x9d: {  	[timem:s22], [sflag:s6] =	dma.local [hbm:s5], s4  }
0x9e: {  	_ =	swait.ge [sflag:s6], s4  }
0x9f: {  	s4 =	ssub.s32 $0x0, s4;
	[sflag:s6] =	ssyncset.done $0x0  }
0xa0: {  	[sflag:s6] =	ssyncadd.s32 s4;
	_ =	sdelay $0x1  }
0xa1: {  	s23 =	simm.s32 $0x1B8B  }
0xa2: {  	_ =	swait.ge [sflag:s23], $0x1  }
0xa3: {  	[sflag:s23] =	ssyncset.done $0x0  }
0xa4: {  	[sflag:s23] =	ssyncadd.s32 $0xFFFFFFFF  }
0xa5: {  	s4 =	sld [smem:$0x0]  }
0xa6: {  	s5 =	sand.u32 $0xFFFFFFFE, s1  }
0xa7: {  	p0 =	sne.s32 s1, s5  }
0xa8: {  	s5 =	sshll.u32 @p0 s5, $0xE  }
0xa9: {  	s5 =	sadd.s32 @p0 $0x11B8D, s5;
	s6 =	sshll.u32 @p0 s4, $0x11  }
0xaa: {  	s5 =	sor.u32 @p0 s6, s5  }
0xab: {  	[sflag:s5] =	ssyncadd.remote.s32 @p0 $0x1;
	_ =	sdelay $0x1  }
0xac: {  	s5 =	simm.s32 @p0 $0x1B8D  }
0xad: {  	_ =	swait.eq @p0 [sflag:s5], $0x1  }
0xae: {  	[sflag:s5] =	ssyncadd.s32 @p0 $0xFFFFFFFF  }
0xaf: {  	s6 =	sshll.u32 @!p0 s1, $0xE  }
0xb0: {  	s6 =	sor.u32 @!p0 $0x4000, s6;
	s5 =	simm.s32 @!p0 $0x1B8D  }
0xb1: {  	s4 =	sshll.u32 @!p0 s4, $0x11;
	s6 =	sadd.s32 @!p0 $0x11B8D, s6;
	_ =	swait.eq @!p0 [sflag:s5], $0x1  }
0xb2: {  	s4 =	sor.u32 @!p0 s4, s6;
	[sflag:s5] =	ssyncadd.s32 @!p0 $0xFFFFFFFF  }
0xb3: {  	s25 =	simm.s32 $0x1B8E;
	s24 =	sld [smem:$0x3FFE];
	[sflag:s4] =	ssyncadd.remote.s32 @!p0 $0x1  }
0xb4: {  	s26 =	simm.s32 $execute0_lowered;
	[smem:$0x3FD2] =	sst s25  }
0xb5: {  	s5 =	sshll.u32 s26, $0x1;
	_ =	strace $0x80000055;
	[dreg:$0x1] =	wrdreg $0xFFFFFFFF  }
0xb6: {  	s28 =	simm.s32 $_size_execute0_lowered;
	s3 =	sadd.s32 s3, s5;
	[dreg:$0x0] =	wrdreg $0x0  }
0xb7: {  	s5 =	sshll.u32 s28, $0x1;
	[dreg:$0x2] =	wrdreg s3  }
0xb8: {  	[dreg:$0x3] =	wrdreg s5  }
0xb9: {  	[dreg:$0x4] =	wrdreg $0xC0  }
0xba: {  	_ =	task [dreg:s22], $0x5FFFF  }
0xbb: {  	[dreg:$0x1] =	wrdreg $0xFFFFFFFF  }
0xbc: {  	[dreg:$0x0] =	wrdreg $0x60  }
0xbd: {  	[dreg:$0x2] =	wrdreg s24  }
0xbe: {  	[dreg:$0x3] =	wrdreg $0xB  }
0xbf: {  	_ =	task.clear_ibuf [dreg:s22], $0x4FFFF;
	_ =	strace $0x90000055  }
0xc0: {  	s29 =	simm.s32 $0xB;
	_ =	strace $0x80000057  }
0xc1: {  	_ =	swait.ge [sflag:s29], $0x1  }
0xc2: {  	[sflag:s29] =	ssyncadd.s32 $0xFFFFFFFF  }
0xc3: {  	_ =	strace $0x90000057  }
0xc4: {  	_ =	sfence  }
0xc5: {  	s30 =	sld [smem:$0x0];
	_ =	sdelay $0x2  }
0xc6: {  	s31 =	sshll.u32 s1, $0xD;
	s1 =	sshrl.u32 s1, $0x2  }
0xc7: {  	s4 =	sand.u32 $0x4000, s31;
	s1 =	sadd.s32 s1, s30  }
0xc8: {  	s0 =	sor.u32 s4, s0;
	s1 =	sshll.u32 s1, $0x11  }
0xc9: {  	s0 =	sor.u32 s1, s0  }
0xca: {  	s0 =	sadd.s32 $0x8F2B, s0  }
0xcb: {  	[sflag:s0] =	ssyncadd.remote.s32 $0x1  }
0xcc: {  	_ =	sfence.sel $0xFFFF  }
0xcd: {  	[dreg:$0x0] =	wrdreg $0xFFFFFFFF;
	(pc) =	sbr.abs _section_cstart, $3  }
0xce: {  	[dreg:$0x1] =	wrdreg $0xFFFFFFFF  }
0xcf: {  	_ =	task.clear_ibuf [dreg:s22], $0x2FFFF;
	_ =	strace $0x9FFFFFFF  }
0xd0: {  	(tm) =	ssettm $0x7FFFFFFF  }
0xd1: {  	_ =	shalt  }
tec
execute0_lowered:
.L_overlay_start_1:
0x0: {  	(tag) =	ssettag $0x1  }
0x1: {  	s1 =	srdreg.scid;
	s0 =	stileid.u32  }
0x2: {  	s12 =	sand.u32 $0x1, s1;
	s31 =	sshll.u32 s0, $0x1  }
0x3: {  	s11 =	sor.u32 s12, s31  }
0x4: {  	s10 =	rddreg [dreg:$0x0];
	s2 =	simm.s32 $0x0;
	s3 =	sshll.u32 s11, $0x5  }
0x5: {  	s4 =	simm.s32 $0x5;
	[smem:$0x7FF] =	sst s2;
	s3 =	sadd.s32 s3, s10  }
0x6: {  	s1 =	rddreg [dreg:$0x1];
	_ =	strace $0x80000056;
	s3 =	sadd.s32 $0x162C00, s3  }
0x7: {  	[tilespmem:s2], [sflag:$0x5] =	stream.linear.gather [hbm4b:s3+s2], $0x100, $0x38;
	[tilespmem:$0x8100] =	vst v63  }
0x8: {  	_ =	swait.ge [sflag:s4], $0x100  }
0x9: {  	s6 =	simm.s32 $0x80;
	[sflag:s4] =	ssyncset.done $0x0  }
0xa: {  	s7 =	simm.s32 $0x100;
	s5 =	sadd.s32 $0x39C00, s10;
	[sflag:s4] =	ssyncadd.s32 $0xFFFFFF00  }
0xb: {  	[tilespmem:s7], [sflag:$0x1] =	stream.indirect.gather [hbm4b:s5+s6], $0x80, s2, s6, $0xb8;
	[tilespmem:$0x8100] =	vst v63  }
0xc: {  	s8 =	simm.s32 $0x4100;
	s9 =	simm.s32 $0x1  }
0xd: {  	[tilespmem:s8], [sflag:$0x2] =	stream.indirect.gather [hbm4b:s5+s6], $0x80, s6, s6, $0xb8;
	[tilespmem:$0x8100] =	vst v63  }
0xe: {  	s14 =	ssub.s32 $0x2, s12;
	s11 =	sshll.u32 s11, $0xC;
	_ =	swait.ge [sflag:s9], $0x4000  }
0xf: {  	s15 =	sshrl.u32 s14, $0x1;
	s13 =	sadd.s32 s11, s10;
	[sflag:s9] =	ssyncset.done $0x0  }
0x10: {  	s11 =	simm.s32 $0x2;
	s10 =	sadd.s32 $0x163000, s13;
	[sflag:s9] =	ssyncadd.s32 $0xFFFFC000  }
0x11: {  	[hbm4b:s10+s2] =	stream.linear.scatter [tilespmem:s7], [sflag:$0x3], $0x4000, $0x38;
	[tilespmem:$0x8100] =	vst v63  }
0x12: {  	s14 =	ssub.s32 s14, s15;
	_ =	swait.ge [sflag:s11], $0x4000  }
0x13: {  	s12 =	sadd.s32 $0x163800, s13;
	s15 =	smax.u32 s14, $0x1;
	[sflag:s11] =	ssyncset.done $0x0  }
0x14: {  	s13 =	simm.s32 $0x3;
	p0 =	sne.s32 s15, $0x1;
	[sflag:s11] =	ssyncadd.s32 $0xFFFFC000  }
0x15: {  	[hbm4b:s12+s2] =	stream.linear.scatter [tilespmem:s8], [sflag:$0x4], $0x4000, $0x38;
	[tilespmem:$0x8100] =	vst v63  }
.Ltmp0:
0x16: {  	_ =	swait.ge [sflag:s13], $0x4000;
	(pc) =	sbr.rel @!p0 .LBB2_2-.Ltmp0, $4  }
0x17: {  	[sflag:s13] =	ssyncset.done $0x0  }
0x18: {  	s14 =	simm.s32 $0x4;
	[sflag:s13] =	ssyncadd.s32 $0xFFFFC000  }
0x19: {  	_ =	swait.ge [sflag:s14], $0x4000  }
0x1a: {  	s15 =	sadd.s32 $0xFFFFFFFF, s15;
	[sflag:s14] =	ssyncset.done $0x0  }
.LBB2_1:
0x1b: {  	p0 =	sne.s32 s15, $0x1;
	s15 =	sadd.s32 $0xFFFFFFFF, s15;
	[sflag:s14] =	ssyncadd.s32 $0xFFFFC000  }
0x1c: {  	[tilespmem:s2], [sflag:$0x5] =	stream.linear.gather [hbm4b:s3+s2], $0x100, $0x38;
	[tilespmem:$0x8100] =	vst v63  }
0x1d: {  	_ =	swait.ge [sflag:s4], $0x100  }
0x1e: {  	[sflag:s4] =	ssyncset.done $0x0  }
0x1f: {  	[sflag:s4] =	ssyncadd.s32 $0xFFFFFF00  }
0x20: {  	[tilespmem:s7], [sflag:$0x1] =	stream.indirect.gather [hbm4b:s5+s6], $0x80, s2, s6, $0xb8;
	[tilespmem:$0x8100] =	vst v63  }
0x21: {  	_ = 	snop  }
0x22: {  	[tilespmem:s8], [sflag:$0x2] =	stream.indirect.gather [hbm4b:s5+s6], $0x80, s6, s6, $0xb8;
	[tilespmem:$0x8100] =	vst v63  }
0x23: {  	_ =	swait.ge [sflag:s9], $0x4000  }
0x24: {  	[sflag:s9] =	ssyncset.done $0x0  }
0x25: {  	[sflag:s9] =	ssyncadd.s32 $0xFFFFC000  }
0x26: {  	[hbm4b:s10+s2] =	stream.linear.scatter [tilespmem:s7], [sflag:$0x3], $0x4000, $0x38;
	[tilespmem:$0x8100] =	vst v63  }
0x27: {  	_ =	swait.ge [sflag:s11], $0x4000  }
0x28: {  	[sflag:s11] =	ssyncset.done $0x0  }
0x29: {  	[sflag:s11] =	ssyncadd.s32 $0xFFFFC000  }
0x2a: {  	[hbm4b:s12+s2] =	stream.linear.scatter [tilespmem:s8], [sflag:$0x4], $0x4000, $0x38;
	[tilespmem:$0x8100] =	vst v63  }
.Ltmp1:
0x2b: {  	_ =	swait.ge [sflag:s13], $0x4000;
	(pc) =	sbr.rel @p0 .LBB2_1-.Ltmp1, $4  }
0x2c: {  	[sflag:s13] =	ssyncset.done $0x0  }
0x2d: {  	[sflag:s13] =	ssyncadd.s32 $0xFFFFC000  }
0x2e: {  	_ =	swait.ge [sflag:s14], $0x4000  }
0x2f: {  	[sflag:s14] =	ssyncset.done $0x0  }
.LBB2_2:
0x30: {  	[sflag:s14] =	ssyncadd.s32 $0xFFFFC000  }
0x31: {  	_ =	sfence.sel $0x180000  }
0x32: {  	[bflag:$0x0] =	sbarrier.arrive $0xFFFF  }
0x33: {  	p0 =	sne.s32 s0, $0x0;
	_ =	strace $0x90000056  }
0x34: {  	s0 =	sadd.s32 @!p0 $0x100000, s1;
	[bflag:$0x2] =	sbarrier.arrive $0xFFFF  }
0x35: {  	[sflag:s0] =	ssyncadd.tile.s32 @!p0 $0x1;
	_ =	shalt  }
.Lfunc_end2:
_tile_overlayer_lowered:
.L_overlay_start_2:
0x36: {  	(tag) =	ssettag $0x2  }
0x37: {  	s0 =	rddreg [dreg:$0x0];
	s2 =	stileid.u32  }
0x38: {  	s1 =	rddreg [dreg:$0x1];
	p0 =	sne.s32 s2, $0x0  }
0x39: {  	s3 =	rddreg [dreg:$0x2];
	[bflag:$0x3] =	sbarrier.arrive $0xFFFF;
	s2 =	simm.s32 @!p0 $0x1C05  }
0x3a: {  	[timem:s3], [sflag:s2] =	dma.local @!p0 [hbm:s0], s1  }
0x3b: {  	s0 =	simm.s32 @!p0 $0x5  }
0x3c: {  	_ =	swait.ge @!p0 [sflag:s0], s1  }
0x3d: {  	s1 =	ssub.s32 @!p0 $0x0, s1;
	[sflag:s0] =	ssyncset.done @!p0 $0x0  }
0x3e: {  	[sflag:s0] =	ssyncadd.s32 @!p0 s1  }
0x3f: {  	[bflag:$0x3] =	sbarrier.arrive $0xFFFF  }
0x40: {  	_ =	shalt  }

// kernel: kernel.35.cloned.1.call-start
scs
__scs_entry_jumppad:
0x0: {  	(pc) =	sbr.rel $0x88, $3  }
0x1: {  	(tag) =	ssettag $0x0;
	lr =	simm.s32 $0x1  }
0x2: {  	[smem:$0x3F9F] =	sst lr;
	_ =	strace $0xD0000000  }
0x3: {  	_ = 	snop  }
0x4: {  	_ = 	snop  }
0x5: {  	_ = 	snop  }
0x6: {  	_ = 	snop  }
0x7: {  	_ = 	snop  }
__scs_overlays_trampoline_lowered:
0x8: {  	[smem:$0x3FAE] =	sst s0  }
0x9: {  	[smem:$0x3FAF] =	sst s1  }
0xa: {  	[smem:$0x3FB0] =	sst s2  }
0xb: {  	[smem:$0x3FB1] =	sst s3  }
0xc: {  	[smem:$0x3FB2] =	sst s4  }
0xd: {  	[smem:$0x3FB3] =	sst s5  }
0xe: {  	[smem:$0x3FB4] =	sst s6  }
0xf: {  	[smem:$0x3FB5] =	sst s7  }
0x10: {  	[smem:$0x3FB6] =	sst s8  }
0x11: {  	[smem:$0x3FB7] =	sst s9;
	s0 =	simm.s32 @!p0 $0x0  }
0x12: {  	s1 =	sld [smem:$0x3F9D];
	s0 =	simm.s32 @p0 $0x1  }
0x13: {  	[smem:$0x3FB8] =	sst s0;
	s0 =	simm.s32 @!p1 $0x0  }
0x14: {  	s2 =	sld [smem:$0x3F9C];
	s0 =	simm.s32 @p1 $0x1  }
0x15: {  	[smem:$0x3FB9] =	sst s0;
	s0 =	simm.s32 @!p2 $0x0  }
0x16: {  	s3 =	sld [smem:$0x3FDB];
	s0 =	simm.s32 @p2 $0x1  }
0x17: {  	s4 =	simm.s32 $0x1BF5;
	[smem:$0x3FBB] =	sst s0  }
0x18: {  	s0 =	sld [smem:$0x3F9E];
	_ =	swait.ge [sflag:s4], $0x0  }
0x19: {  	s7 =	sld [smem:$0x3F9F]  }
0x1a: {  	s8 =	sadd.s32 $0xFFFFE003, lr  }
0x1b: {  	s9 =	sadd.s32 $0xFFFFFEF7, lr;
	s5 =	simm.s32 $0xFFFFFFFF;
	p2 =	slt.u32 s8, $0xFFFFF086  }
0x1c: {  	p1 =	slt.u32 s9, $0xF7A;
	s5 =	simm.s32 @!p2 $0x0  }
0x1d: {  	s5 =	simm.s32 @p1 $0x1;
	p0 =	seq.s32 s7, s2  }
0x1e: {  	s7 =	smul.u32 @!p0 $0xF7A, s2;
	p2 =	seq.s32 @!p0 s5, $0x0  }
0x1f: {  	s9 =	smul.u32 $0xF7A, s1;
	s8 =	simm.s32 @!p0 $0x1BF5;
	p2 =	por !p2, p0  }
0x20: {  	[sflag:s8] =	ssyncset.s32 @!p0 $0xFFFFF086;
	s6 =	sadd.s32 @!p0 s3, s7;
	s7 =	simm.s32 @!p0 $0x108  }
0x21: {  	s3 =	sadd.s32 s3, s9;
	s6 =	sadd.s32 @!p0 $0x88, s6;
	s7 =	simm.s32 @p2 $0x1082  }
0x22: {  	[simem:s7], [sflag:s8] =	dma.local @!p0 [hbm:s6], $0xF7A  }
0x23: {  	s9 =	sor.u32 $0xD0000000, s2;
	s6 =	simm.s32 $0x108;
	_ =	swait.ge @!p0 [sflag:s8], $0x0  }
0x24: {  	s3 =	sadd.s32 $0x88, s3;
	s6 =	simm.s32 @!p1 $0x1082;
	[sflag:s4] =	ssyncset.s32 $0xFFFFF086  }
0x25: {  	[simem:s6], [sflag:s4] =	dma.local [hbm:s3], $0xF7A  }
0x26: {  	[smem:$0x3F9F] =	sst s1;
	(tag) =	ssettag s2;
	_ =	strace s9  }
0x27: {  	s1 =	sld [smem:$0x3FAF]  }
0x28: {  	s2 =	sld [smem:$0x3FB0]  }
0x29: {  	s4 =	sld [smem:$0x3FB2]  }
0x2a: {  	p0 =	seq.s32 s5, $0x0;
	s5 =	sld [smem:$0x3FB3]  }
0x2b: {  	s6 =	sld [smem:$0x3FB4]  }
0x2c: {  	s7 =	sld [smem:$0x3FB5]  }
0x2d: {  	s3 =	simm.s32 $0x108;
	s8 =	sld [smem:$0x3FB6]  }
0x2e: {  	s3 =	simm.s32 @!p0 $0x1082;
	s9 =	sld [smem:$0x3FB7]  }
0x2f: {  	lr =	sadd.s32 s0, s3;
	s0 =	sld [smem:$0x3FAE]  }
0x30: {  	s3 =	sld [smem:$0x3FB1]  }
0x31: {  	[smem:$0x3FBA] =	sst s10  }
0x32: {  	s10 =	sld [smem:$0x3FB8];
	_ =	sdelay $0x3  }
0x33: {  	p0 =	seq.s32 s10, $0x1;
	s10 =	sld [smem:$0x3FBA];
	_ =	sdelay $0x3  }
0x34: {  	[smem:$0x3FBA] =	sst s10  }
0x35: {  	s10 =	sld [smem:$0x3FB9];
	_ =	sdelay $0x3  }
0x36: {  	p1 =	seq.s32 s10, $0x1;
	s10 =	sld [smem:$0x3FBA];
	_ =	sdelay $0x3  }
0x37: {  	[smem:$0x3FBA] =	sst s10  }
0x38: {  	s10 =	sld [smem:$0x3FBB]  }
0x39: {  	_ = 	snop;
	(pc) =	sbr.ind lr, $3  }
0x3a: {  	_ = 	snop  }
0x3b: {  	_ = 	snop  }
0x3c: {  	p2 =	seq.s32 s10, $0x1;
	s10 =	sld [smem:$0x3FBA]  }
0x3d: {  	_ =	shalt  }
0x3e: {  	_ =	shalt  }
0x3f: {  	_ =	shalt  }
0x40: {  	_ =	shalt  }
0x41: {  	_ =	shalt  }
0x42: {  	_ =	shalt  }
0x43: {  	_ =	shalt  }
0x44: {  	_ =	shalt  }
0x45: {  	_ =	shalt  }
0x46: {  	_ =	shalt  }
0x47: {  	_ =	shalt  }
0x48: {  	_ =	shalt  }
0x49: {  	_ =	shalt  }
0x4a: {  	_ =	shalt  }
0x4b: {  	_ =	shalt  }
0x4c: {  	_ =	shalt  }
0x4d: {  	_ =	shalt  }
0x4e: {  	_ =	shalt  }
0x4f: {  	_ =	shalt  }
0x50: {  	_ =	shalt  }
0x51: {  	_ =	shalt  }
0x52: {  	_ =	shalt  }
0x53: {  	_ =	shalt  }
0x54: {  	_ =	shalt  }
0x55: {  	_ =	shalt  }
0x56: {  	_ =	shalt  }
0x57: {  	_ =	shalt  }
0x58: {  	_ =	shalt  }
0x59: {  	_ =	shalt  }
0x5a: {  	_ =	shalt  }
0x5b: {  	_ =	shalt  }
0x5c: {  	_ =	shalt  }
0x5d: {  	_ =	shalt  }
0x5e: {  	_ =	shalt  }
0x5f: {  	_ =	shalt  }
0x60: {  	_ =	shalt  }
0x61: {  	_ =	shalt  }
0x62: {  	_ =	shalt  }
0x63: {  	_ =	shalt  }
0x64: {  	_ =	shalt  }
0x65: {  	_ =	shalt  }
0x66: {  	_ =	shalt  }
0x67: {  	_ =	shalt  }
0x68: {  	_ =	shalt  }
0x69: {  	_ =	shalt  }
0x6a: {  	_ =	shalt  }
0x6b: {  	_ =	shalt  }
0x6c: {  	_ =	shalt  }
0x6d: {  	_ =	shalt  }
0x6e: {  	_ =	shalt  }
0x6f: {  	_ =	shalt  }
0x70: {  	_ =	shalt  }
0x71: {  	_ =	shalt  }
0x72: {  	_ =	shalt  }
0x73: {  	_ =	shalt  }
0x74: {  	_ =	shalt  }
0x75: {  	_ =	shalt  }
0x76: {  	_ =	shalt  }
0x77: {  	_ =	shalt  }
0x78: {  	_ =	shalt  }
0x79: {  	_ =	shalt  }
0x7a: {  	_ =	shalt  }
0x7b: {  	_ =	shalt  }
0x7c: {  	_ =	shalt  }
0x7d: {  	_ =	shalt  }
0x7e: {  	_ =	shalt  }
0x7f: {  	_ =	shalt  }
0x80: {  	_ =	shalt  }
0x81: {  	_ =	shalt  }
0x82: {  	_ =	shalt  }
0x83: {  	_ =	shalt  }
0x84: {  	_ =	shalt  }
0x85: {  	_ =	shalt  }
0x86: {  	_ =	shalt  }
0x87: {  	_ =	shalt  }
.Lfunc_end0:
.L_simem_size_0:
called_computation.3_lowered:
.L_overlay_start_0:
0x88: {  	s2 =	sld [smem:$0x3FD9]  }
0x89: {  	s3 =	sld [smem:$0x3FFE];
	_ =	sdelay $0x1  }
0x8a: {  	s1 =	srdreg.scid  }
0x8b: {  	s0 =	sand.u32 $0x1, s1  }
0x8c: {  	s17 =	sshll.u32 s0, $0xA;
	s2 =	sadd.s32 s3, s2  }
0x8d: {  	s2 =	sadd.s32 s2, s17  }
0x8e: {  	[smem:$0x3FC6] =	sst s2  }
0x8f: {  	_ = 	snop  }
0x90: {  	(tm) =	ssettm $0x1  }
0x91: {  	s18 =	sld [smem:$0x3FFB];
	_ =	sdelay $0x3  }
0x92: {  	_ =	strace s18  }
0x93: {  	s2 =	sld [smem:$0x3FFC];
	_ =	sdelay $0x3  }
0x94: {  	_ =	strace s2  }
0x95: {  	s2 =	sld [smem:$0x3FFD];
	_ =	sdelay $0x3  }
0x96: {  	_ =	strace s2  }
0x97: {  	_ =	strace $0x8FFFFFFF  }
0x98: {  	s19 =	sld [smem:$0x3FDB];
	_ =	sdelay $0x1  }
0x99: {  	s20 =	simm.s32 $_scs_section_size  }
0x9a: {  	s4 =	simm.s32 $_size__tile_overlayer_lowered;
	s5 =	simm.s32 $_tile_overlayer_lowered  }
0x9b: {  	s6 =	simm.s32 $0x1BFF;
	s21 =	sshll.u32 s5, $0x1;
	s3 =	sadd.s32 s20, s19  }
0x9c: {  	s22 =	simm.s32 $0x0;
	s4 =	sshll.u32 s4, $0x1;
	s5 =	sadd.s32 s21, s3  }
0x9d: {  	[timem:s22], [sflag:s6] =	dma.local [hbm:s5], s4  }
0x9e: {  	_ =	swait.ge [sflag:s6], s4  }
0x9f: {  	s4 =	ssub.s32 $0x0, s4;
	[sflag:s6] =	ssyncset.done $0x0  }
0xa0: {  	[sflag:s6] =	ssyncadd.s32 s4;
	_ =	sdelay $0x1  }
0xa1: {  	s23 =	simm.s32 $0x1B8B  }
0xa2: {  	_ =	swait.ge [sflag:s23], $0x1  }
0xa3: {  	[sflag:s23] =	ssyncset.done $0x0  }
0xa4: {  	[sflag:s23] =	ssyncadd.s32 $0xFFFFFFFF  }
0xa5: {  	s4 =	sld [smem:$0x0]  }
0xa6: {  	s5 =	sand.u32 $0xFFFFFFFE, s1  }
0xa7: {  	p0 =	sne.s32 s1, s5  }
0xa8: {  	s5 =	sshll.u32 @p0 s5, $0xE  }
0xa9: {  	s5 =	sadd.s32 @p0 $0x11B8D, s5;
	s6 =	sshll.u32 @p0 s4, $0x11  }
0xaa: {  	s5 =	sor.u32 @p0 s6, s5  }
0xab: {  	[sflag:s5] =	ssyncadd.remote.s32 @p0 $0x1;
	_ =	sdelay $0x1  }
0xac: {  	s5 =	simm.s32 @p0 $0x1B8D  }
0xad: {  	_ =	swait.eq @p0 [sflag:s5], $0x1  }
0xae: {  	[sflag:s5] =	ssyncadd.s32 @p0 $0xFFFFFFFF  }
0xaf: {  	s6 =	sshll.u32 @!p0 s1, $0xE  }
0xb0: {  	s6 =	sor.u32 @!p0 $0x4000, s6;
	s5 =	simm.s32 @!p0 $0x1B8D  }
0xb1: {  	s4 =	sshll.u32 @!p0 s4, $0x11;
	s6 =	sadd.s32 @!p0 $0x11B8D, s6;
	_ =	swait.eq @!p0 [sflag:s5], $0x1  }
0xb2: {  	s4 =	sor.u32 @!p0 s4, s6;
	[sflag:s5] =	ssyncadd.s32 @!p0 $0xFFFFFFFF  }
0xb3: {  	s25 =	simm.s32 $0x1B8E;
	s24 =	sld [smem:$0x3FFE];
	[sflag:s4] =	ssyncadd.remote.s32 @!p0 $0x1  }
0xb4: {  	s26 =	simm.s32 $execute0_lowered;
	[smem:$0x3FD2] =	sst s25  }
0xb5: {  	s5 =	sshll.u32 s26, $0x1;
	_ =	strace $0x80000052;
	[dreg:$0x1] =	wrdreg $0xFFFFFFFF  }
0xb6: {  	s28 =	simm.s32 $_size_execute0_lowered;
	s3 =	sadd.s32 s3, s5;
	[dreg:$0x0] =	wrdreg $0x0  }
0xb7: {  	s5 =	sshll.u32 s28, $0x1;
	[dreg:$0x2] =	wrdreg s3  }
0xb8: {  	[dreg:$0x3] =	wrdreg s5  }
0xb9: {  	[dreg:$0x4] =	wrdreg $0xC0  }
0xba: {  	_ =	task [dreg:s22], $0x5FFFF  }
0xbb: {  	[dreg:$0x1] =	wrdreg $0xFFFFFFFF  }
0xbc: {  	[dreg:$0x0] =	wrdreg $0x60  }
0xbd: {  	[dreg:$0x2] =	wrdreg s24  }
0xbe: {  	[dreg:$0x3] =	wrdreg $0xC  }
0xbf: {  	_ =	task.clear_ibuf [dreg:s22], $0x4FFFF;
	_ =	strace $0x90000052  }
0xc0: {  	s29 =	simm.s32 $0xC;
	_ =	strace $0x80000054  }
0xc1: {  	_ =	swait.ge [sflag:s29], $0x1  }
0xc2: {  	[sflag:s29] =	ssyncadd.s32 $0xFFFFFFFF  }
0xc3: {  	_ =	strace $0x90000054  }
0xc4: {  	_ =	sfence  }
0xc5: {  	s30 =	sld [smem:$0x0];
	_ =	sdelay $0x2  }
0xc6: {  	s31 =	sshll.u32 s1, $0xD;
	s1 =	sshrl.u32 s1, $0x2  }
0xc7: {  	s4 =	sand.u32 $0x4000, s31;
	s1 =	sadd.s32 s1, s30  }
0xc8: {  	s0 =	sor.u32 s4, s0;
	s1 =	sshll.u32 s1, $0x11  }
0xc9: {  	s0 =	sor.u32 s1, s0  }
0xca: {  	s0 =	sadd.s32 $0x8F2B, s0  }
0xcb: {  	[sflag:s0] =	ssyncadd.remote.s32 $0x1  }
0xcc: {  	_ =	sfence.sel $0xFFFF  }
0xcd: {  	[dreg:$0x0] =	wrdreg $0xFFFFFFFF;
	(pc) =	sbr.abs _section_cstart, $3  }
0xce: {  	[dreg:$0x1] =	wrdreg $0xFFFFFFFF  }
0xcf: {  	_ =	task.clear_ibuf [dreg:s22], $0x2FFFF;
	_ =	strace $0x9FFFFFFF  }
0xd0: {  	(tm) =	ssettm $0x7FFFFFFF  }
0xd1: {  	_ =	shalt  }
tec
execute0_lowered:
.L_overlay_start_1:
0x0: {  	(tag) =	ssettag $0x1  }
0x1: {  	s1 =	srdreg.scid;
	s0 =	stileid.u32  }
0x2: {  	s12 =	sand.u32 $0x1, s1;
	s31 =	sshll.u32 s0, $0x1  }
0x3: {  	s11 =	sor.u32 s12, s31  }
0x4: {  	s10 =	rddreg [dreg:$0x0];
	s2 =	simm.s32 $0x0;
	s3 =	sshll.u32 s11, $0x5  }
0x5: {  	s4 =	simm.s32 $0x5;
	[smem:$0x7FF] =	sst s2;
	s3 =	sadd.s32 s3, s10  }
0x6: {  	s1 =	rddreg [dreg:$0x1];
	_ =	strace $0x80000053;
	s3 =	sadd.s32 $0x142800, s3  }
0x7: {  	[tilespmem:s2], [sflag:$0x5] =	stream.linear.gather [hbm4b:s3+s2], $0x100, $0x38;
	[tilespmem:$0x8100] =	vst v63  }
0x8: {  	_ =	swait.ge [sflag:s4], $0x100  }
0x9: {  	s6 =	simm.s32 $0x80;
	[sflag:s4] =	ssyncset.done $0x0  }
0xa: {  	s7 =	simm.s32 $0x100;
	s5 =	sadd.s32 $0x39C00, s10;
	[sflag:s4] =	ssyncadd.s32 $0xFFFFFF00  }
0xb: {  	[tilespmem:s7], [sflag:$0x1] =	stream.indirect.gather [hbm4b:s5+s6], $0x80, s2, s6, $0xb8;
	[tilespmem:$0x8100] =	vst v63  }
0xc: {  	s8 =	simm.s32 $0x4100;
	s9 =	simm.s32 $0x1  }
0xd: {  	[tilespmem:s8], [sflag:$0x2] =	stream.indirect.gather [hbm4b:s5+s6], $0x80, s6, s6, $0xb8;
	[tilespmem:$0x8100] =	vst v63  }
0xe: {  	s14 =	ssub.s32 $0x2, s12;
	s11 =	sshll.u32 s11, $0xC;
	_ =	swait.ge [sflag:s9], $0x4000  }
0xf: {  	s15 =	sshrl.u32 s14, $0x1;
	s13 =	sadd.s32 s11, s10;
	[sflag:s9] =	ssyncset.done $0x0  }
0x10: {  	s11 =	simm.s32 $0x2;
	s10 =	sadd.s32 $0x142C00, s13;
	[sflag:s9] =	ssyncadd.s32 $0xFFFFC000  }
0x11: {  	[hbm4b:s10+s2] =	stream.linear.scatter [tilespmem:s7], [sflag:$0x3], $0x4000, $0x38;
	[tilespmem:$0x8100] =	vst v63  }
0x12: {  	s14 =	ssub.s32 s14, s15;
	_ =	swait.ge [sflag:s11], $0x4000  }
0x13: {  	s12 =	sadd.s32 $0x143400, s13;
	s15 =	smax.u32 s14, $0x1;
	[sflag:s11] =	ssyncset.done $0x0  }
0x14: {  	s13 =	simm.s32 $0x3;
	p0 =	sne.s32 s15, $0x1;
	[sflag:s11] =	ssyncadd.s32 $0xFFFFC000  }
0x15: {  	[hbm4b:s12+s2] =	stream.linear.scatter [tilespmem:s8], [sflag:$0x4], $0x4000, $0x38;
	[tilespmem:$0x8100] =	vst v63  }
.Ltmp0:
0x16: {  	_ =	swait.ge [sflag:s13], $0x4000;
	(pc) =	sbr.rel @!p0 .LBB2_2-.Ltmp0, $4  }
0x17: {  	[sflag:s13] =	ssyncset.done $0x0  }
0x18: {  	s14 =	simm.s32 $0x4;
	[sflag:s13] =	ssyncadd.s32 $0xFFFFC000  }
0x19: {  	_ =	swait.ge [sflag:s14], $0x4000  }
0x1a: {  	s15 =	sadd.s32 $0xFFFFFFFF, s15;
	[sflag:s14] =	ssyncset.done $0x0  }
.LBB2_1:
0x1b: {  	p0 =	sne.s32 s15, $0x1;
	s15 =	sadd.s32 $0xFFFFFFFF, s15;
	[sflag:s14] =	ssyncadd.s32 $0xFFFFC000  }
0x1c: {  	[tilespmem:s2], [sflag:$0x5] =	stream.linear.gather [hbm4b:s3+s2], $0x100, $0x38;
	[tilespmem:$0x8100] =	vst v63  }
0x1d: {  	_ =	swait.ge [sflag:s4], $0x100  }
0x1e: {  	[sflag:s4] =	ssyncset.done $0x0  }
0x1f: {  	[sflag:s4] =	ssyncadd.s32 $0xFFFFFF00  }
0x20: {  	[tilespmem:s7], [sflag:$0x1] =	stream.indirect.gather [hbm4b:s5+s6], $0x80, s2, s6, $0xb8;
	[tilespmem:$0x8100] =	vst v63  }
0x21: {  	_ = 	snop  }
0x22: {  	[tilespmem:s8], [sflag:$0x2] =	stream.indirect.gather [hbm4b:s5+s6], $0x80, s6, s6, $0xb8;
	[tilespmem:$0x8100] =	vst v63  }
0x23: {  	_ =	swait.ge [sflag:s9], $0x4000  }
0x24: {  	[sflag:s9] =	ssyncset.done $0x0  }
0x25: {  	[sflag:s9] =	ssyncadd.s32 $0xFFFFC000  }
0x26: {  	[hbm4b:s10+s2] =	stream.linear.scatter [tilespmem:s7], [sflag:$0x3], $0x4000, $0x38;
	[tilespmem:$0x8100] =	vst v63  }
0x27: {  	_ =	swait.ge [sflag:s11], $0x4000  }
0x28: {  	[sflag:s11] =	ssyncset.done $0x0  }
0x29: {  	[sflag:s11] =	ssyncadd.s32 $0xFFFFC000  }
0x2a: {  	[hbm4b:s12+s2] =	stream.linear.scatter [tilespmem:s8], [sflag:$0x4], $0x4000, $0x38;
	[tilespmem:$0x8100] =	vst v63  }
.Ltmp1:
0x2b: {  	_ =	swait.ge [sflag:s13], $0x4000;
	(pc) =	sbr.rel @p0 .LBB2_1-.Ltmp1, $4  }
0x2c: {  	[sflag:s13] =	ssyncset.done $0x0  }
0x2d: {  	[sflag:s13] =	ssyncadd.s32 $0xFFFFC000  }
0x2e: {  	_ =	swait.ge [sflag:s14], $0x4000  }
0x2f: {  	[sflag:s14] =	ssyncset.done $0x0  }
.LBB2_2:
0x30: {  	[sflag:s14] =	ssyncadd.s32 $0xFFFFC000  }
0x31: {  	_ =	sfence.sel $0x180000  }
0x32: {  	[bflag:$0x0] =	sbarrier.arrive $0xFFFF  }
0x33: {  	p0 =	sne.s32 s0, $0x0;
	_ =	strace $0x90000053  }
0x34: {  	s0 =	sadd.s32 @!p0 $0x100000, s1;
	[bflag:$0x2] =	sbarrier.arrive $0xFFFF  }
0x35: {  	[sflag:s0] =	ssyncadd.tile.s32 @!p0 $0x1;
	_ =	shalt  }
.Lfunc_end2:
_tile_overlayer_lowered:
.L_overlay_start_2:
0x36: {  	(tag) =	ssettag $0x2  }
0x37: {  	s0 =	rddreg [dreg:$0x0];
	s2 =	stileid.u32  }
0x38: {  	s1 =	rddreg [dreg:$0x1];
	p0 =	sne.s32 s2, $0x0  }
0x39: {  	s3 =	rddreg [dreg:$0x2];
	[bflag:$0x3] =	sbarrier.arrive $0xFFFF;
	s2 =	simm.s32 @!p0 $0x1C05  }
0x3a: {  	[timem:s3], [sflag:s2] =	dma.local @!p0 [hbm:s0], s1  }
0x3b: {  	s0 =	simm.s32 @!p0 $0x5  }
0x3c: {  	_ =	swait.ge @!p0 [sflag:s0], s1  }
0x3d: {  	s1 =	ssub.s32 @!p0 $0x0, s1;
	[sflag:s0] =	ssyncset.done @!p0 $0x0  }
0x3e: {  	[sflag:s0] =	ssyncadd.s32 @!p0 s1  }
0x3f: {  	[bflag:$0x3] =	sbarrier.arrive $0xFFFF  }
0x40: {  	_ =	shalt  }

// kernel: kernel.38.cloned.1.call-start
scs
__scs_entry_jumppad:
0x0: {  	(pc) =	sbr.rel $0x88, $3  }
0x1: {  	(tag) =	ssettag $0x0;
	lr =	simm.s32 $0x1  }
0x2: {  	[smem:$0x3F9F] =	sst lr;
	_ =	strace $0xD0000000  }
0x3: {  	_ = 	snop  }
0x4: {  	_ = 	snop  }
0x5: {  	_ = 	snop  }
0x6: {  	_ = 	snop  }
0x7: {  	_ = 	snop  }
__scs_overlays_trampoline_lowered:
0x8: {  	[smem:$0x3FAE] =	sst s0  }
0x9: {  	[smem:$0x3FAF] =	sst s1  }
0xa: {  	[smem:$0x3FB0] =	sst s2  }
0xb: {  	[smem:$0x3FB1] =	sst s3  }
0xc: {  	[smem:$0x3FB2] =	sst s4  }
0xd: {  	[smem:$0x3FB3] =	sst s5  }
0xe: {  	[smem:$0x3FB4] =	sst s6  }
0xf: {  	[smem:$0x3FB5] =	sst s7  }
0x10: {  	[smem:$0x3FB6] =	sst s8  }
0x11: {  	[smem:$0x3FB7] =	sst s9;
	s0 =	simm.s32 @!p0 $0x0  }
0x12: {  	s1 =	sld [smem:$0x3F9D];
	s0 =	simm.s32 @p0 $0x1  }
0x13: {  	[smem:$0x3FB8] =	sst s0;
	s0 =	simm.s32 @!p1 $0x0  }
0x14: {  	s2 =	sld [smem:$0x3F9C];
	s0 =	simm.s32 @p1 $0x1  }
0x15: {  	[smem:$0x3FB9] =	sst s0;
	s0 =	simm.s32 @!p2 $0x0  }
0x16: {  	s3 =	sld [smem:$0x3FDB];
	s0 =	simm.s32 @p2 $0x1  }
0x17: {  	s4 =	simm.s32 $0x1BF5;
	[smem:$0x3FBB] =	sst s0  }
0x18: {  	s0 =	sld [smem:$0x3F9E];
	_ =	swait.ge [sflag:s4], $0x0  }
0x19: {  	s7 =	sld [smem:$0x3F9F]  }
0x1a: {  	s8 =	sadd.s32 $0xFFFFE003, lr  }
0x1b: {  	s9 =	sadd.s32 $0xFFFFFEF7, lr;
	s5 =	simm.s32 $0xFFFFFFFF;
	p2 =	slt.u32 s8, $0xFFFFF086  }
0x1c: {  	p1 =	slt.u32 s9, $0xF7A;
	s5 =	simm.s32 @!p2 $0x0  }
0x1d: {  	s5 =	simm.s32 @p1 $0x1;
	p0 =	seq.s32 s7, s2  }
0x1e: {  	s7 =	smul.u32 @!p0 $0xF7A, s2;
	p2 =	seq.s32 @!p0 s5, $0x0  }
0x1f: {  	s9 =	smul.u32 $0xF7A, s1;
	s8 =	simm.s32 @!p0 $0x1BF5;
	p2 =	por !p2, p0  }
0x20: {  	[sflag:s8] =	ssyncset.s32 @!p0 $0xFFFFF086;
	s6 =	sadd.s32 @!p0 s3, s7;
	s7 =	simm.s32 @!p0 $0x108  }
0x21: {  	s3 =	sadd.s32 s3, s9;
	s6 =	sadd.s32 @!p0 $0x88, s6;
	s7 =	simm.s32 @p2 $0x1082  }
0x22: {  	[simem:s7], [sflag:s8] =	dma.local @!p0 [hbm:s6], $0xF7A  }
0x23: {  	s9 =	sor.u32 $0xD0000000, s2;
	s6 =	simm.s32 $0x108;
	_ =	swait.ge @!p0 [sflag:s8], $0x0  }
0x24: {  	s3 =	sadd.s32 $0x88, s3;
	s6 =	simm.s32 @!p1 $0x1082;
	[sflag:s4] =	ssyncset.s32 $0xFFFFF086  }
0x25: {  	[simem:s6], [sflag:s4] =	dma.local [hbm:s3], $0xF7A  }
0x26: {  	[smem:$0x3F9F] =	sst s1;
	(tag) =	ssettag s2;
	_ =	strace s9  }
0x27: {  	s1 =	sld [smem:$0x3FAF]  }
0x28: {  	s2 =	sld [smem:$0x3FB0]  }
0x29: {  	s4 =	sld [smem:$0x3FB2]  }
0x2a: {  	p0 =	seq.s32 s5, $0x0;
	s5 =	sld [smem:$0x3FB3]  }
0x2b: {  	s6 =	sld [smem:$0x3FB4]  }
0x2c: {  	s7 =	sld [smem:$0x3FB5]  }
0x2d: {  	s3 =	simm.s32 $0x108;
	s8 =	sld [smem:$0x3FB6]  }
0x2e: {  	s3 =	simm.s32 @!p0 $0x1082;
	s9 =	sld [smem:$0x3FB7]  }
0x2f: {  	lr =	sadd.s32 s0, s3;
	s0 =	sld [smem:$0x3FAE]  }
0x30: {  	s3 =	sld [smem:$0x3FB1]  }
0x31: {  	[smem:$0x3FBA] =	sst s10  }
0x32: {  	s10 =	sld [smem:$0x3FB8];
	_ =	sdelay $0x3  }
0x33: {  	p0 =	seq.s32 s10, $0x1;
	s10 =	sld [smem:$0x3FBA];
	_ =	sdelay $0x3  }
0x34: {  	[smem:$0x3FBA] =	sst s10  }
0x35: {  	s10 =	sld [smem:$0x3FB9];
	_ =	sdelay $0x3  }
0x36: {  	p1 =	seq.s32 s10, $0x1;
	s10 =	sld [smem:$0x3FBA];
	_ =	sdelay $0x3  }
0x37: {  	[smem:$0x3FBA] =	sst s10  }
0x38: {  	s10 =	sld [smem:$0x3FBB]  }
0x39: {  	_ = 	snop;
	(pc) =	sbr.ind lr, $3  }
0x3a: {  	_ = 	snop  }
0x3b: {  	_ = 	snop  }
0x3c: {  	p2 =	seq.s32 s10, $0x1;
	s10 =	sld [smem:$0x3FBA]  }
0x3d: {  	_ =	shalt  }
0x3e: {  	_ =	shalt  }
0x3f: {  	_ =	shalt  }
0x40: {  	_ =	shalt  }
0x41: {  	_ =	shalt  }
0x42: {  	_ =	shalt  }
0x43: {  	_ =	shalt  }
0x44: {  	_ =	shalt  }
0x45: {  	_ =	shalt  }
0x46: {  	_ =	shalt  }
0x47: {  	_ =	shalt  }
0x48: {  	_ =	shalt  }
0x49: {  	_ =	shalt  }
0x4a: {  	_ =	shalt  }
0x4b: {  	_ =	shalt  }
0x4c: {  	_ =	shalt  }
0x4d: {  	_ =	shalt  }
0x4e: {  	_ =	shalt  }
0x4f: {  	_ =	shalt  }
0x50: {  	_ =	shalt  }
0x51: {  	_ =	shalt  }
0x52: {  	_ =	shalt  }
0x53: {  	_ =	shalt  }
0x54: {  	_ =	shalt  }
0x55: {  	_ =	shalt  }
0x56: {  	_ =	shalt  }
0x57: {  	_ =	shalt  }
0x58: {  	_ =	shalt  }
0x59: {  	_ =	shalt  }
0x5a: {  	_ =	shalt  }
0x5b: {  	_ =	shalt  }
0x5c: {  	_ =	shalt  }
0x5d: {  	_ =	shalt  }
0x5e: {  	_ =	shalt  }
0x5f: {  	_ =	shalt  }
0x60: {  	_ =	shalt  }
0x61: {  	_ =	shalt  }
0x62: {  	_ =	shalt  }
0x63: {  	_ =	shalt  }
0x64: {  	_ =	shalt  }
0x65: {  	_ =	shalt  }
0x66: {  	_ =	shalt  }
0x67: {  	_ =	shalt  }
0x68: {  	_ =	shalt  }
0x69: {  	_ =	shalt  }
0x6a: {  	_ =	shalt  }
0x6b: {  	_ =	shalt  }
0x6c: {  	_ =	shalt  }
0x6d: {  	_ =	shalt  }
0x6e: {  	_ =	shalt  }
0x6f: {  	_ =	shalt  }
0x70: {  	_ =	shalt  }
0x71: {  	_ =	shalt  }
0x72: {  	_ =	shalt  }
0x73: {  	_ =	shalt  }
0x74: {  	_ =	shalt  }
0x75: {  	_ =	shalt  }
0x76: {  	_ =	shalt  }
0x77: {  	_ =	shalt  }
0x78: {  	_ =	shalt  }
0x79: {  	_ =	shalt  }
0x7a: {  	_ =	shalt  }
0x7b: {  	_ =	shalt  }
0x7c: {  	_ =	shalt  }
0x7d: {  	_ =	shalt  }
0x7e: {  	_ =	shalt  }
0x7f: {  	_ =	shalt  }
0x80: {  	_ =	shalt  }
0x81: {  	_ =	shalt  }
0x82: {  	_ =	shalt  }
0x83: {  	_ =	shalt  }
0x84: {  	_ =	shalt  }
0x85: {  	_ =	shalt  }
0x86: {  	_ =	shalt  }
0x87: {  	_ =	shalt  }
.Lfunc_end0:
.L_simem_size_0:
called_computation.4_lowered:
.L_overlay_start_0:
0x88: {  	s2 =	sld [smem:$0x3FD9]  }
0x89: {  	s3 =	sld [smem:$0x3FFE];
	_ =	sdelay $0x1  }
0x8a: {  	s1 =	srdreg.scid  }
0x8b: {  	s0 =	sand.u32 $0x1, s1  }
0x8c: {  	s17 =	sshll.u32 s0, $0xA;
	s2 =	sadd.s32 s3, s2  }
0x8d: {  	s2 =	sadd.s32 s2, s17  }
0x8e: {  	[smem:$0x3FC6] =	sst s2  }
0x8f: {  	_ = 	snop  }
0x90: {  	(tm) =	ssettm $0x1  }
0x91: {  	s18 =	sld [smem:$0x3FFB];
	_ =	sdelay $0x3  }
0x92: {  	_ =	strace s18  }
0x93: {  	s2 =	sld [smem:$0x3FFC];
	_ =	sdelay $0x3  }
0x94: {  	_ =	strace s2  }
0x95: {  	s2 =	sld [smem:$0x3FFD];
	_ =	sdelay $0x3  }
0x96: {  	_ =	strace s2  }
0x97: {  	_ =	strace $0x8FFFFFFF  }
0x98: {  	s19 =	sld [smem:$0x3FDB];
	_ =	sdelay $0x1  }
0x99: {  	s20 =	simm.s32 $_scs_section_size  }
0x9a: {  	s4 =	simm.s32 $_size__tile_overlayer_lowered;
	s5 =	simm.s32 $_tile_overlayer_lowered  }
0x9b: {  	s6 =	simm.s32 $0x1BFF;
	s21 =	sshll.u32 s5, $0x1;
	s3 =	sadd.s32 s20, s19  }
0x9c: {  	s22 =	simm.s32 $0x0;
	s4 =	sshll.u32 s4, $0x1;
	s5 =	sadd.s32 s21, s3  }
0x9d: {  	[timem:s22], [sflag:s6] =	dma.local [hbm:s5], s4  }
0x9e: {  	_ =	swait.ge [sflag:s6], s4  }
0x9f: {  	s4 =	ssub.s32 $0x0, s4;
	[sflag:s6] =	ssyncset.done $0x0  }
0xa0: {  	[sflag:s6] =	ssyncadd.s32 s4;
	_ =	sdelay $0x1  }
0xa1: {  	s23 =	simm.s32 $0x1B8B  }
0xa2: {  	_ =	swait.ge [sflag:s23], $0x1  }
0xa3: {  	[sflag:s23] =	ssyncset.done $0x0  }
0xa4: {  	[sflag:s23] =	ssyncadd.s32 $0xFFFFFFFF  }
0xa5: {  	s4 =	sld [smem:$0x0]  }
0xa6: {  	s5 =	sand.u32 $0xFFFFFFFE, s1  }
0xa7: {  	p0 =	sne.s32 s1, s5  }
0xa8: {  	s5 =	sshll.u32 @p0 s5, $0xE  }
0xa9: {  	s5 =	sadd.s32 @p0 $0x11B8D, s5;
	s6 =	sshll.u32 @p0 s4, $0x11  }
0xaa: {  	s5 =	sor.u32 @p0 s6, s5  }
0xab: {  	[sflag:s5] =	ssyncadd.remote.s32 @p0 $0x1;
	_ =	sdelay $0x1  }
0xac: {  	s5 =	simm.s32 @p0 $0x1B8D  }
0xad: {  	_ =	swait.eq @p0 [sflag:s5], $0x1  }
0xae: {  	[sflag:s5] =	ssyncadd.s32 @p0 $0xFFFFFFFF  }
0xaf: {  	s6 =	sshll.u32 @!p0 s1, $0xE  }
0xb0: {  	s6 =	sor.u32 @!p0 $0x4000, s6;
	s5 =	simm.s32 @!p0 $0x1B8D  }
0xb1: {  	s4 =	sshll.u32 @!p0 s4, $0x11;
	s6 =	sadd.s32 @!p0 $0x11B8D, s6;
	_ =	swait.eq @!p0 [sflag:s5], $0x1  }
0xb2: {  	s4 =	sor.u32 @!p0 s4, s6;
	[sflag:s5] =	ssyncadd.s32 @!p0 $0xFFFFFFFF  }
0xb3: {  	s25 =	simm.s32 $0x1B8E;
	s24 =	sld [smem:$0x3FFE];
	[sflag:s4] =	ssyncadd.remote.s32 @!p0 $0x1  }
0xb4: {  	s26 =	simm.s32 $execute0_lowered;
	[smem:$0x3FD2] =	sst s25  }
0xb5: {  	s5 =	sshll.u32 s26, $0x1;
	_ =	strace $0x8000004F;
	[dreg:$0x1] =	wrdreg $0xFFFFFFFF  }
0xb6: {  	s28 =	simm.s32 $_size_execute0_lowered;
	s3 =	sadd.s32 s3, s5;
	[dreg:$0x0] =	wrdreg $0x0  }
0xb7: {  	s5 =	sshll.u32 s28, $0x1;
	[dreg:$0x2] =	wrdreg s3  }
0xb8: {  	[dreg:$0x3] =	wrdreg s5  }
0xb9: {  	[dreg:$0x4] =	wrdreg $0xC0  }
0xba: {  	_ =	task [dreg:s22], $0x5FFFF  }
0xbb: {  	[dreg:$0x1] =	wrdreg $0xFFFFFFFF  }
0xbc: {  	[dreg:$0x0] =	wrdreg $0x60  }
0xbd: {  	[dreg:$0x2] =	wrdreg s24  }
0xbe: {  	[dreg:$0x3] =	wrdreg $0xD  }
0xbf: {  	_ =	task.clear_ibuf [dreg:s22], $0x4FFFF;
	_ =	strace $0x9000004F  }
0xc0: {  	s29 =	simm.s32 $0xD;
	_ =	strace $0x80000051  }
0xc1: {  	_ =	swait.ge [sflag:s29], $0x1  }
0xc2: {  	[sflag:s29] =	ssyncadd.s32 $0xFFFFFFFF  }
0xc3: {  	_ =	strace $0x90000051  }
0xc4: {  	_ =	sfence  }
0xc5: {  	s30 =	sld [smem:$0x0];
	_ =	sdelay $0x2  }
0xc6: {  	s31 =	sshll.u32 s1, $0xD;
	s1 =	sshrl.u32 s1, $0x2  }
0xc7: {  	s4 =	sand.u32 $0x4000, s31;
	s1 =	sadd.s32 s1, s30  }
0xc8: {  	s0 =	sor.u32 s4, s0;
	s1 =	sshll.u32 s1, $0x11  }
0xc9: {  	s0 =	sor.u32 s1, s0  }
0xca: {  	s0 =	sadd.s32 $0x8F2B, s0  }
0xcb: {  	[sflag:s0] =	ssyncadd.remote.s32 $0x1  }
0xcc: {  	_ =	sfence.sel $0xFFFF  }
0xcd: {  	[dreg:$0x0] =	wrdreg $0xFFFFFFFF;
	(pc) =	sbr.abs _section_cstart, $3  }
0xce: {  	[dreg:$0x1] =	wrdreg $0xFFFFFFFF  }
0xcf: {  	_ =	task.clear_ibuf [dreg:s22], $0x2FFFF;
	_ =	strace $0x9FFFFFFF  }
0xd0: {  	(tm) =	ssettm $0x7FFFFFFF  }
0xd1: {  	_ =	shalt  }
tec
execute0_lowered:
.L_overlay_start_1:
0x0: {  	(tag) =	ssettag $0x1  }
0x1: {  	s1 =	srdreg.scid;
	s0 =	stileid.u32  }
0x2: {  	s12 =	sand.u32 $0x1, s1;
	s31 =	sshll.u32 s0, $0x1  }
0x3: {  	s11 =	sor.u32 s12, s31  }
0x4: {  	s10 =	rddreg [dreg:$0x0];
	s2 =	simm.s32 $0x0;
	s3 =	sshll.u32 s11, $0x5  }
0x5: {  	s4 =	simm.s32 $0x5;
	[smem:$0x7FF] =	sst s2;
	s3 =	sadd.s32 s3, s10  }
0x6: {  	s1 =	rddreg [dreg:$0x1];
	_ =	strace $0x80000050;
	s3 =	sadd.s32 $0x122400, s3  }
0x7: {  	[tilespmem:s2], [sflag:$0x5] =	stream.linear.gather [hbm4b:s3+s2], $0x100, $0x38;
	[tilespmem:$0x8100] =	vst v63  }
0x8: {  	_ =	swait.ge [sflag:s4], $0x100  }
0x9: {  	s6 =	simm.s32 $0x80;
	[sflag:s4] =	ssyncset.done $0x0  }
0xa: {  	s7 =	simm.s32 $0x100;
	s5 =	sadd.s32 $0x39C00, s10;
	[sflag:s4] =	ssyncadd.s32 $0xFFFFFF00  }
0xb: {  	[tilespmem:s7], [sflag:$0x1] =	stream.indirect.gather [hbm4b:s5+s6], $0x80, s2, s6, $0xb8;
	[tilespmem:$0x8100] =	vst v63  }
0xc: {  	s8 =	simm.s32 $0x4100;
	s9 =	simm.s32 $0x1  }
0xd: {  	[tilespmem:s8], [sflag:$0x2] =	stream.indirect.gather [hbm4b:s5+s6], $0x80, s6, s6, $0xb8;
	[tilespmem:$0x8100] =	vst v63  }
0xe: {  	s14 =	ssub.s32 $0x2, s12;
	s11 =	sshll.u32 s11, $0xC;
	_ =	swait.ge [sflag:s9], $0x4000  }
0xf: {  	s15 =	sshrl.u32 s14, $0x1;
	s13 =	sadd.s32 s11, s10;
	[sflag:s9] =	ssyncset.done $0x0  }
0x10: {  	s11 =	simm.s32 $0x2;
	s10 =	sadd.s32 $0x122800, s13;
	[sflag:s9] =	ssyncadd.s32 $0xFFFFC000  }
0x11: {  	[hbm4b:s10+s2] =	stream.linear.scatter [tilespmem:s7], [sflag:$0x3], $0x4000, $0x38;
	[tilespmem:$0x8100] =	vst v63  }
0x12: {  	s14 =	ssub.s32 s14, s15;
	_ =	swait.ge [sflag:s11], $0x4000  }
0x13: {  	s12 =	sadd.s32 $0x123000, s13;
	s15 =	smax.u32 s14, $0x1;
	[sflag:s11] =	ssyncset.done $0x0  }
0x14: {  	s13 =	simm.s32 $0x3;
	p0 =	sne.s32 s15, $0x1;
	[sflag:s11] =	ssyncadd.s32 $0xFFFFC000  }
0x15: {  	[hbm4b:s12+s2] =	stream.linear.scatter [tilespmem:s8], [sflag:$0x4], $0x4000, $0x38;
	[tilespmem:$0x8100] =	vst v63  }
.Ltmp0:
0x16: {  	_ =	swait.ge [sflag:s13], $0x4000;
	(pc) =	sbr.rel @!p0 .LBB2_2-.Ltmp0, $4  }
0x17: {  	[sflag:s13] =	ssyncset.done $0x0  }
0x18: {  	s14 =	simm.s32 $0x4;
	[sflag:s13] =	ssyncadd.s32 $0xFFFFC000  }
0x19: {  	_ =	swait.ge [sflag:s14], $0x4000  }
0x1a: {  	s15 =	sadd.s32 $0xFFFFFFFF, s15;
	[sflag:s14] =	ssyncset.done $0x0  }
.LBB2_1:
0x1b: {  	p0 =	sne.s32 s15, $0x1;
	s15 =	sadd.s32 $0xFFFFFFFF, s15;
	[sflag:s14] =	ssyncadd.s32 $0xFFFFC000  }
0x1c: {  	[tilespmem:s2], [sflag:$0x5] =	stream.linear.gather [hbm4b:s3+s2], $0x100, $0x38;
	[tilespmem:$0x8100] =	vst v63  }
0x1d: {  	_ =	swait.ge [sflag:s4], $0x100  }
0x1e: {  	[sflag:s4] =	ssyncset.done $0x0  }
0x1f: {  	[sflag:s4] =	ssyncadd.s32 $0xFFFFFF00  }
0x20: {  	[tilespmem:s7], [sflag:$0x1] =	stream.indirect.gather [hbm4b:s5+s6], $0x80, s2, s6, $0xb8;
	[tilespmem:$0x8100] =	vst v63  }
0x21: {  	_ = 	snop  }
0x22: {  	[tilespmem:s8], [sflag:$0x2] =	stream.indirect.gather [hbm4b:s5+s6], $0x80, s6, s6, $0xb8;
	[tilespmem:$0x8100] =	vst v63  }
0x23: {  	_ =	swait.ge [sflag:s9], $0x4000  }
0x24: {  	[sflag:s9] =	ssyncset.done $0x0  }
0x25: {  	[sflag:s9] =	ssyncadd.s32 $0xFFFFC000  }
0x26: {  	[hbm4b:s10+s2] =	stream.linear.scatter [tilespmem:s7], [sflag:$0x3], $0x4000, $0x38;
	[tilespmem:$0x8100] =	vst v63  }
0x27: {  	_ =	swait.ge [sflag:s11], $0x4000  }
0x28: {  	[sflag:s11] =	ssyncset.done $0x0  }
0x29: {  	[sflag:s11] =	ssyncadd.s32 $0xFFFFC000  }
0x2a: {  	[hbm4b:s12+s2] =	stream.linear.scatter [tilespmem:s8], [sflag:$0x4], $0x4000, $0x38;
	[tilespmem:$0x8100] =	vst v63  }
.Ltmp1:
0x2b: {  	_ =	swait.ge [sflag:s13], $0x4000;
	(pc) =	sbr.rel @p0 .LBB2_1-.Ltmp1, $4  }
0x2c: {  	[sflag:s13] =	ssyncset.done $0x0  }
0x2d: {  	[sflag:s13] =	ssyncadd.s32 $0xFFFFC000  }
0x2e: {  	_ =	swait.ge [sflag:s14], $0x4000  }
0x2f: {  	[sflag:s14] =	ssyncset.done $0x0  }
.LBB2_2:
0x30: {  	[sflag:s14] =	ssyncadd.s32 $0xFFFFC000  }
0x31: {  	_ =	sfence.sel $0x180000  }
0x32: {  	[bflag:$0x0] =	sbarrier.arrive $0xFFFF  }
0x33: {  	p0 =	sne.s32 s0, $0x0;
	_ =	strace $0x90000050  }
0x34: {  	s0 =	sadd.s32 @!p0 $0x100000, s1;
	[bflag:$0x2] =	sbarrier.arrive $0xFFFF  }
0x35: {  	[sflag:s0] =	ssyncadd.tile.s32 @!p0 $0x1;
	_ =	shalt  }
.Lfunc_end2:
_tile_overlayer_lowered:
.L_overlay_start_2:
0x36: {  	(tag) =	ssettag $0x2  }
0x37: {  	s0 =	rddreg [dreg:$0x0];
	s2 =	stileid.u32  }
0x38: {  	s1 =	rddreg [dreg:$0x1];
	p0 =	sne.s32 s2, $0x0  }
0x39: {  	s3 =	rddreg [dreg:$0x2];
	[bflag:$0x3] =	sbarrier.arrive $0xFFFF;
	s2 =	simm.s32 @!p0 $0x1C05  }
0x3a: {  	[timem:s3], [sflag:s2] =	dma.local @!p0 [hbm:s0], s1  }
0x3b: {  	s0 =	simm.s32 @!p0 $0x5  }
0x3c: {  	_ =	swait.ge @!p0 [sflag:s0], s1  }
0x3d: {  	s1 =	ssub.s32 @!p0 $0x0, s1;
	[sflag:s0] =	ssyncset.done @!p0 $0x0  }
0x3e: {  	[sflag:s0] =	ssyncadd.s32 @!p0 s1  }
0x3f: {  	[bflag:$0x3] =	sbarrier.arrive $0xFFFF  }
0x40: {  	_ =	shalt  }

// kernel: kernel.41.cloned.1.call-start
scs
__scs_entry_jumppad:
0x0: {  	(pc) =	sbr.rel $0x88, $3  }
0x1: {  	(tag) =	ssettag $0x0;
	lr =	simm.s32 $0x1  }
0x2: {  	[smem:$0x3F9F] =	sst lr;
	_ =	strace $0xD0000000  }
0x3: {  	_ = 	snop  }
0x4: {  	_ = 	snop  }
0x5: {  	_ = 	snop  }
0x6: {  	_ = 	snop  }
0x7: {  	_ = 	snop  }
__scs_overlays_trampoline_lowered:
0x8: {  	[smem:$0x3FAE] =	sst s0  }
0x9: {  	[smem:$0x3FAF] =	sst s1  }
0xa: {  	[smem:$0x3FB0] =	sst s2  }
0xb: {  	[smem:$0x3FB1] =	sst s3  }
0xc: {  	[smem:$0x3FB2] =	sst s4  }
0xd: {  	[smem:$0x3FB3] =	sst s5  }
0xe: {  	[smem:$0x3FB4] =	sst s6  }
0xf: {  	[smem:$0x3FB5] =	sst s7  }
0x10: {  	[smem:$0x3FB6] =	sst s8  }
0x11: {  	[smem:$0x3FB7] =	sst s9;
	s0 =	simm.s32 @!p0 $0x0  }
0x12: {  	s1 =	sld [smem:$0x3F9D];
	s0 =	simm.s32 @p0 $0x1  }
0x13: {  	[smem:$0x3FB8] =	sst s0;
	s0 =	simm.s32 @!p1 $0x0  }
0x14: {  	s2 =	sld [smem:$0x3F9C];
	s0 =	simm.s32 @p1 $0x1  }
0x15: {  	[smem:$0x3FB9] =	sst s0;
	s0 =	simm.s32 @!p2 $0x0  }
0x16: {  	s3 =	sld [smem:$0x3FDB];
	s0 =	simm.s32 @p2 $0x1  }
0x17: {  	s4 =	simm.s32 $0x1BF5;
	[smem:$0x3FBB] =	sst s0  }
0x18: {  	s0 =	sld [smem:$0x3F9E];
	_ =	swait.ge [sflag:s4], $0x0  }
0x19: {  	s7 =	sld [smem:$0x3F9F]  }
0x1a: {  	s8 =	sadd.s32 $0xFFFFE003, lr  }
0x1b: {  	s9 =	sadd.s32 $0xFFFFFEF7, lr;
	s5 =	simm.s32 $0xFFFFFFFF;
	p2 =	slt.u32 s8, $0xFFFFF086  }
0x1c: {  	p1 =	slt.u32 s9, $0xF7A;
	s5 =	simm.s32 @!p2 $0x0  }
0x1d: {  	s5 =	simm.s32 @p1 $0x1;
	p0 =	seq.s32 s7, s2  }
0x1e: {  	s7 =	smul.u32 @!p0 $0xF7A, s2;
	p2 =	seq.s32 @!p0 s5, $0x0  }
0x1f: {  	s9 =	smul.u32 $0xF7A, s1;
	s8 =	simm.s32 @!p0 $0x1BF5;
	p2 =	por !p2, p0  }
0x20: {  	[sflag:s8] =	ssyncset.s32 @!p0 $0xFFFFF086;
	s6 =	sadd.s32 @!p0 s3, s7;
	s7 =	simm.s32 @!p0 $0x108  }
0x21: {  	s3 =	sadd.s32 s3, s9;
	s6 =	sadd.s32 @!p0 $0x88, s6;
	s7 =	simm.s32 @p2 $0x1082  }
0x22: {  	[simem:s7], [sflag:s8] =	dma.local @!p0 [hbm:s6], $0xF7A  }
0x23: {  	s9 =	sor.u32 $0xD0000000, s2;
	s6 =	simm.s32 $0x108;
	_ =	swait.ge @!p0 [sflag:s8], $0x0  }
0x24: {  	s3 =	sadd.s32 $0x88, s3;
	s6 =	simm.s32 @!p1 $0x1082;
	[sflag:s4] =	ssyncset.s32 $0xFFFFF086  }
0x25: {  	[simem:s6], [sflag:s4] =	dma.local [hbm:s3], $0xF7A  }
0x26: {  	[smem:$0x3F9F] =	sst s1;
	(tag) =	ssettag s2;
	_ =	strace s9  }
0x27: {  	s1 =	sld [smem:$0x3FAF]  }
0x28: {  	s2 =	sld [smem:$0x3FB0]  }
0x29: {  	s4 =	sld [smem:$0x3FB2]  }
0x2a: {  	p0 =	seq.s32 s5, $0x0;
	s5 =	sld [smem:$0x3FB3]  }
0x2b: {  	s6 =	sld [smem:$0x3FB4]  }
0x2c: {  	s7 =	sld [smem:$0x3FB5]  }
0x2d: {  	s3 =	simm.s32 $0x108;
	s8 =	sld [smem:$0x3FB6]  }
0x2e: {  	s3 =	simm.s32 @!p0 $0x1082;
	s9 =	sld [smem:$0x3FB7]  }
0x2f: {  	lr =	sadd.s32 s0, s3;
	s0 =	sld [smem:$0x3FAE]  }
0x30: {  	s3 =	sld [smem:$0x3FB1]  }
0x31: {  	[smem:$0x3FBA] =	sst s10  }
0x32: {  	s10 =	sld [smem:$0x3FB8];
	_ =	sdelay $0x3  }
0x33: {  	p0 =	seq.s32 s10, $0x1;
	s10 =	sld [smem:$0x3FBA];
	_ =	sdelay $0x3  }
0x34: {  	[smem:$0x3FBA] =	sst s10  }
0x35: {  	s10 =	sld [smem:$0x3FB9];
	_ =	sdelay $0x3  }
0x36: {  	p1 =	seq.s32 s10, $0x1;
	s10 =	sld [smem:$0x3FBA];
	_ =	sdelay $0x3  }
0x37: {  	[smem:$0x3FBA] =	sst s10  }
0x38: {  	s10 =	sld [smem:$0x3FBB]  }
0x39: {  	_ = 	snop;
	(pc) =	sbr.ind lr, $3  }
0x3a: {  	_ = 	snop  }
0x3b: {  	_ = 	snop  }
0x3c: {  	p2 =	seq.s32 s10, $0x1;
	s10 =	sld [smem:$0x3FBA]  }
0x3d: {  	_ =	shalt  }
0x3e: {  	_ =	shalt  }
0x3f: {  	_ =	shalt  }
0x40: {  	_ =	shalt  }
0x41: {  	_ =	shalt  }
0x42: {  	_ =	shalt  }
0x43: {  	_ =	shalt  }
0x44: {  	_ =	shalt  }
0x45: {  	_ =	shalt  }
0x46: {  	_ =	shalt  }
0x47: {  	_ =	shalt  }
0x48: {  	_ =	shalt  }
0x49: {  	_ =	shalt  }
0x4a: {  	_ =	shalt  }
0x4b: {  	_ =	shalt  }
0x4c: {  	_ =	shalt  }
0x4d: {  	_ =	shalt  }
0x4e: {  	_ =	shalt  }
0x4f: {  	_ =	shalt  }
0x50: {  	_ =	shalt  }
0x51: {  	_ =	shalt  }
0x52: {  	_ =	shalt  }
0x53: {  	_ =	shalt  }
0x54: {  	_ =	shalt  }
0x55: {  	_ =	shalt  }
0x56: {  	_ =	shalt  }
0x57: {  	_ =	shalt  }
0x58: {  	_ =	shalt  }
0x59: {  	_ =	shalt  }
0x5a: {  	_ =	shalt  }
0x5b: {  	_ =	shalt  }
0x5c: {  	_ =	shalt  }
0x5d: {  	_ =	shalt  }
0x5e: {  	_ =	shalt  }
0x5f: {  	_ =	shalt  }
0x60: {  	_ =	shalt  }
0x61: {  	_ =	shalt  }
0x62: {  	_ =	shalt  }
0x63: {  	_ =	shalt  }
0x64: {  	_ =	shalt  }
0x65: {  	_ =	shalt  }
0x66: {  	_ =	shalt  }
0x67: {  	_ =	shalt  }
0x68: {  	_ =	shalt  }
0x69: {  	_ =	shalt  }
0x6a: {  	_ =	shalt  }
0x6b: {  	_ =	shalt  }
0x6c: {  	_ =	shalt  }
0x6d: {  	_ =	shalt  }
0x6e: {  	_ =	shalt  }
0x6f: {  	_ =	shalt  }
0x70: {  	_ =	shalt  }
0x71: {  	_ =	shalt  }
0x72: {  	_ =	shalt  }
0x73: {  	_ =	shalt  }
0x74: {  	_ =	shalt  }
0x75: {  	_ =	shalt  }
0x76: {  	_ =	shalt  }
0x77: {  	_ =	shalt  }
0x78: {  	_ =	shalt  }
0x79: {  	_ =	shalt  }
0x7a: {  	_ =	shalt  }
0x7b: {  	_ =	shalt  }
0x7c: {  	_ =	shalt  }
0x7d: {  	_ =	shalt  }
0x7e: {  	_ =	shalt  }
0x7f: {  	_ =	shalt  }
0x80: {  	_ =	shalt  }
0x81: {  	_ =	shalt  }
0x82: {  	_ =	shalt  }
0x83: {  	_ =	shalt  }
0x84: {  	_ =	shalt  }
0x85: {  	_ =	shalt  }
0x86: {  	_ =	shalt  }
0x87: {  	_ =	shalt  }
.Lfunc_end0:
.L_simem_size_0:
called_computation.5_lowered:
.L_overlay_start_0:
0x88: {  	s2 =	sld [smem:$0x3FD9]  }
0x89: {  	s3 =	sld [smem:$0x3FFE];
	_ =	sdelay $0x1  }
0x8a: {  	s1 =	srdreg.scid  }
0x8b: {  	s0 =	sand.u32 $0x1, s1  }
0x8c: {  	s17 =	sshll.u32 s0, $0xA;
	s2 =	sadd.s32 s3, s2  }
0x8d: {  	s2 =	sadd.s32 s2, s17  }
0x8e: {  	[smem:$0x3FC6] =	sst s2  }
0x8f: {  	_ = 	snop  }
0x90: {  	(tm) =	ssettm $0x1  }
0x91: {  	s18 =	sld [smem:$0x3FFB];
	_ =	sdelay $0x3  }
0x92: {  	_ =	strace s18  }
0x93: {  	s2 =	sld [smem:$0x3FFC];
	_ =	sdelay $0x3  }
0x94: {  	_ =	strace s2  }
0x95: {  	s2 =	sld [smem:$0x3FFD];
	_ =	sdelay $0x3  }
0x96: {  	_ =	strace s2  }
0x97: {  	_ =	strace $0x8FFFFFFF  }
0x98: {  	s19 =	sld [smem:$0x3FDB];
	_ =	sdelay $0x1  }
0x99: {  	s20 =	simm.s32 $_scs_section_size  }
0x9a: {  	s4 =	simm.s32 $_size__tile_overlayer_lowered;
	s5 =	simm.s32 $_tile_overlayer_lowered  }
0x9b: {  	s6 =	simm.s32 $0x1BFF;
	s21 =	sshll.u32 s5, $0x1;
	s3 =	sadd.s32 s20, s19  }
0x9c: {  	s22 =	simm.s32 $0x0;
	s4 =	sshll.u32 s4, $0x1;
	s5 =	sadd.s32 s21, s3  }
0x9d: {  	[timem:s22], [sflag:s6] =	dma.local [hbm:s5], s4  }
0x9e: {  	_ =	swait.ge [sflag:s6], s4  }
0x9f: {  	s4 =	ssub.s32 $0x0, s4;
	[sflag:s6] =	ssyncset.done $0x0  }
0xa0: {  	[sflag:s6] =	ssyncadd.s32 s4;
	_ =	sdelay $0x1  }
0xa1: {  	s23 =	simm.s32 $0x1B8B  }
0xa2: {  	_ =	swait.ge [sflag:s23], $0x1  }
0xa3: {  	[sflag:s23] =	ssyncset.done $0x0  }
0xa4: {  	[sflag:s23] =	ssyncadd.s32 $0xFFFFFFFF  }
0xa5: {  	s4 =	sld [smem:$0x0]  }
0xa6: {  	s5 =	sand.u32 $0xFFFFFFFE, s1  }
0xa7: {  	p0 =	sne.s32 s1, s5  }
0xa8: {  	s5 =	sshll.u32 @p0 s5, $0xE  }
0xa9: {  	s5 =	sadd.s32 @p0 $0x11B8D, s5;
	s6 =	sshll.u32 @p0 s4, $0x11  }
0xaa: {  	s5 =	sor.u32 @p0 s6, s5  }
0xab: {  	[sflag:s5] =	ssyncadd.remote.s32 @p0 $0x1;
	_ =	sdelay $0x1  }
0xac: {  	s5 =	simm.s32 @p0 $0x1B8D  }
0xad: {  	_ =	swait.eq @p0 [sflag:s5], $0x1  }
0xae: {  	[sflag:s5] =	ssyncadd.s32 @p0 $0xFFFFFFFF  }
0xaf: {  	s6 =	sshll.u32 @!p0 s1, $0xE  }
0xb0: {  	s6 =	sor.u32 @!p0 $0x4000, s6;
	s5 =	simm.s32 @!p0 $0x1B8D  }
0xb1: {  	s4 =	sshll.u32 @!p0 s4, $0x11;
	s6 =	sadd.s32 @!p0 $0x11B8D, s6;
	_ =	swait.eq @!p0 [sflag:s5], $0x1  }
0xb2: {  	s4 =	sor.u32 @!p0 s4, s6;
	[sflag:s5] =	ssyncadd.s32 @!p0 $0xFFFFFFFF  }
0xb3: {  	s25 =	simm.s32 $0x1B8E;
	s24 =	sld [smem:$0x3FFE];
	[sflag:s4] =	ssyncadd.remote.s32 @!p0 $0x1  }
0xb4: {  	s26 =	simm.s32 $execute0_lowered;
	[smem:$0x3FD2] =	sst s25  }
0xb5: {  	s5 =	sshll.u32 s26, $0x1;
	_ =	strace $0x8000004C;
	[dreg:$0x1] =	wrdreg $0xFFFFFFFF  }
0xb6: {  	s28 =	simm.s32 $_size_execute0_lowered;
	s3 =	sadd.s32 s3, s5;
	[dreg:$0x0] =	wrdreg $0x0  }
0xb7: {  	s5 =	sshll.u32 s28, $0x1;
	[dreg:$0x2] =	wrdreg s3  }
0xb8: {  	[dreg:$0x3] =	wrdreg s5  }
0xb9: {  	[dreg:$0x4] =	wrdreg $0xC0  }
0xba: {  	_ =	task [dreg:s22], $0x5FFFF  }
0xbb: {  	[dreg:$0x1] =	wrdreg $0xFFFFFFFF  }
0xbc: {  	[dreg:$0x0] =	wrdreg $0x60  }
0xbd: {  	[dreg:$0x2] =	wrdreg s24  }
0xbe: {  	[dreg:$0x3] =	wrdreg $0xE  }
0xbf: {  	_ =	task.clear_ibuf [dreg:s22], $0x4FFFF;
	_ =	strace $0x9000004C  }
0xc0: {  	s29 =	simm.s32 $0xE;
	_ =	strace $0x8000004E  }
0xc1: {  	_ =	swait.ge [sflag:s29], $0x1  }
0xc2: {  	[sflag:s29] =	ssyncadd.s32 $0xFFFFFFFF  }
0xc3: {  	_ =	strace $0x9000004E  }
0xc4: {  	_ =	sfence  }
0xc5: {  	s30 =	sld [smem:$0x0];
	_ =	sdelay $0x2  }
0xc6: {  	s31 =	sshll.u32 s1, $0xD;
	s1 =	sshrl.u32 s1, $0x2  }
0xc7: {  	s4 =	sand.u32 $0x4000, s31;
	s1 =	sadd.s32 s1, s30  }
0xc8: {  	s0 =	sor.u32 s4, s0;
	s1 =	sshll.u32 s1, $0x11  }
0xc9: {  	s0 =	sor.u32 s1, s0  }
0xca: {  	s0 =	sadd.s32 $0x8F2B, s0  }
0xcb: {  	[sflag:s0] =	ssyncadd.remote.s32 $0x1  }
0xcc: {  	_ =	sfence.sel $0xFFFF  }
0xcd: {  	[dreg:$0x0] =	wrdreg $0xFFFFFFFF;
	(pc) =	sbr.abs _section_cstart, $3  }
0xce: {  	[dreg:$0x1] =	wrdreg $0xFFFFFFFF  }
0xcf: {  	_ =	task.clear_ibuf [dreg:s22], $0x2FFFF;
	_ =	strace $0x9FFFFFFF  }
0xd0: {  	(tm) =	ssettm $0x7FFFFFFF  }
0xd1: {  	_ =	shalt  }
tec
execute0_lowered:
.L_overlay_start_1:
0x0: {  	(tag) =	ssettag $0x1  }
0x1: {  	s1 =	srdreg.scid;
	s0 =	stileid.u32  }
0x2: {  	s12 =	sand.u32 $0x1, s1;
	s31 =	sshll.u32 s0, $0x1  }
0x3: {  	s11 =	sor.u32 s12, s31  }
0x4: {  	s10 =	rddreg [dreg:$0x0];
	s2 =	simm.s32 $0x0;
	s3 =	sshll.u32 s11, $0x5  }
0x5: {  	s4 =	simm.s32 $0x5;
	[smem:$0x7FF] =	sst s2;
	s3 =	sadd.s32 s3, s10  }
0x6: {  	s1 =	rddreg [dreg:$0x1];
	_ =	strace $0x8000004D;
	s3 =	sadd.s32 $0x102000, s3  }
0x7: {  	[tilespmem:s2], [sflag:$0x5] =	stream.linear.gather [hbm4b:s3+s2], $0x100, $0x38;
	[tilespmem:$0x8100] =	vst v63  }
0x8: {  	_ =	swait.ge [sflag:s4], $0x100  }
0x9: {  	s6 =	simm.s32 $0x80;
	[sflag:s4] =	ssyncset.done $0x0  }
0xa: {  	s7 =	simm.s32 $0x100;
	s5 =	sadd.s32 $0x39C00, s10;
	[sflag:s4] =	ssyncadd.s32 $0xFFFFFF00  }
0xb: {  	[tilespmem:s7], [sflag:$0x1] =	stream.indirect.gather [hbm4b:s5+s6], $0x80, s2, s6, $0xb8;
	[tilespmem:$0x8100] =	vst v63  }
0xc: {  	s8 =	simm.s32 $0x4100;
	s9 =	simm.s32 $0x1  }
0xd: {  	[tilespmem:s8], [sflag:$0x2] =	stream.indirect.gather [hbm4b:s5+s6], $0x80, s6, s6, $0xb8;
	[tilespmem:$0x8100] =	vst v63  }
0xe: {  	s14 =	ssub.s32 $0x2, s12;
	s11 =	sshll.u32 s11, $0xC;
	_ =	swait.ge [sflag:s9], $0x4000  }
0xf: {  	s15 =	sshrl.u32 s14, $0x1;
	s13 =	sadd.s32 s11, s10;
	[sflag:s9] =	ssyncset.done $0x0  }
0x10: {  	s11 =	simm.s32 $0x2;
	s10 =	sadd.s32 $0x102400, s13;
	[sflag:s9] =	ssyncadd.s32 $0xFFFFC000  }
0x11: {  	[hbm4b:s10+s2] =	stream.linear.scatter [tilespmem:s7], [sflag:$0x3], $0x4000, $0x38;
	[tilespmem:$0x8100] =	vst v63  }
0x12: {  	s14 =	ssub.s32 s14, s15;
	_ =	swait.ge [sflag:s11], $0x4000  }
0x13: {  	s12 =	sadd.s32 $0x102C00, s13;
	s15 =	smax.u32 s14, $0x1;
	[sflag:s11] =	ssyncset.done $0x0  }
0x14: {  	s13 =	simm.s32 $0x3;
	p0 =	sne.s32 s15, $0x1;
	[sflag:s11] =	ssyncadd.s32 $0xFFFFC000  }
0x15: {  	[hbm4b:s12+s2] =	stream.linear.scatter [tilespmem:s8], [sflag:$0x4], $0x4000, $0x38;
	[tilespmem:$0x8100] =	vst v63  }
.Ltmp0:
0x16: {  	_ =	swait.ge [sflag:s13], $0x4000;
	(pc) =	sbr.rel @!p0 .LBB2_2-.Ltmp0, $4  }
0x17: {  	[sflag:s13] =	ssyncset.done $0x0  }
0x18: {  	s14 =	simm.s32 $0x4;
	[sflag:s13] =	ssyncadd.s32 $0xFFFFC000  }
0x19: {  	_ =	swait.ge [sflag:s14], $0x4000  }
0x1a: {  	s15 =	sadd.s32 $0xFFFFFFFF, s15;
	[sflag:s14] =	ssyncset.done $0x0  }
.LBB2_1:
0x1b: {  	p0 =	sne.s32 s15, $0x1;
	s15 =	sadd.s32 $0xFFFFFFFF, s15;
	[sflag:s14] =	ssyncadd.s32 $0xFFFFC000  }
0x1c: {  	[tilespmem:s2], [sflag:$0x5] =	stream.linear.gather [hbm4b:s3+s2], $0x100, $0x38;
	[tilespmem:$0x8100] =	vst v63  }
0x1d: {  	_ =	swait.ge [sflag:s4], $0x100  }
0x1e: {  	[sflag:s4] =	ssyncset.done $0x0  }
0x1f: {  	[sflag:s4] =	ssyncadd.s32 $0xFFFFFF00  }
0x20: {  	[tilespmem:s7], [sflag:$0x1] =	stream.indirect.gather [hbm4b:s5+s6], $0x80, s2, s6, $0xb8;
	[tilespmem:$0x8100] =	vst v63  }
0x21: {  	_ = 	snop  }
0x22: {  	[tilespmem:s8], [sflag:$0x2] =	stream.indirect.gather [hbm4b:s5+s6], $0x80, s6, s6, $0xb8;
	[tilespmem:$0x8100] =	vst v63  }
0x23: {  	_ =	swait.ge [sflag:s9], $0x4000  }
0x24: {  	[sflag:s9] =	ssyncset.done $0x0  }
0x25: {  	[sflag:s9] =	ssyncadd.s32 $0xFFFFC000  }
0x26: {  	[hbm4b:s10+s2] =	stream.linear.scatter [tilespmem:s7], [sflag:$0x3], $0x4000, $0x38;
	[tilespmem:$0x8100] =	vst v63  }
0x27: {  	_ =	swait.ge [sflag:s11], $0x4000  }
0x28: {  	[sflag:s11] =	ssyncset.done $0x0  }
0x29: {  	[sflag:s11] =	ssyncadd.s32 $0xFFFFC000  }
0x2a: {  	[hbm4b:s12+s2] =	stream.linear.scatter [tilespmem:s8], [sflag:$0x4], $0x4000, $0x38;
	[tilespmem:$0x8100] =	vst v63  }
.Ltmp1:
0x2b: {  	_ =	swait.ge [sflag:s13], $0x4000;
	(pc) =	sbr.rel @p0 .LBB2_1-.Ltmp1, $4  }
0x2c: {  	[sflag:s13] =	ssyncset.done $0x0  }
0x2d: {  	[sflag:s13] =	ssyncadd.s32 $0xFFFFC000  }
0x2e: {  	_ =	swait.ge [sflag:s14], $0x4000  }
0x2f: {  	[sflag:s14] =	ssyncset.done $0x0  }
.LBB2_2:
0x30: {  	[sflag:s14] =	ssyncadd.s32 $0xFFFFC000  }
0x31: {  	_ =	sfence.sel $0x180000  }
0x32: {  	[bflag:$0x0] =	sbarrier.arrive $0xFFFF  }
0x33: {  	p0 =	sne.s32 s0, $0x0;
	_ =	strace $0x9000004D  }
0x34: {  	s0 =	sadd.s32 @!p0 $0x100000, s1;
	[bflag:$0x2] =	sbarrier.arrive $0xFFFF  }
0x35: {  	[sflag:s0] =	ssyncadd.tile.s32 @!p0 $0x1;
	_ =	shalt  }
.Lfunc_end2:
_tile_overlayer_lowered:
.L_overlay_start_2:
0x36: {  	(tag) =	ssettag $0x2  }
0x37: {  	s0 =	rddreg [dreg:$0x0];
	s2 =	stileid.u32  }
0x38: {  	s1 =	rddreg [dreg:$0x1];
	p0 =	sne.s32 s2, $0x0  }
0x39: {  	s3 =	rddreg [dreg:$0x2];
	[bflag:$0x3] =	sbarrier.arrive $0xFFFF;
	s2 =	simm.s32 @!p0 $0x1C05  }
0x3a: {  	[timem:s3], [sflag:s2] =	dma.local @!p0 [hbm:s0], s1  }
0x3b: {  	s0 =	simm.s32 @!p0 $0x5  }
0x3c: {  	_ =	swait.ge @!p0 [sflag:s0], s1  }
0x3d: {  	s1 =	ssub.s32 @!p0 $0x0, s1;
	[sflag:s0] =	ssyncset.done @!p0 $0x0  }
0x3e: {  	[sflag:s0] =	ssyncadd.s32 @!p0 s1  }
0x3f: {  	[bflag:$0x3] =	sbarrier.arrive $0xFFFF  }
0x40: {  	_ =	shalt  }

// kernel: kernel.44.cloned.1.call-start
scs
__scs_entry_jumppad:
0x0: {  	(pc) =	sbr.rel $0x88, $3  }
0x1: {  	(tag) =	ssettag $0x0;
	lr =	simm.s32 $0x1  }
0x2: {  	[smem:$0x3F9F] =	sst lr;
	_ =	strace $0xD0000000  }
0x3: {  	_ = 	snop  }
0x4: {  	_ = 	snop  }
0x5: {  	_ = 	snop  }
0x6: {  	_ = 	snop  }
0x7: {  	_ = 	snop  }
__scs_overlays_trampoline_lowered:
0x8: {  	[smem:$0x3FAE] =	sst s0  }
0x9: {  	[smem:$0x3FAF] =	sst s1  }
0xa: {  	[smem:$0x3FB0] =	sst s2  }
0xb: {  	[smem:$0x3FB1] =	sst s3  }
0xc: {  	[smem:$0x3FB2] =	sst s4  }
0xd: {  	[smem:$0x3FB3] =	sst s5  }
0xe: {  	[smem:$0x3FB4] =	sst s6  }
0xf: {  	[smem:$0x3FB5] =	sst s7  }
0x10: {  	[smem:$0x3FB6] =	sst s8  }
0x11: {  	[smem:$0x3FB7] =	sst s9;
	s0 =	simm.s32 @!p0 $0x0  }
0x12: {  	s1 =	sld [smem:$0x3F9D];
	s0 =	simm.s32 @p0 $0x1  }
0x13: {  	[smem:$0x3FB8] =	sst s0;
	s0 =	simm.s32 @!p1 $0x0  }
0x14: {  	s2 =	sld [smem:$0x3F9C];
	s0 =	simm.s32 @p1 $0x1  }
0x15: {  	[smem:$0x3FB9] =	sst s0;
	s0 =	simm.s32 @!p2 $0x0  }
0x16: {  	s3 =	sld [smem:$0x3FDB];
	s0 =	simm.s32 @p2 $0x1  }
0x17: {  	s4 =	simm.s32 $0x1BF5;
	[smem:$0x3FBB] =	sst s0  }
0x18: {  	s0 =	sld [smem:$0x3F9E];
	_ =	swait.ge [sflag:s4], $0x0  }
0x19: {  	s7 =	sld [smem:$0x3F9F]  }
0x1a: {  	s8 =	sadd.s32 $0xFFFFE003, lr  }
0x1b: {  	s9 =	sadd.s32 $0xFFFFFEF7, lr;
	s5 =	simm.s32 $0xFFFFFFFF;
	p2 =	slt.u32 s8, $0xFFFFF086  }
0x1c: {  	p1 =	slt.u32 s9, $0xF7A;
	s5 =	simm.s32 @!p2 $0x0  }
0x1d: {  	s5 =	simm.s32 @p1 $0x1;
	p0 =	seq.s32 s7, s2  }
0x1e: {  	s7 =	smul.u32 @!p0 $0xF7A, s2;
	p2 =	seq.s32 @!p0 s5, $0x0  }
0x1f: {  	s9 =	smul.u32 $0xF7A, s1;
	s8 =	simm.s32 @!p0 $0x1BF5;
	p2 =	por !p2, p0  }
0x20: {  	[sflag:s8] =	ssyncset.s32 @!p0 $0xFFFFF086;
	s6 =	sadd.s32 @!p0 s3, s7;
	s7 =	simm.s32 @!p0 $0x108  }
0x21: {  	s3 =	sadd.s32 s3, s9;
	s6 =	sadd.s32 @!p0 $0x88, s6;
	s7 =	simm.s32 @p2 $0x1082  }
0x22: {  	[simem:s7], [sflag:s8] =	dma.local @!p0 [hbm:s6], $0xF7A  }
0x23: {  	s9 =	sor.u32 $0xD0000000, s2;
	s6 =	simm.s32 $0x108;
	_ =	swait.ge @!p0 [sflag:s8], $0x0  }
0x24: {  	s3 =	sadd.s32 $0x88, s3;
	s6 =	simm.s32 @!p1 $0x1082;
	[sflag:s4] =	ssyncset.s32 $0xFFFFF086  }
0x25: {  	[simem:s6], [sflag:s4] =	dma.local [hbm:s3], $0xF7A  }
0x26: {  	[smem:$0x3F9F] =	sst s1;
	(tag) =	ssettag s2;
	_ =	strace s9  }
0x27: {  	s1 =	sld [smem:$0x3FAF]  }
0x28: {  	s2 =	sld [smem:$0x3FB0]  }
0x29: {  	s4 =	sld [smem:$0x3FB2]  }
0x2a: {  	p0 =	seq.s32 s5, $0x0;
	s5 =	sld [smem:$0x3FB3]  }
0x2b: {  	s6 =	sld [smem:$0x3FB4]  }
0x2c: {  	s7 =	sld [smem:$0x3FB5]  }
0x2d: {  	s3 =	simm.s32 $0x108;
	s8 =	sld [smem:$0x3FB6]  }
0x2e: {  	s3 =	simm.s32 @!p0 $0x1082;
	s9 =	sld [smem:$0x3FB7]  }
0x2f: {  	lr =	sadd.s32 s0, s3;
	s0 =	sld [smem:$0x3FAE]  }
0x30: {  	s3 =	sld [smem:$0x3FB1]  }
0x31: {  	[smem:$0x3FBA] =	sst s10  }
0x32: {  	s10 =	sld [smem:$0x3FB8];
	_ =	sdelay $0x3  }
0x33: {  	p0 =	seq.s32 s10, $0x1;
	s10 =	sld [smem:$0x3FBA];
	_ =	sdelay $0x3  }
0x34: {  	[smem:$0x3FBA] =	sst s10  }
0x35: {  	s10 =	sld [smem:$0x3FB9];
	_ =	sdelay $0x3  }
0x36: {  	p1 =	seq.s32 s10, $0x1;
	s10 =	sld [smem:$0x3FBA];
	_ =	sdelay $0x3  }
0x37: {  	[smem:$0x3FBA] =	sst s10  }
0x38: {  	s10 =	sld [smem:$0x3FBB]  }
0x39: {  	_ = 	snop;
	(pc) =	sbr.ind lr, $3  }
0x3a: {  	_ = 	snop  }
0x3b: {  	_ = 	snop  }
0x3c: {  	p2 =	seq.s32 s10, $0x1;
	s10 =	sld [smem:$0x3FBA]  }
0x3d: {  	_ =	shalt  }
0x3e: {  	_ =	shalt  }
0x3f: {  	_ =	shalt  }
0x40: {  	_ =	shalt  }
0x41: {  	_ =	shalt  }
0x42: {  	_ =	shalt  }
0x43: {  	_ =	shalt  }
0x44: {  	_ =	shalt  }
0x45: {  	_ =	shalt  }
0x46: {  	_ =	shalt  }
0x47: {  	_ =	shalt  }
0x48: {  	_ =	shalt  }
0x49: {  	_ =	shalt  }
0x4a: {  	_ =	shalt  }
0x4b: {  	_ =	shalt  }
0x4c: {  	_ =	shalt  }
0x4d: {  	_ =	shalt  }
0x4e: {  	_ =	shalt  }
0x4f: {  	_ =	shalt  }
0x50: {  	_ =	shalt  }
0x51: {  	_ =	shalt  }
0x52: {  	_ =	shalt  }
0x53: {  	_ =	shalt  }
0x54: {  	_ =	shalt  }
0x55: {  	_ =	shalt  }
0x56: {  	_ =	shalt  }
0x57: {  	_ =	shalt  }
0x58: {  	_ =	shalt  }
0x59: {  	_ =	shalt  }
0x5a: {  	_ =	shalt  }
0x5b: {  	_ =	shalt  }
0x5c: {  	_ =	shalt  }
0x5d: {  	_ =	shalt  }
0x5e: {  	_ =	shalt  }
0x5f: {  	_ =	shalt  }
0x60: {  	_ =	shalt  }
0x61: {  	_ =	shalt  }
0x62: {  	_ =	shalt  }
0x63: {  	_ =	shalt  }
0x64: {  	_ =	shalt  }
0x65: {  	_ =	shalt  }
0x66: {  	_ =	shalt  }
0x67: {  	_ =	shalt  }
0x68: {  	_ =	shalt  }
0x69: {  	_ =	shalt  }
0x6a: {  	_ =	shalt  }
0x6b: {  	_ =	shalt  }
0x6c: {  	_ =	shalt  }
0x6d: {  	_ =	shalt  }
0x6e: {  	_ =	shalt  }
0x6f: {  	_ =	shalt  }
0x70: {  	_ =	shalt  }
0x71: {  	_ =	shalt  }
0x72: {  	_ =	shalt  }
0x73: {  	_ =	shalt  }
0x74: {  	_ =	shalt  }
0x75: {  	_ =	shalt  }
0x76: {  	_ =	shalt  }
0x77: {  	_ =	shalt  }
0x78: {  	_ =	shalt  }
0x79: {  	_ =	shalt  }
0x7a: {  	_ =	shalt  }
0x7b: {  	_ =	shalt  }
0x7c: {  	_ =	shalt  }
0x7d: {  	_ =	shalt  }
0x7e: {  	_ =	shalt  }
0x7f: {  	_ =	shalt  }
0x80: {  	_ =	shalt  }
0x81: {  	_ =	shalt  }
0x82: {  	_ =	shalt  }
0x83: {  	_ =	shalt  }
0x84: {  	_ =	shalt  }
0x85: {  	_ =	shalt  }
0x86: {  	_ =	shalt  }
0x87: {  	_ =	shalt  }
.Lfunc_end0:
.L_simem_size_0:
called_computation.6_lowered:
.L_overlay_start_0:
0x88: {  	s2 =	sld [smem:$0x3FD9]  }
0x89: {  	s3 =	sld [smem:$0x3FFE];
	_ =	sdelay $0x1  }
0x8a: {  	s1 =	srdreg.scid  }
0x8b: {  	s0 =	sand.u32 $0x1, s1  }
0x8c: {  	s17 =	sshll.u32 s0, $0xA;
	s2 =	sadd.s32 s3, s2  }
0x8d: {  	s2 =	sadd.s32 s2, s17  }
0x8e: {  	[smem:$0x3FC6] =	sst s2  }
0x8f: {  	_ = 	snop  }
0x90: {  	(tm) =	ssettm $0x1  }
0x91: {  	s18 =	sld [smem:$0x3FFB];
	_ =	sdelay $0x3  }
0x92: {  	_ =	strace s18  }
0x93: {  	s2 =	sld [smem:$0x3FFC];
	_ =	sdelay $0x3  }
0x94: {  	_ =	strace s2  }
0x95: {  	s2 =	sld [smem:$0x3FFD];
	_ =	sdelay $0x3  }
0x96: {  	_ =	strace s2  }
0x97: {  	_ =	strace $0x8FFFFFFF  }
0x98: {  	s19 =	sld [smem:$0x3FDB];
	_ =	sdelay $0x1  }
0x99: {  	s20 =	simm.s32 $_scs_section_size  }
0x9a: {  	s4 =	simm.s32 $_size__tile_overlayer_lowered;
	s5 =	simm.s32 $_tile_overlayer_lowered  }
0x9b: {  	s6 =	simm.s32 $0x1BFF;
	s21 =	sshll.u32 s5, $0x1;
	s3 =	sadd.s32 s20, s19  }
0x9c: {  	s22 =	simm.s32 $0x0;
	s4 =	sshll.u32 s4, $0x1;
	s5 =	sadd.s32 s21, s3  }
0x9d: {  	[timem:s22], [sflag:s6] =	dma.local [hbm:s5], s4  }
0x9e: {  	_ =	swait.ge [sflag:s6], s4  }
0x9f: {  	s4 =	ssub.s32 $0x0, s4;
	[sflag:s6] =	ssyncset.done $0x0  }
0xa0: {  	[sflag:s6] =	ssyncadd.s32 s4;
	_ =	sdelay $0x1  }
0xa1: {  	s23 =	simm.s32 $0x1B8B  }
0xa2: {  	_ =	swait.ge [sflag:s23], $0x1  }
0xa3: {  	[sflag:s23] =	ssyncset.done $0x0  }
0xa4: {  	[sflag:s23] =	ssyncadd.s32 $0xFFFFFFFF  }
0xa5: {  	s4 =	sld [smem:$0x0]  }
0xa6: {  	s5 =	sand.u32 $0xFFFFFFFE, s1  }
0xa7: {  	p0 =	sne.s32 s1, s5  }
0xa8: {  	s5 =	sshll.u32 @p0 s5, $0xE  }
0xa9: {  	s5 =	sadd.s32 @p0 $0x11B8D, s5;
	s6 =	sshll.u32 @p0 s4, $0x11  }
0xaa: {  	s5 =	sor.u32 @p0 s6, s5  }
0xab: {  	[sflag:s5] =	ssyncadd.remote.s32 @p0 $0x1;
	_ =	sdelay $0x1  }
0xac: {  	s5 =	simm.s32 @p0 $0x1B8D  }
0xad: {  	_ =	swait.eq @p0 [sflag:s5], $0x1  }
0xae: {  	[sflag:s5] =	ssyncadd.s32 @p0 $0xFFFFFFFF  }
0xaf: {  	s6 =	sshll.u32 @!p0 s1, $0xE  }
0xb0: {  	s6 =	sor.u32 @!p0 $0x4000, s6;
	s5 =	simm.s32 @!p0 $0x1B8D  }
0xb1: {  	s4 =	sshll.u32 @!p0 s4, $0x11;
	s6 =	sadd.s32 @!p0 $0x11B8D, s6;
	_ =	swait.eq @!p0 [sflag:s5], $0x1  }
0xb2: {  	s4 =	sor.u32 @!p0 s4, s6;
	[sflag:s5] =	ssyncadd.s32 @!p0 $0xFFFFFFFF  }
0xb3: {  	s25 =	simm.s32 $0x1B8E;
	s24 =	sld [smem:$0x3FFE];
	[sflag:s4] =	ssyncadd.remote.s32 @!p0 $0x1  }
0xb4: {  	s26 =	simm.s32 $execute0_lowered;
	[smem:$0x3FD2] =	sst s25  }
0xb5: {  	s5 =	sshll.u32 s26, $0x1;
	_ =	strace $0x80000049;
	[dreg:$0x1] =	wrdreg $0xFFFFFFFF  }
0xb6: {  	s28 =	simm.s32 $_size_execute0_lowered;
	s3 =	sadd.s32 s3, s5;
	[dreg:$0x0] =	wrdreg $0x0  }
0xb7: {  	s5 =	sshll.u32 s28, $0x1;
	[dreg:$0x2] =	wrdreg s3  }
0xb8: {  	[dreg:$0x3] =	wrdreg s5  }
0xb9: {  	[dreg:$0x4] =	wrdreg $0xC0  }
0xba: {  	_ =	task [dreg:s22], $0x5FFFF  }
0xbb: {  	[dreg:$0x1] =	wrdreg $0xFFFFFFFF  }
0xbc: {  	[dreg:$0x0] =	wrdreg $0x60  }
0xbd: {  	[dreg:$0x2] =	wrdreg s24  }
0xbe: {  	[dreg:$0x3] =	wrdreg $0xF  }
0xbf: {  	_ =	task.clear_ibuf [dreg:s22], $0x4FFFF;
	_ =	strace $0x90000049  }
0xc0: {  	s29 =	simm.s32 $0xF;
	_ =	strace $0x8000004B  }
0xc1: {  	_ =	swait.ge [sflag:s29], $0x1  }
0xc2: {  	[sflag:s29] =	ssyncadd.s32 $0xFFFFFFFF  }
0xc3: {  	_ =	strace $0x9000004B  }
0xc4: {  	_ =	sfence  }
0xc5: {  	s30 =	sld [smem:$0x0];
	_ =	sdelay $0x2  }
0xc6: {  	s31 =	sshll.u32 s1, $0xD;
	s1 =	sshrl.u32 s1, $0x2  }
0xc7: {  	s4 =	sand.u32 $0x4000, s31;
	s1 =	sadd.s32 s1, s30  }
0xc8: {  	s0 =	sor.u32 s4, s0;
	s1 =	sshll.u32 s1, $0x11  }
0xc9: {  	s0 =	sor.u32 s1, s0  }
0xca: {  	s0 =	sadd.s32 $0x8F2B, s0  }
0xcb: {  	[sflag:s0] =	ssyncadd.remote.s32 $0x1  }
0xcc: {  	_ =	sfence.sel $0xFFFF  }
0xcd: {  	[dreg:$0x0] =	wrdreg $0xFFFFFFFF;
	(pc) =	sbr.abs _section_cstart, $3  }
0xce: {  	[dreg:$0x1] =	wrdreg $0xFFFFFFFF  }
0xcf: {  	_ =	task.clear_ibuf [dreg:s22], $0x2FFFF;
	_ =	strace $0x9FFFFFFF  }
0xd0: {  	(tm) =	ssettm $0x7FFFFFFF  }
0xd1: {  	_ =	shalt  }
tec
execute0_lowered:
.L_overlay_start_1:
0x0: {  	(tag) =	ssettag $0x1  }
0x1: {  	s1 =	srdreg.scid;
	s0 =	stileid.u32  }
0x2: {  	s12 =	sand.u32 $0x1, s1;
	s31 =	sshll.u32 s0, $0x1  }
0x3: {  	s11 =	sor.u32 s12, s31  }
0x4: {  	s10 =	rddreg [dreg:$0x0];
	s2 =	simm.s32 $0x0;
	s3 =	sshll.u32 s11, $0x5  }
0x5: {  	s4 =	simm.s32 $0x5;
	[smem:$0x7FF] =	sst s2;
	s3 =	sadd.s32 s3, s10  }
0x6: {  	s1 =	rddreg [dreg:$0x1];
	_ =	strace $0x8000004A;
	s3 =	sadd.s32 $0xE1C00, s3  }
0x7: {  	[tilespmem:s2], [sflag:$0x5] =	stream.linear.gather [hbm4b:s3+s2], $0x100, $0x38;
	[tilespmem:$0x8100] =	vst v63  }
0x8: {  	_ =	swait.ge [sflag:s4], $0x100  }
0x9: {  	s6 =	simm.s32 $0x80;
	[sflag:s4] =	ssyncset.done $0x0  }
0xa: {  	s7 =	simm.s32 $0x100;
	s5 =	sadd.s32 $0x39C00, s10;
	[sflag:s4] =	ssyncadd.s32 $0xFFFFFF00  }
0xb: {  	[tilespmem:s7], [sflag:$0x1] =	stream.indirect.gather [hbm4b:s5+s6], $0x80, s2, s6, $0xb8;
	[tilespmem:$0x8100] =	vst v63  }
0xc: {  	s8 =	simm.s32 $0x4100;
	s9 =	simm.s32 $0x1  }
0xd: {  	[tilespmem:s8], [sflag:$0x2] =	stream.indirect.gather [hbm4b:s5+s6], $0x80, s6, s6, $0xb8;
	[tilespmem:$0x8100] =	vst v63  }
0xe: {  	s14 =	ssub.s32 $0x2, s12;
	s11 =	sshll.u32 s11, $0xC;
	_ =	swait.ge [sflag:s9], $0x4000  }
0xf: {  	s15 =	sshrl.u32 s14, $0x1;
	s13 =	sadd.s32 s11, s10;
	[sflag:s9] =	ssyncset.done $0x0  }
0x10: {  	s11 =	simm.s32 $0x2;
	s10 =	sadd.s32 $0xE2000, s13;
	[sflag:s9] =	ssyncadd.s32 $0xFFFFC000  }
0x11: {  	[hbm4b:s10+s2] =	stream.linear.scatter [tilespmem:s7], [sflag:$0x3], $0x4000, $0x38;
	[tilespmem:$0x8100] =	vst v63  }
0x12: {  	s14 =	ssub.s32 s14, s15;
	_ =	swait.ge [sflag:s11], $0x4000  }
0x13: {  	s12 =	sadd.s32 $0xE2800, s13;
	s15 =	smax.u32 s14, $0x1;
	[sflag:s11] =	ssyncset.done $0x0  }
0x14: {  	s13 =	simm.s32 $0x3;
	p0 =	sne.s32 s15, $0x1;
	[sflag:s11] =	ssyncadd.s32 $0xFFFFC000  }
0x15: {  	[hbm4b:s12+s2] =	stream.linear.scatter [tilespmem:s8], [sflag:$0x4], $0x4000, $0x38;
	[tilespmem:$0x8100] =	vst v63  }
.Ltmp0:
0x16: {  	_ =	swait.ge [sflag:s13], $0x4000;
	(pc) =	sbr.rel @!p0 .LBB2_2-.Ltmp0, $4  }
0x17: {  	[sflag:s13] =	ssyncset.done $0x0  }
0x18: {  	s14 =	simm.s32 $0x4;
	[sflag:s13] =	ssyncadd.s32 $0xFFFFC000  }
0x19: {  	_ =	swait.ge [sflag:s14], $0x4000  }
0x1a: {  	s15 =	sadd.s32 $0xFFFFFFFF, s15;
	[sflag:s14] =	ssyncset.done $0x0  }
.LBB2_1:
0x1b: {  	p0 =	sne.s32 s15, $0x1;
	s15 =	sadd.s32 $0xFFFFFFFF, s15;
	[sflag:s14] =	ssyncadd.s32 $0xFFFFC000  }
0x1c: {  	[tilespmem:s2], [sflag:$0x5] =	stream.linear.gather [hbm4b:s3+s2], $0x100, $0x38;
	[tilespmem:$0x8100] =	vst v63  }
0x1d: {  	_ =	swait.ge [sflag:s4], $0x100  }
0x1e: {  	[sflag:s4] =	ssyncset.done $0x0  }
0x1f: {  	[sflag:s4] =	ssyncadd.s32 $0xFFFFFF00  }
0x20: {  	[tilespmem:s7], [sflag:$0x1] =	stream.indirect.gather [hbm4b:s5+s6], $0x80, s2, s6, $0xb8;
	[tilespmem:$0x8100] =	vst v63  }
0x21: {  	_ = 	snop  }
0x22: {  	[tilespmem:s8], [sflag:$0x2] =	stream.indirect.gather [hbm4b:s5+s6], $0x80, s6, s6, $0xb8;
	[tilespmem:$0x8100] =	vst v63  }
0x23: {  	_ =	swait.ge [sflag:s9], $0x4000  }
0x24: {  	[sflag:s9] =	ssyncset.done $0x0  }
0x25: {  	[sflag:s9] =	ssyncadd.s32 $0xFFFFC000  }
0x26: {  	[hbm4b:s10+s2] =	stream.linear.scatter [tilespmem:s7], [sflag:$0x3], $0x4000, $0x38;
	[tilespmem:$0x8100] =	vst v63  }
0x27: {  	_ =	swait.ge [sflag:s11], $0x4000  }
0x28: {  	[sflag:s11] =	ssyncset.done $0x0  }
0x29: {  	[sflag:s11] =	ssyncadd.s32 $0xFFFFC000  }
0x2a: {  	[hbm4b:s12+s2] =	stream.linear.scatter [tilespmem:s8], [sflag:$0x4], $0x4000, $0x38;
	[tilespmem:$0x8100] =	vst v63  }
.Ltmp1:
0x2b: {  	_ =	swait.ge [sflag:s13], $0x4000;
	(pc) =	sbr.rel @p0 .LBB2_1-.Ltmp1, $4  }
0x2c: {  	[sflag:s13] =	ssyncset.done $0x0  }
0x2d: {  	[sflag:s13] =	ssyncadd.s32 $0xFFFFC000  }
0x2e: {  	_ =	swait.ge [sflag:s14], $0x4000  }
0x2f: {  	[sflag:s14] =	ssyncset.done $0x0  }
.LBB2_2:
0x30: {  	[sflag:s14] =	ssyncadd.s32 $0xFFFFC000  }
0x31: {  	_ =	sfence.sel $0x180000  }
0x32: {  	[bflag:$0x0] =	sbarrier.arrive $0xFFFF  }
0x33: {  	p0 =	sne.s32 s0, $0x0;
	_ =	strace $0x9000004A  }
0x34: {  	s0 =	sadd.s32 @!p0 $0x100000, s1;
	[bflag:$0x2] =	sbarrier.arrive $0xFFFF  }
0x35: {  	[sflag:s0] =	ssyncadd.tile.s32 @!p0 $0x1;
	_ =	shalt  }
.Lfunc_end2:
_tile_overlayer_lowered:
.L_overlay_start_2:
0x36: {  	(tag) =	ssettag $0x2  }
0x37: {  	s0 =	rddreg [dreg:$0x0];
	s2 =	stileid.u32  }
0x38: {  	s1 =	rddreg [dreg:$0x1];
	p0 =	sne.s32 s2, $0x0  }
0x39: {  	s3 =	rddreg [dreg:$0x2];
	[bflag:$0x3] =	sbarrier.arrive $0xFFFF;
	s2 =	simm.s32 @!p0 $0x1C05  }
0x3a: {  	[timem:s3], [sflag:s2] =	dma.local @!p0 [hbm:s0], s1  }
0x3b: {  	s0 =	simm.s32 @!p0 $0x5  }
0x3c: {  	_ =	swait.ge @!p0 [sflag:s0], s1  }
0x3d: {  	s1 =	ssub.s32 @!p0 $0x0, s1;
	[sflag:s0] =	ssyncset.done @!p0 $0x0  }
0x3e: {  	[sflag:s0] =	ssyncadd.s32 @!p0 s1  }
0x3f: {  	[bflag:$0x3] =	sbarrier.arrive $0xFFFF  }
0x40: {  	_ =	shalt  }

// kernel: kernel.47.cloned.1.call-start
scs
__scs_entry_jumppad:
0x0: {  	(pc) =	sbr.rel $0x88, $3  }
0x1: {  	(tag) =	ssettag $0x0;
	lr =	simm.s32 $0x1  }
0x2: {  	[smem:$0x3F9F] =	sst lr;
	_ =	strace $0xD0000000  }
0x3: {  	_ = 	snop  }
0x4: {  	_ = 	snop  }
0x5: {  	_ = 	snop  }
0x6: {  	_ = 	snop  }
0x7: {  	_ = 	snop  }
__scs_overlays_trampoline_lowered:
0x8: {  	[smem:$0x3FAE] =	sst s0  }
0x9: {  	[smem:$0x3FAF] =	sst s1  }
0xa: {  	[smem:$0x3FB0] =	sst s2  }
0xb: {  	[smem:$0x3FB1] =	sst s3  }
0xc: {  	[smem:$0x3FB2] =	sst s4  }
0xd: {  	[smem:$0x3FB3] =	sst s5  }
0xe: {  	[smem:$0x3FB4] =	sst s6  }
0xf: {  	[smem:$0x3FB5] =	sst s7  }
0x10: {  	[smem:$0x3FB6] =	sst s8  }
0x11: {  	[smem:$0x3FB7] =	sst s9;
	s0 =	simm.s32 @!p0 $0x0  }
0x12: {  	s1 =	sld [smem:$0x3F9D];
	s0 =	simm.s32 @p0 $0x1  }
0x13: {  	[smem:$0x3FB8] =	sst s0;
	s0 =	simm.s32 @!p1 $0x0  }
0x14: {  	s2 =	sld [smem:$0x3F9C];
	s0 =	simm.s32 @p1 $0x1  }
0x15: {  	[smem:$0x3FB9] =	sst s0;
	s0 =	simm.s32 @!p2 $0x0  }
0x16: {  	s3 =	sld [smem:$0x3FDB];
	s0 =	simm.s32 @p2 $0x1  }
0x17: {  	s4 =	simm.s32 $0x1BF5;
	[smem:$0x3FBB] =	sst s0  }
0x18: {  	s0 =	sld [smem:$0x3F9E];
	_ =	swait.ge [sflag:s4], $0x0  }
0x19: {  	s7 =	sld [smem:$0x3F9F]  }
0x1a: {  	s8 =	sadd.s32 $0xFFFFE003, lr  }
0x1b: {  	s9 =	sadd.s32 $0xFFFFFEF7, lr;
	s5 =	simm.s32 $0xFFFFFFFF;
	p2 =	slt.u32 s8, $0xFFFFF086  }
0x1c: {  	p1 =	slt.u32 s9, $0xF7A;
	s5 =	simm.s32 @!p2 $0x0  }
0x1d: {  	s5 =	simm.s32 @p1 $0x1;
	p0 =	seq.s32 s7, s2  }
0x1e: {  	s7 =	smul.u32 @!p0 $0xF7A, s2;
	p2 =	seq.s32 @!p0 s5, $0x0  }
0x1f: {  	s9 =	smul.u32 $0xF7A, s1;
	s8 =	simm.s32 @!p0 $0x1BF5;
	p2 =	por !p2, p0  }
0x20: {  	[sflag:s8] =	ssyncset.s32 @!p0 $0xFFFFF086;
	s6 =	sadd.s32 @!p0 s3, s7;
	s7 =	simm.s32 @!p0 $0x108  }
0x21: {  	s3 =	sadd.s32 s3, s9;
	s6 =	sadd.s32 @!p0 $0x88, s6;
	s7 =	simm.s32 @p2 $0x1082  }
0x22: {  	[simem:s7], [sflag:s8] =	dma.local @!p0 [hbm:s6], $0xF7A  }
0x23: {  	s9 =	sor.u32 $0xD0000000, s2;
	s6 =	simm.s32 $0x108;
	_ =	swait.ge @!p0 [sflag:s8], $0x0  }
0x24: {  	s3 =	sadd.s32 $0x88, s3;
	s6 =	simm.s32 @!p1 $0x1082;
	[sflag:s4] =	ssyncset.s32 $0xFFFFF086  }
0x25: {  	[simem:s6], [sflag:s4] =	dma.local [hbm:s3], $0xF7A  }
0x26: {  	[smem:$0x3F9F] =	sst s1;
	(tag) =	ssettag s2;
	_ =	strace s9  }
0x27: {  	s1 =	sld [smem:$0x3FAF]  }
0x28: {  	s2 =	sld [smem:$0x3FB0]  }
0x29: {  	s4 =	sld [smem:$0x3FB2]  }
0x2a: {  	p0 =	seq.s32 s5, $0x0;
	s5 =	sld [smem:$0x3FB3]  }
0x2b: {  	s6 =	sld [smem:$0x3FB4]  }
0x2c: {  	s7 =	sld [smem:$0x3FB5]  }
0x2d: {  	s3 =	simm.s32 $0x108;
	s8 =	sld [smem:$0x3FB6]  }
0x2e: {  	s3 =	simm.s32 @!p0 $0x1082;
	s9 =	sld [smem:$0x3FB7]  }
0x2f: {  	lr =	sadd.s32 s0, s3;
	s0 =	sld [smem:$0x3FAE]  }
0x30: {  	s3 =	sld [smem:$0x3FB1]  }
0x31: {  	[smem:$0x3FBA] =	sst s10  }
0x32: {  	s10 =	sld [smem:$0x3FB8];
	_ =	sdelay $0x3  }
0x33: {  	p0 =	seq.s32 s10, $0x1;
	s10 =	sld [smem:$0x3FBA];
	_ =	sdelay $0x3  }
0x34: {  	[smem:$0x3FBA] =	sst s10  }
0x35: {  	s10 =	sld [smem:$0x3FB9];
	_ =	sdelay $0x3  }
0x36: {  	p1 =	seq.s32 s10, $0x1;
	s10 =	sld [smem:$0x3FBA];
	_ =	sdelay $0x3  }
0x37: {  	[smem:$0x3FBA] =	sst s10  }
0x38: {  	s10 =	sld [smem:$0x3FBB]  }
0x39: {  	_ = 	snop;
	(pc) =	sbr.ind lr, $3  }
0x3a: {  	_ = 	snop  }
0x3b: {  	_ = 	snop  }
0x3c: {  	p2 =	seq.s32 s10, $0x1;
	s10 =	sld [smem:$0x3FBA]  }
0x3d: {  	_ =	shalt  }
0x3e: {  	_ =	shalt  }
0x3f: {  	_ =	shalt  }
0x40: {  	_ =	shalt  }
0x41: {  	_ =	shalt  }
0x42: {  	_ =	shalt  }
0x43: {  	_ =	shalt  }
0x44: {  	_ =	shalt  }
0x45: {  	_ =	shalt  }
0x46: {  	_ =	shalt  }
0x47: {  	_ =	shalt  }
0x48: {  	_ =	shalt  }
0x49: {  	_ =	shalt  }
0x4a: {  	_ =	shalt  }
0x4b: {  	_ =	shalt  }
0x4c: {  	_ =	shalt  }
0x4d: {  	_ =	shalt  }
0x4e: {  	_ =	shalt  }
0x4f: {  	_ =	shalt  }
0x50: {  	_ =	shalt  }
0x51: {  	_ =	shalt  }
0x52: {  	_ =	shalt  }
0x53: {  	_ =	shalt  }
0x54: {  	_ =	shalt  }
0x55: {  	_ =	shalt  }
0x56: {  	_ =	shalt  }
0x57: {  	_ =	shalt  }
0x58: {  	_ =	shalt  }
0x59: {  	_ =	shalt  }
0x5a: {  	_ =	shalt  }
0x5b: {  	_ =	shalt  }
0x5c: {  	_ =	shalt  }
0x5d: {  	_ =	shalt  }
0x5e: {  	_ =	shalt  }
0x5f: {  	_ =	shalt  }
0x60: {  	_ =	shalt  }
0x61: {  	_ =	shalt  }
0x62: {  	_ =	shalt  }
0x63: {  	_ =	shalt  }
0x64: {  	_ =	shalt  }
0x65: {  	_ =	shalt  }
0x66: {  	_ =	shalt  }
0x67: {  	_ =	shalt  }
0x68: {  	_ =	shalt  }
0x69: {  	_ =	shalt  }
0x6a: {  	_ =	shalt  }
0x6b: {  	_ =	shalt  }
0x6c: {  	_ =	shalt  }
0x6d: {  	_ =	shalt  }
0x6e: {  	_ =	shalt  }
0x6f: {  	_ =	shalt  }
0x70: {  	_ =	shalt  }
0x71: {  	_ =	shalt  }
0x72: {  	_ =	shalt  }
0x73: {  	_ =	shalt  }
0x74: {  	_ =	shalt  }
0x75: {  	_ =	shalt  }
0x76: {  	_ =	shalt  }
0x77: {  	_ =	shalt  }
0x78: {  	_ =	shalt  }
0x79: {  	_ =	shalt  }
0x7a: {  	_ =	shalt  }
0x7b: {  	_ =	shalt  }
0x7c: {  	_ =	shalt  }
0x7d: {  	_ =	shalt  }
0x7e: {  	_ =	shalt  }
0x7f: {  	_ =	shalt  }
0x80: {  	_ =	shalt  }
0x81: {  	_ =	shalt  }
0x82: {  	_ =	shalt  }
0x83: {  	_ =	shalt  }
0x84: {  	_ =	shalt  }
0x85: {  	_ =	shalt  }
0x86: {  	_ =	shalt  }
0x87: {  	_ =	shalt  }
.Lfunc_end0:
.L_simem_size_0:
called_computation.7_lowered:
.L_overlay_start_0:
0x88: {  	s2 =	sld [smem:$0x3FD9]  }
0x89: {  	s3 =	sld [smem:$0x3FFE];
	_ =	sdelay $0x1  }
0x8a: {  	s1 =	srdreg.scid  }
0x8b: {  	s0 =	sand.u32 $0x1, s1  }
0x8c: {  	s16 =	sshll.u32 s0, $0xA;
	s2 =	sadd.s32 s3, s2  }
0x8d: {  	s2 =	sadd.s32 s2, s16  }
0x8e: {  	[smem:$0x3FC6] =	sst s2  }
0x8f: {  	_ = 	snop  }
0x90: {  	(tm) =	ssettm $0x1  }
0x91: {  	s17 =	sld [smem:$0x3FFB];
	_ =	sdelay $0x3  }
0x92: {  	_ =	strace s17  }
0x93: {  	s2 =	sld [smem:$0x3FFC];
	_ =	sdelay $0x3  }
0x94: {  	_ =	strace s2  }
0x95: {  	s2 =	sld [smem:$0x3FFD];
	_ =	sdelay $0x3  }
0x96: {  	_ =	strace s2  }
0x97: {  	_ =	strace $0x8FFFFFFF  }
0x98: {  	s18 =	sld [smem:$0x3FDB];
	_ =	sdelay $0x1  }
0x99: {  	s19 =	simm.s32 $_scs_section_size  }
0x9a: {  	s4 =	simm.s32 $_size__tile_overlayer_lowered;
	s5 =	simm.s32 $_tile_overlayer_lowered  }
0x9b: {  	s22 =	simm.s32 $0x1BFF;
	s21 =	sshll.u32 s5, $0x1;
	s2 =	sadd.s32 s19, s18  }
0x9c: {  	s6 =	simm.s32 $0x0;
	s20 =	sshll.u32 s4, $0x1;
	s4 =	sadd.s32 s21, s2  }
0x9d: {  	[timem:s6], [sflag:s22] =	dma.local [hbm:s4], s20  }
0x9e: {  	_ =	swait.ge [sflag:s22], s20  }
0x9f: {  	s3 =	ssub.s32 $0x0, s20;
	[sflag:s22] =	ssyncset.done $0x0  }
0xa0: {  	[sflag:s22] =	ssyncadd.s32 s3;
	_ =	sdelay $0x1  }
0xa1: {  	s23 =	simm.s32 $0x1B8B  }
0xa2: {  	_ =	swait.ge [sflag:s23], $0x1  }
0xa3: {  	[sflag:s23] =	ssyncset.done $0x0  }
0xa4: {  	s25 =	simm.s32 $0x1B8E;
	s24 =	sld [smem:$0x3FFE];
	[sflag:s23] =	ssyncadd.s32 $0xFFFFFFFF  }
0xa5: {  	s26 =	simm.s32 $execute0_lowered;
	[smem:$0x3FD2] =	sst s25  }
0xa6: {  	s4 =	sshll.u32 s26, $0x1;
	_ =	strace $0x80000046;
	[dreg:$0x1] =	wrdreg $0xFFFFFFFF  }
0xa7: {  	s28 =	simm.s32 $_size_execute0_lowered;
	s2 =	sadd.s32 s2, s4;
	[dreg:$0x0] =	wrdreg $0x0  }
0xa8: {  	s4 =	sshll.u32 s28, $0x1;
	[dreg:$0x2] =	wrdreg s2  }
0xa9: {  	[dreg:$0x3] =	wrdreg s4  }
0xaa: {  	[dreg:$0x4] =	wrdreg $0xC0  }
0xab: {  	_ =	task [dreg:s6], $0x5FFFF  }
0xac: {  	[dreg:$0x1] =	wrdreg $0xFFFFFFFF  }
0xad: {  	[dreg:$0x0] =	wrdreg $0x60  }
0xae: {  	[dreg:$0x2] =	wrdreg s24  }
0xaf: {  	[dreg:$0x3] =	wrdreg $0x10  }
0xb0: {  	_ =	task.clear_ibuf [dreg:s6], $0x4FFFF;
	_ =	strace $0x90000046  }
0xb1: {  	s29 =	simm.s32 $0x10;
	_ =	strace $0x80000048  }
0xb2: {  	_ =	swait.ge [sflag:s29], $0x1  }
0xb3: {  	[sflag:s29] =	ssyncadd.s32 $0xFFFFFFFF  }
0xb4: {  	_ =	strace $0x90000048  }
0xb5: {  	_ =	sfence  }
0xb6: {  	s30 =	sld [smem:$0x0];
	_ =	sdelay $0x2  }
0xb7: {  	s31 =	sshll.u32 s1, $0xD;
	s1 =	sshrl.u32 s1, $0x2  }
0xb8: {  	s3 =	sand.u32 $0x4000, s31;
	s1 =	sadd.s32 s1, s30  }
0xb9: {  	s0 =	sor.u32 s3, s0;
	s1 =	sshll.u32 s1, $0x11  }
0xba: {  	s0 =	sor.u32 s1, s0  }
0xbb: {  	s0 =	sadd.s32 $0x8F2B, s0  }
0xbc: {  	[sflag:s0] =	ssyncadd.remote.s32 $0x1  }
0xbd: {  	_ =	sfence.sel $0xFFFF  }
0xbe: {  	[dreg:$0x0] =	wrdreg $0xFFFFFFFF;
	(pc) =	sbr.abs _section_cstart, $3  }
0xbf: {  	[dreg:$0x1] =	wrdreg $0xFFFFFFFF  }
0xc0: {  	_ =	task.clear_ibuf [dreg:s6], $0x2FFFF;
	_ =	strace $0x9FFFFFFF  }
0xc1: {  	(tm) =	ssettm $0x7FFFFFFF  }
tec
execute0_lowered:
.L_overlay_start_1:
0x0: {  	(tag) =	ssettag $0x1  }
0x1: {  	s1 =	srdreg.scid;
	s0 =	stileid.u32  }
0x2: {  	s12 =	sand.u32 $0x1, s1;
	s31 =	sshll.u32 s0, $0x1  }
0x3: {  	s11 =	sor.u32 s12, s31  }
0x4: {  	s10 =	rddreg [dreg:$0x0];
	s2 =	simm.s32 $0x0;
	s3 =	sshll.u32 s11, $0x5  }
0x5: {  	s4 =	simm.s32 $0x5;
	[smem:$0x7FF] =	sst s2;
	s3 =	sadd.s32 s3, s10  }
0x6: {  	s1 =	rddreg [dreg:$0x1];
	_ =	strace $0x80000047;
	s3 =	sadd.s32 $0x39800, s3  }
0x7: {  	[tilespmem:s2], [sflag:$0x5] =	stream.linear.gather [hbm4b:s3+s2], $0x100, $0x38;
	[tilespmem:$0x8100] =	vst v63  }
0x8: {  	_ =	swait.ge [sflag:s4], $0x100  }
0x9: {  	s6 =	simm.s32 $0x80;
	[sflag:s4] =	ssyncset.done $0x0  }
0xa: {  	s7 =	simm.s32 $0x100;
	s5 =	sadd.s32 $0x39C00, s10;
	[sflag:s4] =	ssyncadd.s32 $0xFFFFFF00  }
0xb: {  	[tilespmem:s7], [sflag:$0x1] =	stream.indirect.gather [hbm4b:s5+s6], $0x80, s2, s6, $0xb8;
	[tilespmem:$0x8100] =	vst v63  }
0xc: {  	s8 =	simm.s32 $0x4100;
	s9 =	simm.s32 $0x1  }
0xd: {  	[tilespmem:s8], [sflag:$0x2] =	stream.indirect.gather [hbm4b:s5+s6], $0x80, s6, s6, $0xb8;
	[tilespmem:$0x8100] =	vst v63  }
0xe: {  	s14 =	ssub.s32 $0x2, s12;
	s11 =	sshll.u32 s11, $0xC;
	_ =	swait.ge [sflag:s9], $0x4000  }
0xf: {  	s15 =	sshrl.u32 s14, $0x1;
	s13 =	sadd.s32 s11, s10;
	[sflag:s9] =	ssyncset.done $0x0  }
0x10: {  	s11 =	simm.s32 $0x2;
	s10 =	sadd.s32 $0xB9C00, s13;
	[sflag:s9] =	ssyncadd.s32 $0xFFFFC000  }
0x11: {  	[hbm4b:s10+s2] =	stream.linear.scatter [tilespmem:s7], [sflag:$0x3], $0x4000, $0x38;
	[tilespmem:$0x8100] =	vst v63  }
0x12: {  	s14 =	ssub.s32 s14, s15;
	_ =	swait.ge [sflag:s11], $0x4000  }
0x13: {  	s12 =	sadd.s32 $0xBA400, s13;
	s15 =	smax.u32 s14, $0x1;
	[sflag:s11] =	ssyncset.done $0x0  }
0x14: {  	s13 =	simm.s32 $0x3;
	p0 =	sne.s32 s15, $0x1;
	[sflag:s11] =	ssyncadd.s32 $0xFFFFC000  }
0x15: {  	[hbm4b:s12+s2] =	stream.linear.scatter [tilespmem:s8], [sflag:$0x4], $0x4000, $0x38;
	[tilespmem:$0x8100] =	vst v63  }
.Ltmp0:
0x16: {  	_ =	swait.ge [sflag:s13], $0x4000;
	(pc) =	sbr.rel @!p0 .LBB2_2-.Ltmp0, $4  }
0x17: {  	[sflag:s13] =	ssyncset.done $0x0  }
0x18: {  	s14 =	simm.s32 $0x4;
	[sflag:s13] =	ssyncadd.s32 $0xFFFFC000  }
0x19: {  	_ =	swait.ge [sflag:s14], $0x4000  }
0x1a: {  	s15 =	sadd.s32 $0xFFFFFFFF, s15;
	[sflag:s14] =	ssyncset.done $0x0  }
.LBB2_1:
0x1b: {  	p0 =	sne.s32 s15, $0x1;
	s15 =	sadd.s32 $0xFFFFFFFF, s15;
	[sflag:s14] =	ssyncadd.s32 $0xFFFFC000  }
0x1c: {  	[tilespmem:s2], [sflag:$0x5] =	stream.linear.gather [hbm4b:s3+s2], $0x100, $0x38;
	[tilespmem:$0x8100] =	vst v63  }
0x1d: {  	_ =	swait.ge [sflag:s4], $0x100  }
0x1e: {  	[sflag:s4] =	ssyncset.done $0x0  }
0x1f: {  	[sflag:s4] =	ssyncadd.s32 $0xFFFFFF00  }
0x20: {  	[tilespmem:s7], [sflag:$0x1] =	stream.indirect.gather [hbm4b:s5+s6], $0x80, s2, s6, $0xb8;
	[tilespmem:$0x8100] =	vst v63  }
0x21: {  	_ = 	snop  }
0x22: {  	[tilespmem:s8], [sflag:$0x2] =	stream.indirect.gather [hbm4b:s5+s6], $0x80, s6, s6, $0xb8;
	[tilespmem:$0x8100] =	vst v63  }
0x23: {  	_ =	swait.ge [sflag:s9], $0x4000  }
0x24: {  	[sflag:s9] =	ssyncset.done $0x0  }
0x25: {  	[sflag:s9] =	ssyncadd.s32 $0xFFFFC000  }
0x26: {  	[hbm4b:s10+s2] =	stream.linear.scatter [tilespmem:s7], [sflag:$0x3], $0x4000, $0x38;
	[tilespmem:$0x8100] =	vst v63  }
0x27: {  	_ =	swait.ge [sflag:s11], $0x4000  }
0x28: {  	[sflag:s11] =	ssyncset.done $0x0  }
0x29: {  	[sflag:s11] =	ssyncadd.s32 $0xFFFFC000  }
0x2a: {  	[hbm4b:s12+s2] =	stream.linear.scatter [tilespmem:s8], [sflag:$0x4], $0x4000, $0x38;
	[tilespmem:$0x8100] =	vst v63  }
.Ltmp1:
0x2b: {  	_ =	swait.ge [sflag:s13], $0x4000;
	(pc) =	sbr.rel @p0 .LBB2_1-.Ltmp1, $4  }
0x2c: {  	[sflag:s13] =	ssyncset.done $0x0  }
0x2d: {  	[sflag:s13] =	ssyncadd.s32 $0xFFFFC000  }
0x2e: {  	_ =	swait.ge [sflag:s14], $0x4000  }
0x2f: {  	[sflag:s14] =	ssyncset.done $0x0  }
.LBB2_2:
0x30: {  	[sflag:s14] =	ssyncadd.s32 $0xFFFFC000  }
0x31: {  	_ =	sfence.sel $0x180000  }
0x32: {  	[bflag:$0x0] =	sbarrier.arrive $0xFFFF  }
0x33: {  	p0 =	sne.s32 s0, $0x0;
	_ =	strace $0x90000047  }
0x34: {  	s0 =	sadd.s32 @!p0 $0x100000, s1;
	[bflag:$0x2] =	sbarrier.arrive $0xFFFF  }
0x35: {  	[sflag:s0] =	ssyncadd.tile.s32 @!p0 $0x1;
	_ =	shalt  }
.Lfunc_end2:
_tile_overlayer_lowered:
.L_overlay_start_2:
0x36: {  	(tag) =	ssettag $0x2  }
0x37: {  	s0 =	rddreg [dreg:$0x0];
	s2 =	stileid.u32  }
0x38: {  	s1 =	rddreg [dreg:$0x1];
	p0 =	sne.s32 s2, $0x0  }
0x39: {  	s3 =	rddreg [dreg:$0x2];
	[bflag:$0x3] =	sbarrier.arrive $0xFFFF;
	s2 =	simm.s32 @!p0 $0x1C05  }
0x3a: {  	[timem:s3], [sflag:s2] =	dma.local @!p0 [hbm:s0], s1  }
0x3b: {  	s0 =	simm.s32 @!p0 $0x5  }
0x3c: {  	_ =	swait.ge @!p0 [sflag:s0], s1  }
0x3d: {  	s1 =	ssub.s32 @!p0 $0x0, s1;
	[sflag:s0] =	ssyncset.done @!p0 $0x0  }
0x3e: {  	[sflag:s0] =	ssyncadd.s32 @!p0 s1  }
0x3f: {  	[bflag:$0x3] =	sbarrier.arrive $0xFFFF  }
0x40: {  	_ =	shalt  }

</sc_bundles>
